<compile_context>
chip_gen: v7x
topology: tpu7x:2x2x1
jax: 0.10.2.dev20260603
libtpu: 0.0.44.dev20260713+nightly
codegen_flags: <defaults>
</compile_context>

<pallas_src>
import functools
import math

import jax
import jax.numpy as jnp
from jax import lax
from jax.experimental import pallas as pl
from jax.experimental.pallas import tpu as pltpu
from jax.experimental.pallas import tpu_sc as plsc

D = 64
LANES = 16
NW = 32
CH = 128
NBUF = 8
LOOKAHEAD = 6
SCALE = math.sqrt(D)


def kernel(x, table):
    B0, S = x.shape
    B = B0 * S
    n_chunks = B // (NW * CH)
    assert B % (NW * CH) == 0 and n_chunks % NBUF == 0

    idx2d = x.reshape(B // CH, CH).astype(jnp.int32)
    mesh = plsc.VectorSubcoreMesh(core_axis_name="c", subcore_axis_name="s")

    @functools.partial(
        pl.kernel,
        mesh=mesh,
        out_type=jax.ShapeDtypeStruct((B // CH, CH, D), jnp.float32),
        compiler_params=pltpu.CompilerParams(use_tc_tiling_on_sc=False),
        scratch_types=[
            pltpu.VMEM((n_chunks, CH), jnp.int32),
            pltpu.VMEM((NBUF, CH, D), jnp.float32),
            pltpu.SemaphoreType.DMA((NBUF,)),
            pltpu.SemaphoreType.DMA((NBUF,)),
        ],
    )
    def emb_kernel(idx_hbm, table_hbm, out_hbm, idx_v, rows_v, gsem, ssem):
        wid = lax.axis_index("s") * 2 + lax.axis_index("c")
        chunk0 = wid * n_chunks
        pltpu.sync_copy(idx_hbm.at[pl.ds(chunk0, n_chunks)], idx_v)

        for c in range(LOOKAHEAD):
            pltpu.async_copy(
                table_hbm.at[idx_v.at[c]], rows_v.at[c], gsem.at[c])

        def group(g, carry):
            for b in range(NBUF):
                c = g * NBUF + b
                pltpu.make_async_copy(
                    table_hbm.at[pl.ds(0, CH)], rows_v.at[b], gsem.at[b]
                ).wait()

                @plsc.parallel_loop(0, CH, unroll=8)
                def _(r):
                    for j in range(D // LANES):
                        sl = pl.ds(j * LANES, LANES)
                        rows_v[b, r, sl] = rows_v[b, r, sl] * SCALE

                pltpu.async_copy(
                    rows_v.at[b], out_hbm.at[chunk0 + c], ssem.at[b])

                nb = (b + LOOKAHEAD) % NBUF
                nc = c + LOOKAHEAD

                @pl.when(nc < n_chunks)
                def _():
                    @pl.when(c >= NBUF - LOOKAHEAD)
                    def _():
                        pltpu.make_async_copy(
                            table_hbm.at[pl.ds(0, CH)], rows_v.at[nb],
                            ssem.at[nb],
                        ).wait()

                    pltpu.async_copy(
                        table_hbm.at[idx_v.at[nc]], rows_v.at[nb],
                        gsem.at[nb],
                    )
            return carry

        lax.fori_loop(0, n_chunks // NBUF, group, 0)

        for b in range(NBUF):
            pltpu.make_async_copy(
                table_hbm.at[pl.ds(0, CH)], rows_v.at[b], ssem.at[b]
            ).wait()

    out = emb_kernel(idx2d, table)
    return out.reshape(B0, S, D)

# --- scband reference (transcript-rebuilt; emitter-appended) ---
"""Pipeline reference for scband-embeddings-19988777795693 (READ-ONLY COPY).

The authoritative reference and input builder live on the scoring server;
editing this copy changes nothing except your own understanding.
"""

import math
import jax, jax.numpy as jnp
import numpy as np

VOCAB_SIZE = 1000000
RNN_SIZE = 64

def setup_inputs(seed: int = 0) -> dict:
    key = jax.random.key(seed)
    k_idx, k_tab = jax.random.split(key)
    x = jax.random.randint(k_idx, (4096, 200), 0, VOCAB_SIZE, dtype=jnp.int64) if jax.config.jax_enable_x64 else jax.random.randint(k_idx, (4096, 200), 0, VOCAB_SIZE, dtype=jnp.int32)
    table = jax.random.normal(k_tab, (VOCAB_SIZE, RNN_SIZE), dtype=jnp.float32)
    return {"x": x, "table": table}

def reference(x, table):
    # Embeddings.forward: lut(x) * sqrt(rnn_size)
    emb = jnp.take(table, x, axis=0)
    return emb * math.sqrt(RNN_SIZE)

if __name__ == "__main__":
    import jax
    _d = setup_inputs()
    print(jax.jit(kernel)(*tuple(_d.values())))

</pallas_src>

<mosaic_0001>
#map = affine_map<(d0, d1) -> (0, 0)>
#map1 = affine_map<(d0, d1) -> (0, 0, 0)>
module attributes {stable_mosaic.version = 14 : i64} {
  func.func @emb_kernel(%arg0: i32, %arg1: i32, %arg2: memref<6400x128xi32, #tpu.memory_space<hbm>>, %arg3: memref<1000000x64xf32, #tpu.memory_space<hbm>>, %arg4: memref<6400x128x64xf32, #tpu.memory_space<hbm>>, %arg5: memref<200x128xi32, #tpu.memory_space<vmem>>, %arg6: memref<8x128x64xf32, #tpu.memory_space<vmem>>, %arg7: memref<8x!tpu.dma_semaphore, #tpu.memory_space<semaphore_mem>>, %arg8: memref<8x!tpu.dma_semaphore, #tpu.memory_space<semaphore_mem>>) attributes {dimension_semantics = [#tpu.dimension_semantics<core_parallel>, #tpu.dimension_semantics<subcore_parallel>], iteration_bounds = array<i64: 2, 16>, scalar_prefetch = 0 : i64, scratch_operands = 4 : i64, tpu.core_type = #tpu.core_type<sc_vector_subcore>, window_params = [{transform_indices = #map}, {transform_indices = #map}, {transform_indices = #map1}]} {
    %mul3A = arith.constant 2 : i32
    %mul3A_0 = arith.muli %arg1, %mul3A : i32
    %add3A = arith.addi %mul3A_0, %arg0 : i32
    %mul3A_1 = arith.constant 200 : i32
    %mul3A_2 = arith.muli %add3A, %mul3A_1 : i32
    "tpu.region"() ({
      %run_scoped3A = tpu.sem_alloc : memref<!tpu.dma_semaphore, #tpu.memory_space<semaphore_mem>>
      %dma_start3A_240 = arith.constant 0 : i32
      %dma_start3A_241 = tpu.memref_slice %arg2[%mul3A_2, %dma_start3A_240] : memref<6400x128xi32, #tpu.memory_space<hbm>> -> memref<200x128xi32, #tpu.memory_space<hbm>>
      %dma_start3A_242 = arith.constant 0 : i32
      %dma_start3A_243 = tpu.memref_slice %arg2[%mul3A_2, %dma_start3A_242] : memref<6400x128xi32, #tpu.memory_space<hbm>> -> memref<200x128xi32, #tpu.memory_space<hbm>>
      tpu.enqueue_dma source(%dma_start3A_243 : memref<200x128xi32, #tpu.memory_space<hbm>>) target(%arg5 : memref<200x128xi32, #tpu.memory_space<vmem>>) target_semaphore(%run_scoped3A : memref<!tpu.dma_semaphore, #tpu.memory_space<semaphore_mem>>)
      %dma_wait3A_244 = arith.constant 0 : i32
      %dma_wait3A_245 = tpu.memref_slice %arg2[%mul3A_2, %dma_wait3A_244] : memref<6400x128xi32, #tpu.memory_space<hbm>> -> memref<200x128xi32, #tpu.memory_space<hbm>>
      %dma_wait3A_246 = arith.constant 0 : i32
      %dma_wait3A_247 = tpu.memref_slice %arg2[%mul3A_2, %dma_wait3A_246] : memref<6400x128xi32, #tpu.memory_space<hbm>> -> memref<200x128xi32, #tpu.memory_space<hbm>>
      tpu.wait_dma2 semaphore(%run_scoped3A : memref<!tpu.dma_semaphore, #tpu.memory_space<semaphore_mem>>) src(%dma_wait3A_247 : memref<200x128xi32, #tpu.memory_space<hbm>>) dst(%arg5 : memref<200x128xi32, #tpu.memory_space<vmem>>)
      tpu.yield
    }) : () -> ()
    %dma_start3A = arith.constant 0 : i32
    %dma_start3A_3 = arith.constant 0 : i32
    %dma_start3A_4 = arith.constant 0 : i32
    %dma_start3A_5 = arith.constant 0 : i32
    %dma_start3A_6 = arith.constant 0 : i32
    %dma_start3A_7 = tpu.memref_slice %arg6[%dma_start3A_3, %dma_start3A_5, %dma_start3A_6] : memref<8x128x64xf32, #tpu.memory_space<vmem>> -> memref<1x128x64xf32, #tpu.memory_space<vmem>>
    %dma_start3A_8 = tpu.memref_squeeze %dma_start3A_7 : memref<1x128x64xf32, #tpu.memory_space<vmem>> -> memref<128x64xf32, #tpu.memory_space<vmem>>
    %dma_start3A_9 = arith.constant 0 : i32
    %dma_start3A_10 = tpu.memref_slice %arg5[%dma_start3A, %dma_start3A_9] : memref<200x128xi32, #tpu.memory_space<vmem>> -> memref<1x128xi32, #tpu.memory_space<vmem>>
    %dma_start3A_11 = tpu.memref_squeeze %dma_start3A_10 : memref<1x128xi32, #tpu.memory_space<vmem>> -> memref<128xi32, #tpu.memory_space<vmem>>
    %dma_start3A_12 = arith.constant 0 : i32
    %dma_start3A_13 = arith.constant 0 : i32
    %dma_start3A_14 = tpu.memref_slice %arg3[%dma_start3A_12, %dma_start3A_13] : memref<1000000x64xf32, #tpu.memory_space<hbm>> -> memref<1000000x64xf32, #tpu.memory_space<hbm>>
    %dma_start3A_15 = tpu.memref_slice %arg7[%dma_start3A_4] : memref<8x!tpu.dma_semaphore, #tpu.memory_space<semaphore_mem>> -> memref<1x!tpu.dma_semaphore, #tpu.memory_space<semaphore_mem>>
    %dma_start3A_16 = tpu.memref_squeeze %dma_start3A_15 : memref<1x!tpu.dma_semaphore, #tpu.memory_space<semaphore_mem>> -> memref<!tpu.dma_semaphore, #tpu.memory_space<semaphore_mem>>
    tpu.enqueue_indirect_dma source(%dma_start3A_14 : memref<1000000x64xf32, #tpu.memory_space<hbm>>) target(%dma_start3A_8 : memref<128x64xf32, #tpu.memory_space<vmem>>) offsets(%dma_start3A_11 : memref<128xi32, #tpu.memory_space<vmem>>) semaphore(%dma_start3A_16 : memref<!tpu.dma_semaphore, #tpu.memory_space<semaphore_mem>>)
    %dma_start3A_17 = arith.constant 1 : i32
    %dma_start3A_18 = arith.constant 1 : i32
    %dma_start3A_19 = arith.constant 1 : i32
    %dma_start3A_20 = arith.constant 0 : i32
    %dma_start3A_21 = arith.constant 0 : i32
    %dma_start3A_22 = tpu.memref_slice %arg6[%dma_start3A_18, %dma_start3A_20, %dma_start3A_21] : memref<8x128x64xf32, #tpu.memory_space<vmem>> -> memref<1x128x64xf32, #tpu.memory_space<vmem>>
    %dma_start3A_23 = tpu.memref_squeeze %dma_start3A_22 : memref<1x128x64xf32, #tpu.memory_space<vmem>> -> memref<128x64xf32, #tpu.memory_space<vmem>>
    %dma_start3A_24 = arith.constant 0 : i32
    %dma_start3A_25 = tpu.memref_slice %arg5[%dma_start3A_17, %dma_start3A_24] : memref<200x128xi32, #tpu.memory_space<vmem>> -> memref<1x128xi32, #tpu.memory_space<vmem>>
    %dma_start3A_26 = tpu.memref_squeeze %dma_start3A_25 : memref<1x128xi32, #tpu.memory_space<vmem>> -> memref<128xi32, #tpu.memory_space<vmem>>
    %dma_start3A_27 = arith.constant 0 : i32
    %dma_start3A_28 = arith.constant 0 : i32
    %dma_start3A_29 = tpu.memref_slice %arg3[%dma_start3A_27, %dma_start3A_28] : memref<1000000x64xf32, #tpu.memory_space<hbm>> -> memref<1000000x64xf32, #tpu.memory_space<hbm>>
    %dma_start3A_30 = tpu.memref_slice %arg7[%dma_start3A_19] : memref<8x!tpu.dma_semaphore, #tpu.memory_space<semaphore_mem>> -> memref<1x!tpu.dma_semaphore, #tpu.memory_space<semaphore_mem>>
    %dma_start3A_31 = tpu.memref_squeeze %dma_start3A_30 : memref<1x!tpu.dma_semaphore, #tpu.memory_space<semaphore_mem>> -> memref<!tpu.dma_semaphore, #tpu.memory_space<semaphore_mem>>
    tpu.enqueue_indirect_dma source(%dma_start3A_29 : memref<1000000x64xf32, #tpu.memory_space<hbm>>) target(%dma_start3A_23 : memref<128x64xf32, #tpu.memory_space<vmem>>) offsets(%dma_start3A_26 : memref<128xi32, #tpu.memory_space<vmem>>) semaphore(%dma_start3A_31 : memref<!tpu.dma_semaphore, #tpu.memory_space<semaphore_mem>>)
    %dma_start3A_32 = arith.constant 2 : i32
    %dma_start3A_33 = arith.constant 2 : i32
    %dma_start3A_34 = arith.constant 2 : i32
    %dma_start3A_35 = arith.constant 0 : i32
    %dma_start3A_36 = arith.constant 0 : i32
    %dma_start3A_37 = tpu.memref_slice %arg6[%dma_start3A_33, %dma_start3A_35, %dma_start3A_36] : memref<8x128x64xf32, #tpu.memory_space<vmem>> -> memref<1x128x64xf32, #tpu.memory_space<vmem>>
    %dma_start3A_38 = tpu.memref_squeeze %dma_start3A_37 : memref<1x128x64xf32, #tpu.memory_space<vmem>> -> memref<128x64xf32, #tpu.memory_space<vmem>>
    %dma_start3A_39 = arith.constant 0 : i32
    %dma_start3A_40 = tpu.memref_slice %arg5[%dma_start3A_32, %dma_start3A_39] : memref<200x128xi32, #tpu.memory_space<vmem>> -> memref<1x128xi32, #tpu.memory_space<vmem>>
    %dma_start3A_41 = tpu.memref_squeeze %dma_start3A_40 : memref<1x128xi32, #tpu.memory_space<vmem>> -> memref<128xi32, #tpu.memory_space<vmem>>
    %dma_start3A_42 = arith.constant 0 : i32
    %dma_start3A_43 = arith.constant 0 : i32
    %dma_start3A_44 = tpu.memref_slice %arg3[%dma_start3A_42, %dma_start3A_43] : memref<1000000x64xf32, #tpu.memory_space<hbm>> -> memref<1000000x64xf32, #tpu.memory_space<hbm>>
    %dma_start3A_45 = tpu.memref_slice %arg7[%dma_start3A_34] : memref<8x!tpu.dma_semaphore, #tpu.memory_space<semaphore_mem>> -> memref<1x!tpu.dma_semaphore, #tpu.memory_space<semaphore_mem>>
    %dma_start3A_46 = tpu.memref_squeeze %dma_start3A_45 : memref<1x!tpu.dma_semaphore, #tpu.memory_space<semaphore_mem>> -> memref<!tpu.dma_semaphore, #tpu.memory_space<semaphore_mem>>
    tpu.enqueue_indirect_dma source(%dma_start3A_44 : memref<1000000x64xf32, #tpu.memory_space<hbm>>) target(%dma_start3A_38 : memref<128x64xf32, #tpu.memory_space<vmem>>) offsets(%dma_start3A_41 : memref<128xi32, #tpu.memory_space<vmem>>) semaphore(%dma_start3A_46 : memref<!tpu.dma_semaphore, #tpu.memory_space<semaphore_mem>>)
    %dma_start3A_47 = arith.constant 3 : i32
    %dma_start3A_48 = arith.constant 3 : i32
    %dma_start3A_49 = arith.constant 3 : i32
    %dma_start3A_50 = arith.constant 0 : i32
    %dma_start3A_51 = arith.constant 0 : i32
    %dma_start3A_52 = tpu.memref_slice %arg6[%dma_start3A_48, %dma_start3A_50, %dma_start3A_51] : memref<8x128x64xf32, #tpu.memory_space<vmem>> -> memref<1x128x64xf32, #tpu.memory_space<vmem>>
    %dma_start3A_53 = tpu.memref_squeeze %dma_start3A_52 : memref<1x128x64xf32, #tpu.memory_space<vmem>> -> memref<128x64xf32, #tpu.memory_space<vmem>>
    %dma_start3A_54 = arith.constant 0 : i32
    %dma_start3A_55 = tpu.memref_slice %arg5[%dma_start3A_47, %dma_start3A_54] : memref<200x128xi32, #tpu.memory_space<vmem>> -> memref<1x128xi32, #tpu.memory_space<vmem>>
    %dma_start3A_56 = tpu.memref_squeeze %dma_start3A_55 : memref<1x128xi32, #tpu.memory_space<vmem>> -> memref<128xi32, #tpu.memory_space<vmem>>
    %dma_start3A_57 = arith.constant 0 : i32
    %dma_start3A_58 = arith.constant 0 : i32
    %dma_start3A_59 = tpu.memref_slice %arg3[%dma_start3A_57, %dma_start3A_58] : memref<1000000x64xf32, #tpu.memory_space<hbm>> -> memref<1000000x64xf32, #tpu.memory_space<hbm>>
    %dma_start3A_60 = tpu.memref_slice %arg7[%dma_start3A_49] : memref<8x!tpu.dma_semaphore, #tpu.memory_space<semaphore_mem>> -> memref<1x!tpu.dma_semaphore, #tpu.memory_space<semaphore_mem>>
    %dma_start3A_61 = tpu.memref_squeeze %dma_start3A_60 : memref<1x!tpu.dma_semaphore, #tpu.memory_space<semaphore_mem>> -> memref<!tpu.dma_semaphore, #tpu.memory_space<semaphore_mem>>
    tpu.enqueue_indirect_dma source(%dma_start3A_59 : memref<1000000x64xf32, #tpu.memory_space<hbm>>) target(%dma_start3A_53 : memref<128x64xf32, #tpu.memory_space<vmem>>) offsets(%dma_start3A_56 : memref<128xi32, #tpu.memory_space<vmem>>) semaphore(%dma_start3A_61 : memref<!tpu.dma_semaphore, #tpu.memory_space<semaphore_mem>>)
    %dma_start3A_62 = arith.constant 4 : i32
    %dma_start3A_63 = arith.constant 4 : i32
    %dma_start3A_64 = arith.constant 4 : i32
    %dma_start3A_65 = arith.constant 0 : i32
    %dma_start3A_66 = arith.constant 0 : i32
    %dma_start3A_67 = tpu.memref_slice %arg6[%dma_start3A_63, %dma_start3A_65, %dma_start3A_66] : memref<8x128x64xf32, #tpu.memory_space<vmem>> -> memref<1x128x64xf32, #tpu.memory_space<vmem>>
    %dma_start3A_68 = tpu.memref_squeeze %dma_start3A_67 : memref<1x128x64xf32, #tpu.memory_space<vmem>> -> memref<128x64xf32, #tpu.memory_space<vmem>>
    %dma_start3A_69 = arith.constant 0 : i32
    %dma_start3A_70 = tpu.memref_slice %arg5[%dma_start3A_62, %dma_start3A_69] : memref<200x128xi32, #tpu.memory_space<vmem>> -> memref<1x128xi32, #tpu.memory_space<vmem>>
    %dma_start3A_71 = tpu.memref_squeeze %dma_start3A_70 : memref<1x128xi32, #tpu.memory_space<vmem>> -> memref<128xi32, #tpu.memory_space<vmem>>
    %dma_start3A_72 = arith.constant 0 : i32
    %dma_start3A_73 = arith.constant 0 : i32
    %dma_start3A_74 = tpu.memref_slice %arg3[%dma_start3A_72, %dma_start3A_73] : memref<1000000x64xf32, #tpu.memory_space<hbm>> -> memref<1000000x64xf32, #tpu.memory_space<hbm>>
    %dma_start3A_75 = tpu.memref_slice %arg7[%dma_start3A_64] : memref<8x!tpu.dma_semaphore, #tpu.memory_space<semaphore_mem>> -> memref<1x!tpu.dma_semaphore, #tpu.memory_space<semaphore_mem>>
    %dma_start3A_76 = tpu.memref_squeeze %dma_start3A_75 : memref<1x!tpu.dma_semaphore, #tpu.memory_space<semaphore_mem>> -> memref<!tpu.dma_semaphore, #tpu.memory_space<semaphore_mem>>
    tpu.enqueue_indirect_dma source(%dma_start3A_74 : memref<1000000x64xf32, #tpu.memory_space<hbm>>) target(%dma_start3A_68 : memref<128x64xf32, #tpu.memory_space<vmem>>) offsets(%dma_start3A_71 : memref<128xi32, #tpu.memory_space<vmem>>) semaphore(%dma_start3A_76 : memref<!tpu.dma_semaphore, #tpu.memory_space<semaphore_mem>>)
    %dma_start3A_77 = arith.constant 5 : i32
    %dma_start3A_78 = arith.constant 5 : i32
    %dma_start3A_79 = arith.constant 5 : i32
    %dma_start3A_80 = arith.constant 0 : i32
    %dma_start3A_81 = arith.constant 0 : i32
    %dma_start3A_82 = tpu.memref_slice %arg6[%dma_start3A_78, %dma_start3A_80, %dma_start3A_81] : memref<8x128x64xf32, #tpu.memory_space<vmem>> -> memref<1x128x64xf32, #tpu.memory_space<vmem>>
    %dma_start3A_83 = tpu.memref_squeeze %dma_start3A_82 : memref<1x128x64xf32, #tpu.memory_space<vmem>> -> memref<128x64xf32, #tpu.memory_space<vmem>>
    %dma_start3A_84 = arith.constant 0 : i32
    %dma_start3A_85 = tpu.memref_slice %arg5[%dma_start3A_77, %dma_start3A_84] : memref<200x128xi32, #tpu.memory_space<vmem>> -> memref<1x128xi32, #tpu.memory_space<vmem>>
    %dma_start3A_86 = tpu.memref_squeeze %dma_start3A_85 : memref<1x128xi32, #tpu.memory_space<vmem>> -> memref<128xi32, #tpu.memory_space<vmem>>
    %dma_start3A_87 = arith.constant 0 : i32
    %dma_start3A_88 = arith.constant 0 : i32
    %dma_start3A_89 = tpu.memref_slice %arg3[%dma_start3A_87, %dma_start3A_88] : memref<1000000x64xf32, #tpu.memory_space<hbm>> -> memref<1000000x64xf32, #tpu.memory_space<hbm>>
    %dma_start3A_90 = tpu.memref_slice %arg7[%dma_start3A_79] : memref<8x!tpu.dma_semaphore, #tpu.memory_space<semaphore_mem>> -> memref<1x!tpu.dma_semaphore, #tpu.memory_space<semaphore_mem>>
    %dma_start3A_91 = tpu.memref_squeeze %dma_start3A_90 : memref<1x!tpu.dma_semaphore, #tpu.memory_space<semaphore_mem>> -> memref<!tpu.dma_semaphore, #tpu.memory_space<semaphore_mem>>
    tpu.enqueue_indirect_dma source(%dma_start3A_89 : memref<1000000x64xf32, #tpu.memory_space<hbm>>) target(%dma_start3A_83 : memref<128x64xf32, #tpu.memory_space<vmem>>) offsets(%dma_start3A_86 : memref<128xi32, #tpu.memory_space<vmem>>) semaphore(%dma_start3A_91 : memref<!tpu.dma_semaphore, #tpu.memory_space<semaphore_mem>>)
    %scan3A = arith.constant 0 : i32
    %scan3A_92 = arith.constant 0 : i32
    %scan3A_93 = arith.constant 25 : i32
    %scan3A_94 = arith.addi %scan3A_92, %scan3A_93 : i32
    %scan3A_95 = arith.constant 1 : i32
    scf.for %scan3A_240 = %scan3A_92 to %scan3A_94 step %scan3A_95  : i32 {
      %mul3A_241 = arith.constant 8 : i32
      %mul3A_242 = arith.muli %scan3A_240, %mul3A_241 : i32
      %add3A_243 = arith.constant 0 : i32
      %add3A_244 = arith.addi %mul3A_242, %add3A_243 : i32
      %dma_wait3A_245 = arith.constant 0 : i32
      %dma_wait3A_246 = arith.constant 0 : i32
      %dma_wait3A_247 = arith.constant 0 : i32
      %dma_wait3A_248 = arith.constant 0 : i32
      %dma_wait3A_249 = tpu.memref_slice %arg6[%dma_wait3A_245, %dma_wait3A_247, %dma_wait3A_248] : memref<8x128x64xf32, #tpu.memory_space<vmem>> -> memref<1x128x64xf32, #tpu.memory_space<vmem>>
      %dma_wait3A_250 = tpu.memref_squeeze %dma_wait3A_249 : memref<1x128x64xf32, #tpu.memory_space<vmem>> -> memref<128x64xf32, #tpu.memory_space<vmem>>
      %dma_wait3A_251 = arith.constant 0 : i32
      %dma_wait3A_252 = arith.constant 0 : i32
      %dma_wait3A_253 = tpu.memref_slice %arg3[%dma_wait3A_251, %dma_wait3A_252] : memref<1000000x64xf32, #tpu.memory_space<hbm>> -> memref<128x64xf32, #tpu.memory_space<hbm>>
      %dma_wait3A_254 = tpu.memref_slice %arg7[%dma_wait3A_246] : memref<8x!tpu.dma_semaphore, #tpu.memory_space<semaphore_mem>> -> memref<1x!tpu.dma_semaphore, #tpu.memory_space<semaphore_mem>>
      %dma_wait3A_255 = tpu.memref_squeeze %dma_wait3A_254 : memref<1x!tpu.dma_semaphore, #tpu.memory_space<semaphore_mem>> -> memref<!tpu.dma_semaphore, #tpu.memory_space<semaphore_mem>>
      %dma_wait3A_256 = arith.constant 0 : i32
      %dma_wait3A_257 = arith.constant 0 : i32
      %dma_wait3A_258 = tpu.memref_slice %arg6[%dma_wait3A_245, %dma_wait3A_256, %dma_wait3A_257] : memref<8x128x64xf32, #tpu.memory_space<vmem>> -> memref<1x128x64xf32, #tpu.memory_space<vmem>>
      %dma_wait3A_259 = tpu.memref_squeeze %dma_wait3A_258 : memref<1x128x64xf32, #tpu.memory_space<vmem>> -> memref<128x64xf32, #tpu.memory_space<vmem>>
      %dma_wait3A_260 = arith.constant 0 : i32
      %dma_wait3A_261 = arith.constant 0 : i32
      %dma_wait3A_262 = tpu.memref_slice %arg3[%dma_wait3A_260, %dma_wait3A_261] : memref<1000000x64xf32, #tpu.memory_space<hbm>> -> memref<128x64xf32, #tpu.memory_space<hbm>>
      tpu.wait_dma2 semaphore(%dma_wait3A_255 : memref<!tpu.dma_semaphore, #tpu.memory_space<semaphore_mem>>) src(%dma_wait3A_262 : memref<128x64xf32, #tpu.memory_space<hbm>>) dst(%dma_wait3A_259 : memref<128x64xf32, #tpu.memory_space<vmem>>)
      %parallel_loop3A = arith.constant 0 : i32
      %parallel_loop3A_263 = arith.constant 128 : i32
      %parallel_loop3A_264 = arith.constant 1 : i32
      scf.for %parallel_loop3A_661 = %parallel_loop3A to %parallel_loop3A_263 step %parallel_loop3A_264  : i32 {
        %parallel_loop3A_662 = arith.constant 0 : i32
        %parallel_loop3A_663 = arith.index_cast %parallel_loop3A_662 : i32 to index
        %parallel_loop3A_664 = arith.index_cast %parallel_loop3A_661 : i32 to index
        %parallel_loop3A_665 = arith.constant 0 : index
        %parallel_loop3A_666 = tpu.vector_load %arg6[%parallel_loop3A_663, %parallel_loop3A_664, %parallel_loop3A_665] {strides = array<i32>} : memref<8x128x64xf32, #tpu.memory_space<vmem>>, vector<1x1x16xf32>,
        %parallel_loop3A_667 = vector.shape_cast %parallel_loop3A_666 : vector<1x1x16xf32> to vector<16xf32>
        %parallel_loop3A_668 = arith.constant 8.000000e+00 : f32
        %parallel_loop3A_669 = vector.broadcast %parallel_loop3A_668 : f32 to vector<16xf32>
        %parallel_loop3A_670 = arith.mulf %parallel_loop3A_667, %parallel_loop3A_669 : vector<16xf32>
        %parallel_loop3A_671 = arith.constant 0 : i32
        %parallel_loop3A_672 = arith.index_cast %parallel_loop3A_671 : i32 to index
        %parallel_loop3A_673 = arith.index_cast %parallel_loop3A_661 : i32 to index
        %parallel_loop3A_674 = arith.constant 0 : index
        %parallel_loop3A_675 = tpu.vector_load %arg6[%parallel_loop3A_672, %parallel_loop3A_673, %parallel_loop3A_674] {strides = array<i32>} : memref<8x128x64xf32, #tpu.memory_space<vmem>>, vector<1x1x16xf32>,
        %parallel_loop3A_676 = vector.shape_cast %parallel_loop3A_675 : vector<1x1x16xf32> to vector<16xf32>
        %parallel_loop3A_677 = vector.shape_cast %parallel_loop3A_670 : vector<16xf32> to vector<1x1x16xf32>
        tpu.vector_store %arg6[%parallel_loop3A_672, %parallel_loop3A_673, %parallel_loop3A_674], %parallel_loop3A_677 {strides = array<i32>} : memref<8x128x64xf32, #tpu.memory_space<vmem>>, vector<1x1x16xf32>,
        %parallel_loop3A_678 = arith.constant 0 : i32
        %parallel_loop3A_679 = arith.index_cast %parallel_loop3A_678 : i32 to index
        %parallel_loop3A_680 = arith.index_cast %parallel_loop3A_661 : i32 to index
        %parallel_loop3A_681 = arith.constant 16 : index
        %parallel_loop3A_682 = tpu.vector_load %arg6[%parallel_loop3A_679, %parallel_loop3A_680, %parallel_loop3A_681] {strides = array<i32>} : memref<8x128x64xf32, #tpu.memory_space<vmem>>, vector<1x1x16xf32>,
        %parallel_loop3A_683 = vector.shape_cast %parallel_loop3A_682 : vector<1x1x16xf32> to vector<16xf32>
        %parallel_loop3A_684 = arith.constant 8.000000e+00 : f32
        %parallel_loop3A_685 = vector.broadcast %parallel_loop3A_684 : f32 to vector<16xf32>
        %parallel_loop3A_686 = arith.mulf %parallel_loop3A_683, %parallel_loop3A_685 : vector<16xf32>
        %parallel_loop3A_687 = arith.constant 0 : i32
        %parallel_loop3A_688 = arith.index_cast %parallel_loop3A_687 : i32 to index
        %parallel_loop3A_689 = arith.index_cast %parallel_loop3A_661 : i32 to index
        %parallel_loop3A_690 = arith.constant 16 : index
        %parallel_loop3A_691 = tpu.vector_load %arg6[%parallel_loop3A_688, %parallel_loop3A_689, %parallel_loop3A_690] {strides = array<i32>} : memref<8x128x64xf32, #tpu.memory_space<vmem>>, vector<1x1x16xf32>,
        %parallel_loop3A_692 = vector.shape_cast %parallel_loop3A_691 : vector<1x1x16xf32> to vector<16xf32>
        %parallel_loop3A_693 = vector.shape_cast %parallel_loop3A_686 : vector<16xf32> to vector<1x1x16xf32>
        tpu.vector_store %arg6[%parallel_loop3A_688, %parallel_loop3A_689, %parallel_loop3A_690], %parallel_loop3A_693 {strides = array<i32>} : memref<8x128x64xf32, #tpu.memory_space<vmem>>, vector<1x1x16xf32>,
        %parallel_loop3A_694 = arith.constant 0 : i32
        %parallel_loop3A_695 = arith.index_cast %parallel_loop3A_694 : i32 to index
        %parallel_loop3A_696 = arith.index_cast %parallel_loop3A_661 : i32 to index
        %parallel_loop3A_697 = arith.constant 32 : index
        %parallel_loop3A_698 = tpu.vector_load %arg6[%parallel_loop3A_695, %parallel_loop3A_696, %parallel_loop3A_697] {strides = array<i32>} : memref<8x128x64xf32, #tpu.memory_space<vmem>>, vector<1x1x16xf32>,
        %parallel_loop3A_699 = vector.shape_cast %parallel_loop3A_698 : vector<1x1x16xf32> to vector<16xf32>
        %parallel_loop3A_700 = arith.constant 8.000000e+00 : f32
        %parallel_loop3A_701 = vector.broadcast %parallel_loop3A_700 : f32 to vector<16xf32>
        %parallel_loop3A_702 = arith.mulf %parallel_loop3A_699, %parallel_loop3A_701 : vector<16xf32>
        %parallel_loop3A_703 = arith.constant 0 : i32
        %parallel_loop3A_704 = arith.index_cast %parallel_loop3A_703 : i32 to index
        %parallel_loop3A_705 = arith.index_cast %parallel_loop3A_661 : i32 to index
        %parallel_loop3A_706 = arith.constant 32 : index
        %parallel_loop3A_707 = tpu.vector_load %arg6[%parallel_loop3A_704, %parallel_loop3A_705, %parallel_loop3A_706] {strides = array<i32>} : memref<8x128x64xf32, #tpu.memory_space<vmem>>, vector<1x1x16xf32>,
        %parallel_loop3A_708 = vector.shape_cast %parallel_loop3A_707 : vector<1x1x16xf32> to vector<16xf32>
        %parallel_loop3A_709 = vector.shape_cast %parallel_loop3A_702 : vector<16xf32> to vector<1x1x16xf32>
        tpu.vector_store %arg6[%parallel_loop3A_704, %parallel_loop3A_705, %parallel_loop3A_706], %parallel_loop3A_709 {strides = array<i32>} : memref<8x128x64xf32, #tpu.memory_space<vmem>>, vector<1x1x16xf32>,
        %parallel_loop3A_710 = arith.constant 0 : i32
        %parallel_loop3A_711 = arith.index_cast %parallel_loop3A_710 : i32 to index
        %parallel_loop3A_712 = arith.index_cast %parallel_loop3A_661 : i32 to index
        %parallel_loop3A_713 = arith.constant 48 : index
        %parallel_loop3A_714 = tpu.vector_load %arg6[%parallel_loop3A_711, %parallel_loop3A_712, %parallel_loop3A_713] {strides = array<i32>} : memref<8x128x64xf32, #tpu.memory_space<vmem>>, vector<1x1x16xf32>,
        %parallel_loop3A_715 = vector.shape_cast %parallel_loop3A_714 : vector<1x1x16xf32> to vector<16xf32>
        %parallel_loop3A_716 = arith.constant 8.000000e+00 : f32
        %parallel_loop3A_717 = vector.broadcast %parallel_loop3A_716 : f32 to vector<16xf32>
        %parallel_loop3A_718 = arith.mulf %parallel_loop3A_715, %parallel_loop3A_717 : vector<16xf32>
        %parallel_loop3A_719 = arith.constant 0 : i32
        %parallel_loop3A_720 = arith.index_cast %parallel_loop3A_719 : i32 to index
        %parallel_loop3A_721 = arith.index_cast %parallel_loop3A_661 : i32 to index
        %parallel_loop3A_722 = arith.constant 48 : index
        %parallel_loop3A_723 = tpu.vector_load %arg6[%parallel_loop3A_720, %parallel_loop3A_721, %parallel_loop3A_722] {strides = array<i32>} : memref<8x128x64xf32, #tpu.memory_space<vmem>>, vector<1x1x16xf32>,
        %parallel_loop3A_724 = vector.shape_cast %parallel_loop3A_723 : vector<1x1x16xf32> to vector<16xf32>
        %parallel_loop3A_725 = vector.shape_cast %parallel_loop3A_718 : vector<16xf32> to vector<1x1x16xf32>
        tpu.vector_store %arg6[%parallel_loop3A_720, %parallel_loop3A_721, %parallel_loop3A_722], %parallel_loop3A_725 {strides = array<i32>} : memref<8x128x64xf32, #tpu.memory_space<vmem>>, vector<1x1x16xf32>,
      } {sc.loop_unroll_factor = 8 : i64, sc.parallel_access}
      %add3A_265 = arith.addi %mul3A_2, %add3A_244 : i32
      %dma_start3A_266 = arith.constant 0 : i32
      %dma_start3A_267 = arith.constant 0 : i32
      %dma_start3A_268 = arith.constant 0 : i32
      %dma_start3A_269 = arith.constant 0 : i32
      %dma_start3A_270 = tpu.memref_slice %arg6[%dma_start3A_266, %dma_start3A_268, %dma_start3A_269] : memref<8x128x64xf32, #tpu.memory_space<vmem>> -> memref<1x128x64xf32, #tpu.memory_space<vmem>>
      %dma_start3A_271 = tpu.memref_squeeze %dma_start3A_270 : memref<1x128x64xf32, #tpu.memory_space<vmem>> -> memref<128x64xf32, #tpu.memory_space<vmem>>
      %dma_start3A_272 = arith.constant 0 : i32
      %dma_start3A_273 = arith.constant 0 : i32
      %dma_start3A_274 = tpu.memref_slice %arg4[%add3A_265, %dma_start3A_272, %dma_start3A_273] : memref<6400x128x64xf32, #tpu.memory_space<hbm>> -> memref<1x128x64xf32, #tpu.memory_space<hbm>>
      %dma_start3A_275 = tpu.memref_squeeze %dma_start3A_274 : memref<1x128x64xf32, #tpu.memory_space<hbm>> -> memref<128x64xf32, #tpu.memory_space<hbm>>
      %dma_start3A_276 = tpu.memref_slice %arg8[%dma_start3A_267] : memref<8x!tpu.dma_semaphore, #tpu.memory_space<semaphore_mem>> -> memref<1x!tpu.dma_semaphore, #tpu.memory_space<semaphore_mem>>
      %dma_start3A_277 = tpu.memref_squeeze %dma_start3A_276 : memref<1x!tpu.dma_semaphore, #tpu.memory_space<semaphore_mem>> -> memref<!tpu.dma_semaphore, #tpu.memory_space<semaphore_mem>>
      %dma_start3A_278 = arith.constant 0 : i32
      %dma_start3A_279 = arith.constant 0 : i32
      %dma_start3A_280 = tpu.memref_slice %arg4[%add3A_265, %dma_start3A_278, %dma_start3A_279] : memref<6400x128x64xf32, #tpu.memory_space<hbm>> -> memref<1x128x64xf32, #tpu.memory_space<hbm>>
      %dma_start3A_281 = tpu.memref_squeeze %dma_start3A_280 : memref<1x128x64xf32, #tpu.memory_space<hbm>> -> memref<128x64xf32, #tpu.memory_space<hbm>>
      %dma_start3A_282 = arith.constant 0 : i32
      %dma_start3A_283 = arith.constant 0 : i32
      %dma_start3A_284 = tpu.memref_slice %arg6[%dma_start3A_266, %dma_start3A_282, %dma_start3A_283] : memref<8x128x64xf32, #tpu.memory_space<vmem>> -> memref<1x128x64xf32, #tpu.memory_space<vmem>>
      %dma_start3A_285 = tpu.memref_squeeze %dma_start3A_284 : memref<1x128x64xf32, #tpu.memory_space<vmem>> -> memref<128x64xf32, #tpu.memory_space<vmem>>
      tpu.enqueue_dma source(%dma_start3A_285 : memref<128x64xf32, #tpu.memory_space<vmem>>) target(%dma_start3A_281 : memref<128x64xf32, #tpu.memory_space<hbm>>) target_semaphore(%dma_start3A_277 : memref<!tpu.dma_semaphore, #tpu.memory_space<semaphore_mem>>)
      %add3A_286 = arith.constant 6 : i32
      %add3A_287 = arith.addi %add3A_244, %add3A_286 : i32
      %lt3A = arith.constant 200 : i32
      %lt3A_288 = arith.cmpi slt, %add3A_287, %lt3A : i32
      %convert_element_type3A = arith.extui %lt3A_288 : i1 to i32
      %cond3A = arith.constant 0 : i32
      %cond3A_289 = arith.cmpi ne, %convert_element_type3A, %cond3A : i32
      scf.if %cond3A_289 {
        %ge3A = arith.constant 2 : i32
        %ge3A_661 = arith.cmpi sge, %add3A_244, %ge3A : i32
        %convert_element_type3A_662 = arith.extui %ge3A_661 : i1 to i32
        %cond3A_663 = arith.constant 0 : i32
        %cond3A_664 = arith.cmpi ne, %convert_element_type3A_662, %cond3A_663 : i32
        scf.if %cond3A_664 {
          %dma_wait3A_679 = arith.constant 6 : i32
          %dma_wait3A_680 = arith.constant 6 : i32
          %dma_wait3A_681 = arith.constant 0 : i32
          %dma_wait3A_682 = arith.constant 0 : i32
          %dma_wait3A_683 = tpu.memref_slice %arg6[%dma_wait3A_679, %dma_wait3A_681, %dma_wait3A_682] : memref<8x128x64xf32, #tpu.memory_space<vmem>> -> memref<1x128x64xf32, #tpu.memory_space<vmem>>
          %dma_wait3A_684 = tpu.memref_squeeze %dma_wait3A_683 : memref<1x128x64xf32, #tpu.memory_space<vmem>> -> memref<128x64xf32, #tpu.memory_space<vmem>>
          %dma_wait3A_685 = arith.constant 0 : i32
          %dma_wait3A_686 = arith.constant 0 : i32
          %dma_wait3A_687 = tpu.memref_slice %arg3[%dma_wait3A_685, %dma_wait3A_686] : memref<1000000x64xf32, #tpu.memory_space<hbm>> -> memref<128x64xf32, #tpu.memory_space<hbm>>
          %dma_wait3A_688 = tpu.memref_slice %arg8[%dma_wait3A_680] : memref<8x!tpu.dma_semaphore, #tpu.memory_space<semaphore_mem>> -> memref<1x!tpu.dma_semaphore, #tpu.memory_space<semaphore_mem>>
          %dma_wait3A_689 = tpu.memref_squeeze %dma_wait3A_688 : memref<1x!tpu.dma_semaphore, #tpu.memory_space<semaphore_mem>> -> memref<!tpu.dma_semaphore, #tpu.memory_space<semaphore_mem>>
          %dma_wait3A_690 = arith.constant 0 : i32
          %dma_wait3A_691 = arith.constant 0 : i32
          %dma_wait3A_692 = tpu.memref_slice %arg6[%dma_wait3A_679, %dma_wait3A_690, %dma_wait3A_691] : memref<8x128x64xf32, #tpu.memory_space<vmem>> -> memref<1x128x64xf32, #tpu.memory_space<vmem>>
          %dma_wait3A_693 = tpu.memref_squeeze %dma_wait3A_692 : memref<1x128x64xf32, #tpu.memory_space<vmem>> -> memref<128x64xf32, #tpu.memory_space<vmem>>
          %dma_wait3A_694 = arith.constant 0 : i32
          %dma_wait3A_695 = arith.constant 0 : i32
          %dma_wait3A_696 = tpu.memref_slice %arg3[%dma_wait3A_694, %dma_wait3A_695] : memref<1000000x64xf32, #tpu.memory_space<hbm>> -> memref<128x64xf32, #tpu.memory_space<hbm>>
          tpu.wait_dma2 semaphore(%dma_wait3A_689 : memref<!tpu.dma_semaphore, #tpu.memory_space<semaphore_mem>>) src(%dma_wait3A_696 : memref<128x64xf32, #tpu.memory_space<hbm>>) dst(%dma_wait3A_693 : memref<128x64xf32, #tpu.memory_space<vmem>>)
        } else {
        }
        %dma_start3A_665 = arith.constant 6 : i32
        %dma_start3A_666 = arith.constant 6 : i32
        %dma_start3A_667 = arith.constant 0 : i32
        %dma_start3A_668 = arith.constant 0 : i32
        %dma_start3A_669 = tpu.memref_slice %arg6[%dma_start3A_665, %dma_start3A_667, %dma_start3A_668] : memref<8x128x64xf32, #tpu.memory_space<vmem>> -> memref<1x128x64xf32, #tpu.memory_space<vmem>>
        %dma_start3A_670 = tpu.memref_squeeze %dma_start3A_669 : memref<1x128x64xf32, #tpu.memory_space<vmem>> -> memref<128x64xf32, #tpu.memory_space<vmem>>
        %dma_start3A_671 = arith.constant 0 : i32
        %dma_start3A_672 = tpu.memref_slice %arg5[%add3A_287, %dma_start3A_671] : memref<200x128xi32, #tpu.memory_space<vmem>> -> memref<1x128xi32, #tpu.memory_space<vmem>>
        %dma_start3A_673 = tpu.memref_squeeze %dma_start3A_672 : memref<1x128xi32, #tpu.memory_space<vmem>> -> memref<128xi32, #tpu.memory_space<vmem>>
        %dma_start3A_674 = arith.constant 0 : i32
        %dma_start3A_675 = arith.constant 0 : i32
        %dma_start3A_676 = tpu.memref_slice %arg3[%dma_start3A_674, %dma_start3A_675] : memref<1000000x64xf32, #tpu.memory_space<hbm>> -> memref<1000000x64xf32, #tpu.memory_space<hbm>>
        %dma_start3A_677 = tpu.memref_slice %arg7[%dma_start3A_666] : memref<8x!tpu.dma_semaphore, #tpu.memory_space<semaphore_mem>> -> memref<1x!tpu.dma_semaphore, #tpu.memory_space<semaphore_mem>>
        %dma_start3A_678 = tpu.memref_squeeze %dma_start3A_677 : memref<1x!tpu.dma_semaphore, #tpu.memory_space<semaphore_mem>> -> memref<!tpu.dma_semaphore, #tpu.memory_space<semaphore_mem>>
        tpu.enqueue_indirect_dma source(%dma_start3A_676 : memref<1000000x64xf32, #tpu.memory_space<hbm>>) target(%dma_start3A_670 : memref<128x64xf32, #tpu.memory_space<vmem>>) offsets(%dma_start3A_673 : memref<128xi32, #tpu.memory_space<vmem>>) semaphore(%dma_start3A_678 : memref<!tpu.dma_semaphore, #tpu.memory_space<semaphore_mem>>)
      } else {
      }
      %mul3A_290 = arith.constant 8 : i32
      %mul3A_291 = arith.muli %scan3A_240, %mul3A_290 : i32
      %add3A_292 = arith.constant 1 : i32
      %add3A_293 = arith.addi %mul3A_291, %add3A_292 : i32
      %dma_wait3A_294 = arith.constant 1 : i32
      %dma_wait3A_295 = arith.constant 1 : i32
      %dma_wait3A_296 = arith.constant 0 : i32
      %dma_wait3A_297 = arith.constant 0 : i32
      %dma_wait3A_298 = tpu.memref_slice %arg6[%dma_wait3A_294, %dma_wait3A_296, %dma_wait3A_297] : memref<8x128x64xf32, #tpu.memory_space<vmem>> -> memref<1x128x64xf32, #tpu.memory_space<vmem>>
      %dma_wait3A_299 = tpu.memref_squeeze %dma_wait3A_298 : memref<1x128x64xf32, #tpu.memory_space<vmem>> -> memref<128x64xf32, #tpu.memory_space<vmem>>
      %dma_wait3A_300 = arith.constant 0 : i32
      %dma_wait3A_301 = arith.constant 0 : i32
      %dma_wait3A_302 = tpu.memref_slice %arg3[%dma_wait3A_300, %dma_wait3A_301] : memref<1000000x64xf32, #tpu.memory_space<hbm>> -> memref<128x64xf32, #tpu.memory_space<hbm>>
      %dma_wait3A_303 = tpu.memref_slice %arg7[%dma_wait3A_295] : memref<8x!tpu.dma_semaphore, #tpu.memory_space<semaphore_mem>> -> memref<1x!tpu.dma_semaphore, #tpu.memory_space<semaphore_mem>>
      %dma_wait3A_304 = tpu.memref_squeeze %dma_wait3A_303 : memref<1x!tpu.dma_semaphore, #tpu.memory_space<semaphore_mem>> -> memref<!tpu.dma_semaphore, #tpu.memory_space<semaphore_mem>>
      %dma_wait3A_305 = arith.constant 0 : i32
      %dma_wait3A_306 = arith.constant 0 : i32
      %dma_wait3A_307 = tpu.memref_slice %arg6[%dma_wait3A_294, %dma_wait3A_305, %dma_wait3A_306] : memref<8x128x64xf32, #tpu.memory_space<vmem>> -> memref<1x128x64xf32, #tpu.memory_space<vmem>>
      %dma_wait3A_308 = tpu.memref_squeeze %dma_wait3A_307 : memref<1x128x64xf32, #tpu.memory_space<vmem>> -> memref<128x64xf32, #tpu.memory_space<vmem>>
      %dma_wait3A_309 = arith.constant 0 : i32
      %dma_wait3A_310 = arith.constant 0 : i32
      %dma_wait3A_311 = tpu.memref_slice %arg3[%dma_wait3A_309, %dma_wait3A_310] : memref<1000000x64xf32, #tpu.memory_space<hbm>> -> memref<128x64xf32, #tpu.memory_space<hbm>>
      tpu.wait_dma2 semaphore(%dma_wait3A_304 : memref<!tpu.dma_semaphore, #tpu.memory_space<semaphore_mem>>) src(%dma_wait3A_311 : memref<128x64xf32, #tpu.memory_space<hbm>>) dst(%dma_wait3A_308 : memref<128x64xf32, #tpu.memory_space<vmem>>)
      %parallel_loop3A_312 = arith.constant 0 : i32
      %parallel_loop3A_313 = arith.constant 128 : i32
      %parallel_loop3A_314 = arith.constant 1 : i32
      scf.for %parallel_loop3A_661 = %parallel_loop3A_312 to %parallel_loop3A_313 step %parallel_loop3A_314  : i32 {
        %parallel_loop3A_662 = arith.constant 1 : i32
        %parallel_loop3A_663 = arith.index_cast %parallel_loop3A_662 : i32 to index
        %parallel_loop3A_664 = arith.index_cast %parallel_loop3A_661 : i32 to index
        %parallel_loop3A_665 = arith.constant 0 : index
        %parallel_loop3A_666 = tpu.vector_load %arg6[%parallel_loop3A_663, %parallel_loop3A_664, %parallel_loop3A_665] {strides = array<i32>} : memref<8x128x64xf32, #tpu.memory_space<vmem>>, vector<1x1x16xf32>,
        %parallel_loop3A_667 = vector.shape_cast %parallel_loop3A_666 : vector<1x1x16xf32> to vector<16xf32>
        %parallel_loop3A_668 = arith.constant 8.000000e+00 : f32
        %parallel_loop3A_669 = vector.broadcast %parallel_loop3A_668 : f32 to vector<16xf32>
        %parallel_loop3A_670 = arith.mulf %parallel_loop3A_667, %parallel_loop3A_669 : vector<16xf32>
        %parallel_loop3A_671 = arith.constant 1 : i32
        %parallel_loop3A_672 = arith.index_cast %parallel_loop3A_671 : i32 to index
        %parallel_loop3A_673 = arith.index_cast %parallel_loop3A_661 : i32 to index
        %parallel_loop3A_674 = arith.constant 0 : index
        %parallel_loop3A_675 = tpu.vector_load %arg6[%parallel_loop3A_672, %parallel_loop3A_673, %parallel_loop3A_674] {strides = array<i32>} : memref<8x128x64xf32, #tpu.memory_space<vmem>>, vector<1x1x16xf32>,
        %parallel_loop3A_676 = vector.shape_cast %parallel_loop3A_675 : vector<1x1x16xf32> to vector<16xf32>
        %parallel_loop3A_677 = vector.shape_cast %parallel_loop3A_670 : vector<16xf32> to vector<1x1x16xf32>
        tpu.vector_store %arg6[%parallel_loop3A_672, %parallel_loop3A_673, %parallel_loop3A_674], %parallel_loop3A_677 {strides = array<i32>} : memref<8x128x64xf32, #tpu.memory_space<vmem>>, vector<1x1x16xf32>,
        %parallel_loop3A_678 = arith.constant 1 : i32
        %parallel_loop3A_679 = arith.index_cast %parallel_loop3A_678 : i32 to index
        %parallel_loop3A_680 = arith.index_cast %parallel_loop3A_661 : i32 to index
        %parallel_loop3A_681 = arith.constant 16 : index
        %parallel_loop3A_682 = tpu.vector_load %arg6[%parallel_loop3A_679, %parallel_loop3A_680, %parallel_loop3A_681] {strides = array<i32>} : memref<8x128x64xf32, #tpu.memory_space<vmem>>, vector<1x1x16xf32>,
        %parallel_loop3A_683 = vector.shape_cast %parallel_loop3A_682 : vector<1x1x16xf32> to vector<16xf32>
        %parallel_loop3A_684 = arith.constant 8.000000e+00 : f32
        %parallel_loop3A_685 = vector.broadcast %parallel_loop3A_684 : f32 to vector<16xf32>
        %parallel_loop3A_686 = arith.mulf %parallel_loop3A_683, %parallel_loop3A_685 : vector<16xf32>
        %parallel_loop3A_687 = arith.constant 1 : i32
        %parallel_loop3A_688 = arith.index_cast %parallel_loop3A_687 : i32 to index
        %parallel_loop3A_689 = arith.index_cast %parallel_loop3A_661 : i32 to index
        %parallel_loop3A_690 = arith.constant 16 : index
        %parallel_loop3A_691 = tpu.vector_load %arg6[%parallel_loop3A_688, %parallel_loop3A_689, %parallel_loop3A_690] {strides = array<i32>} : memref<8x128x64xf32, #tpu.memory_space<vmem>>, vector<1x1x16xf32>,
        %parallel_loop3A_692 = vector.shape_cast %parallel_loop3A_691 : vector<1x1x16xf32> to vector<16xf32>
        %parallel_loop3A_693 = vector.shape_cast %parallel_loop3A_686 : vector<16xf32> to vector<1x1x16xf32>
        tpu.vector_store %arg6[%parallel_loop3A_688, %parallel_loop3A_689, %parallel_loop3A_690], %parallel_loop3A_693 {strides = array<i32>} : memref<8x128x64xf32, #tpu.memory_space<vmem>>, vector<1x1x16xf32>,
        %parallel_loop3A_694 = arith.constant 1 : i32
        %parallel_loop3A_695 = arith.index_cast %parallel_loop3A_694 : i32 to index
        %parallel_loop3A_696 = arith.index_cast %parallel_loop3A_661 : i32 to index
        %parallel_loop3A_697 = arith.constant 32 : index
        %parallel_loop3A_698 = tpu.vector_load %arg6[%parallel_loop3A_695, %parallel_loop3A_696, %parallel_loop3A_697] {strides = array<i32>} : memref<8x128x64xf32, #tpu.memory_space<vmem>>, vector<1x1x16xf32>,
        %parallel_loop3A_699 = vector.shape_cast %parallel_loop3A_698 : vector<1x1x16xf32> to vector<16xf32>
        %parallel_loop3A_700 = arith.constant 8.000000e+00 : f32
        %parallel_loop3A_701 = vector.broadcast %parallel_loop3A_700 : f32 to vector<16xf32>
        %parallel_loop3A_702 = arith.mulf %parallel_loop3A_699, %parallel_loop3A_701 : vector<16xf32>
        %parallel_loop3A_703 = arith.constant 1 : i32
        %parallel_loop3A_704 = arith.index_cast %parallel_loop3A_703 : i32 to index
        %parallel_loop3A_705 = arith.index_cast %parallel_loop3A_661 : i32 to index
        %parallel_loop3A_706 = arith.constant 32 : index
        %parallel_loop3A_707 = tpu.vector_load %arg6[%parallel_loop3A_704, %parallel_loop3A_705, %parallel_loop3A_706] {strides = array<i32>} : memref<8x128x64xf32, #tpu.memory_space<vmem>>, vector<1x1x16xf32>,
        %parallel_loop3A_708 = vector.shape_cast %parallel_loop3A_707 : vector<1x1x16xf32> to vector<16xf32>
        %parallel_loop3A_709 = vector.shape_cast %parallel_loop3A_702 : vector<16xf32> to vector<1x1x16xf32>
        tpu.vector_store %arg6[%parallel_loop3A_704, %parallel_loop3A_705, %parallel_loop3A_706], %parallel_loop3A_709 {strides = array<i32>} : memref<8x128x64xf32, #tpu.memory_space<vmem>>, vector<1x1x16xf32>,
        %parallel_loop3A_710 = arith.constant 1 : i32
        %parallel_loop3A_711 = arith.index_cast %parallel_loop3A_710 : i32 to index
        %parallel_loop3A_712 = arith.index_cast %parallel_loop3A_661 : i32 to index
        %parallel_loop3A_713 = arith.constant 48 : index
        %parallel_loop3A_714 = tpu.vector_load %arg6[%parallel_loop3A_711, %parallel_loop3A_712, %parallel_loop3A_713] {strides = array<i32>} : memref<8x128x64xf32, #tpu.memory_space<vmem>>, vector<1x1x16xf32>,
        %parallel_loop3A_715 = vector.shape_cast %parallel_loop3A_714 : vector<1x1x16xf32> to vector<16xf32>
        %parallel_loop3A_716 = arith.constant 8.000000e+00 : f32
        %parallel_loop3A_717 = vector.broadcast %parallel_loop3A_716 : f32 to vector<16xf32>
        %parallel_loop3A_718 = arith.mulf %parallel_loop3A_715, %parallel_loop3A_717 : vector<16xf32>
        %parallel_loop3A_719 = arith.constant 1 : i32
        %parallel_loop3A_720 = arith.index_cast %parallel_loop3A_719 : i32 to index
        %parallel_loop3A_721 = arith.index_cast %parallel_loop3A_661 : i32 to index
        %parallel_loop3A_722 = arith.constant 48 : index
        %parallel_loop3A_723 = tpu.vector_load %arg6[%parallel_loop3A_720, %parallel_loop3A_721, %parallel_loop3A_722] {strides = array<i32>} : memref<8x128x64xf32, #tpu.memory_space<vmem>>, vector<1x1x16xf32>,
        %parallel_loop3A_724 = vector.shape_cast %parallel_loop3A_723 : vector<1x1x16xf32> to vector<16xf32>
        %parallel_loop3A_725 = vector.shape_cast %parallel_loop3A_718 : vector<16xf32> to vector<1x1x16xf32>
        tpu.vector_store %arg6[%parallel_loop3A_720, %parallel_loop3A_721, %parallel_loop3A_722], %parallel_loop3A_725 {strides = array<i32>} : memref<8x128x64xf32, #tpu.memory_space<vmem>>, vector<1x1x16xf32>,
      } {sc.loop_unroll_factor = 8 : i64, sc.parallel_access}
      %add3A_315 = arith.addi %mul3A_2, %add3A_293 : i32
      %dma_start3A_316 = arith.constant 1 : i32
      %dma_start3A_317 = arith.constant 1 : i32
      %dma_start3A_318 = arith.constant 0 : i32
      %dma_start3A_319 = arith.constant 0 : i32
      %dma_start3A_320 = tpu.memref_slice %arg6[%dma_start3A_316, %dma_start3A_318, %dma_start3A_319] : memref<8x128x64xf32, #tpu.memory_space<vmem>> -> memref<1x128x64xf32, #tpu.memory_space<vmem>>
      %dma_start3A_321 = tpu.memref_squeeze %dma_start3A_320 : memref<1x128x64xf32, #tpu.memory_space<vmem>> -> memref<128x64xf32, #tpu.memory_space<vmem>>
      %dma_start3A_322 = arith.constant 0 : i32
      %dma_start3A_323 = arith.constant 0 : i32
      %dma_start3A_324 = tpu.memref_slice %arg4[%add3A_315, %dma_start3A_322, %dma_start3A_323] : memref<6400x128x64xf32, #tpu.memory_space<hbm>> -> memref<1x128x64xf32, #tpu.memory_space<hbm>>
      %dma_start3A_325 = tpu.memref_squeeze %dma_start3A_324 : memref<1x128x64xf32, #tpu.memory_space<hbm>> -> memref<128x64xf32, #tpu.memory_space<hbm>>
      %dma_start3A_326 = tpu.memref_slice %arg8[%dma_start3A_317] : memref<8x!tpu.dma_semaphore, #tpu.memory_space<semaphore_mem>> -> memref<1x!tpu.dma_semaphore, #tpu.memory_space<semaphore_mem>>
      %dma_start3A_327 = tpu.memref_squeeze %dma_start3A_326 : memref<1x!tpu.dma_semaphore, #tpu.memory_space<semaphore_mem>> -> memref<!tpu.dma_semaphore, #tpu.memory_space<semaphore_mem>>
      %dma_start3A_328 = arith.constant 0 : i32
      %dma_start3A_329 = arith.constant 0 : i32
      %dma_start3A_330 = tpu.memref_slice %arg4[%add3A_315, %dma_start3A_328, %dma_start3A_329] : memref<6400x128x64xf32, #tpu.memory_space<hbm>> -> memref<1x128x64xf32, #tpu.memory_space<hbm>>
      %dma_start3A_331 = tpu.memref_squeeze %dma_start3A_330 : memref<1x128x64xf32, #tpu.memory_space<hbm>> -> memref<128x64xf32, #tpu.memory_space<hbm>>
      %dma_start3A_332 = arith.constant 0 : i32
      %dma_start3A_333 = arith.constant 0 : i32
      %dma_start3A_334 = tpu.memref_slice %arg6[%dma_start3A_316, %dma_start3A_332, %dma_start3A_333] : memref<8x128x64xf32, #tpu.memory_space<vmem>> -> memref<1x128x64xf32, #tpu.memory_space<vmem>>
      %dma_start3A_335 = tpu.memref_squeeze %dma_start3A_334 : memref<1x128x64xf32, #tpu.memory_space<vmem>> -> memref<128x64xf32, #tpu.memory_space<vmem>>
      tpu.enqueue_dma source(%dma_start3A_335 : memref<128x64xf32, #tpu.memory_space<vmem>>) target(%dma_start3A_331 : memref<128x64xf32, #tpu.memory_space<hbm>>) target_semaphore(%dma_start3A_327 : memref<!tpu.dma_semaphore, #tpu.memory_space<semaphore_mem>>)
      %add3A_336 = arith.constant 6 : i32
      %add3A_337 = arith.addi %add3A_293, %add3A_336 : i32
      %lt3A_338 = arith.constant 200 : i32
      %lt3A_339 = arith.cmpi slt, %add3A_337, %lt3A_338 : i32
      %convert_element_type3A_340 = arith.extui %lt3A_339 : i1 to i32
      %cond3A_341 = arith.constant 0 : i32
      %cond3A_342 = arith.cmpi ne, %convert_element_type3A_340, %cond3A_341 : i32
      scf.if %cond3A_342 {
        %ge3A = arith.constant 2 : i32
        %ge3A_661 = arith.cmpi sge, %add3A_293, %ge3A : i32
        %convert_element_type3A_662 = arith.extui %ge3A_661 : i1 to i32
        %cond3A_663 = arith.constant 0 : i32
        %cond3A_664 = arith.cmpi ne, %convert_element_type3A_662, %cond3A_663 : i32
        scf.if %cond3A_664 {
          %dma_wait3A_679 = arith.constant 7 : i32
          %dma_wait3A_680 = arith.constant 7 : i32
          %dma_wait3A_681 = arith.constant 0 : i32
          %dma_wait3A_682 = arith.constant 0 : i32
          %dma_wait3A_683 = tpu.memref_slice %arg6[%dma_wait3A_679, %dma_wait3A_681, %dma_wait3A_682] : memref<8x128x64xf32, #tpu.memory_space<vmem>> -> memref<1x128x64xf32, #tpu.memory_space<vmem>>
          %dma_wait3A_684 = tpu.memref_squeeze %dma_wait3A_683 : memref<1x128x64xf32, #tpu.memory_space<vmem>> -> memref<128x64xf32, #tpu.memory_space<vmem>>
          %dma_wait3A_685 = arith.constant 0 : i32
          %dma_wait3A_686 = arith.constant 0 : i32
          %dma_wait3A_687 = tpu.memref_slice %arg3[%dma_wait3A_685, %dma_wait3A_686] : memref<1000000x64xf32, #tpu.memory_space<hbm>> -> memref<128x64xf32, #tpu.memory_space<hbm>>
          %dma_wait3A_688 = tpu.memref_slice %arg8[%dma_wait3A_680] : memref<8x!tpu.dma_semaphore, #tpu.memory_space<semaphore_mem>> -> memref<1x!tpu.dma_semaphore, #tpu.memory_space<semaphore_mem>>
          %dma_wait3A_689 = tpu.memref_squeeze %dma_wait3A_688 : memref<1x!tpu.dma_semaphore, #tpu.memory_space<semaphore_mem>> -> memref<!tpu.dma_semaphore, #tpu.memory_space<semaphore_mem>>
          %dma_wait3A_690 = arith.constant 0 : i32
          %dma_wait3A_691 = arith.constant 0 : i32
          %dma_wait3A_692 = tpu.memref_slice %arg6[%dma_wait3A_679, %dma_wait3A_690, %dma_wait3A_691] : memref<8x128x64xf32, #tpu.memory_space<vmem>> -> memref<1x128x64xf32, #tpu.memory_space<vmem>>
          %dma_wait3A_693 = tpu.memref_squeeze %dma_wait3A_692 : memref<1x128x64xf32, #tpu.memory_space<vmem>> -> memref<128x64xf32, #tpu.memory_space<vmem>>
          %dma_wait3A_694 = arith.constant 0 : i32
          %dma_wait3A_695 = arith.constant 0 : i32
          %dma_wait3A_696 = tpu.memref_slice %arg3[%dma_wait3A_694, %dma_wait3A_695] : memref<1000000x64xf32, #tpu.memory_space<hbm>> -> memref<128x64xf32, #tpu.memory_space<hbm>>
          tpu.wait_dma2 semaphore(%dma_wait3A_689 : memref<!tpu.dma_semaphore, #tpu.memory_space<semaphore_mem>>) src(%dma_wait3A_696 : memref<128x64xf32, #tpu.memory_space<hbm>>) dst(%dma_wait3A_693 : memref<128x64xf32, #tpu.memory_space<vmem>>)
        } else {
        }
        %dma_start3A_665 = arith.constant 7 : i32
        %dma_start3A_666 = arith.constant 7 : i32
        %dma_start3A_667 = arith.constant 0 : i32
        %dma_start3A_668 = arith.constant 0 : i32
        %dma_start3A_669 = tpu.memref_slice %arg6[%dma_start3A_665, %dma_start3A_667, %dma_start3A_668] : memref<8x128x64xf32, #tpu.memory_space<vmem>> -> memref<1x128x64xf32, #tpu.memory_space<vmem>>
        %dma_start3A_670 = tpu.memref_squeeze %dma_start3A_669 : memref<1x128x64xf32, #tpu.memory_space<vmem>> -> memref<128x64xf32, #tpu.memory_space<vmem>>
        %dma_start3A_671 = arith.constant 0 : i32
        %dma_start3A_672 = tpu.memref_slice %arg5[%add3A_337, %dma_start3A_671] : memref<200x128xi32, #tpu.memory_space<vmem>> -> memref<1x128xi32, #tpu.memory_space<vmem>>
        %dma_start3A_673 = tpu.memref_squeeze %dma_start3A_672 : memref<1x128xi32, #tpu.memory_space<vmem>> -> memref<128xi32, #tpu.memory_space<vmem>>
        %dma_start3A_674 = arith.constant 0 : i32
        %dma_start3A_675 = arith.constant 0 : i32
        %dma_start3A_676 = tpu.memref_slice %arg3[%dma_start3A_674, %dma_start3A_675] : memref<1000000x64xf32, #tpu.memory_space<hbm>> -> memref<1000000x64xf32, #tpu.memory_space<hbm>>
        %dma_start3A_677 = tpu.memref_slice %arg7[%dma_start3A_666] : memref<8x!tpu.dma_semaphore, #tpu.memory_space<semaphore_mem>> -> memref<1x!tpu.dma_semaphore, #tpu.memory_space<semaphore_mem>>
        %dma_start3A_678 = tpu.memref_squeeze %dma_start3A_677 : memref<1x!tpu.dma_semaphore, #tpu.memory_space<semaphore_mem>> -> memref<!tpu.dma_semaphore, #tpu.memory_space<semaphore_mem>>
        tpu.enqueue_indirect_dma source(%dma_start3A_676 : memref<1000000x64xf32, #tpu.memory_space<hbm>>) target(%dma_start3A_670 : memref<128x64xf32, #tpu.memory_space<vmem>>) offsets(%dma_start3A_673 : memref<128xi32, #tpu.memory_space<vmem>>) semaphore(%dma_start3A_678 : memref<!tpu.dma_semaphore, #tpu.memory_space<semaphore_mem>>)
      } else {
      }
      %mul3A_343 = arith.constant 8 : i32
      %mul3A_344 = arith.muli %scan3A_240, %mul3A_343 : i32
      %add3A_345 = arith.constant 2 : i32
      %add3A_346 = arith.addi %mul3A_344, %add3A_345 : i32
      %dma_wait3A_347 = arith.constant 2 : i32
      %dma_wait3A_348 = arith.constant 2 : i32
      %dma_wait3A_349 = arith.constant 0 : i32
      %dma_wait3A_350 = arith.constant 0 : i32
      %dma_wait3A_351 = tpu.memref_slice %arg6[%dma_wait3A_347, %dma_wait3A_349, %dma_wait3A_350] : memref<8x128x64xf32, #tpu.memory_space<vmem>> -> memref<1x128x64xf32, #tpu.memory_space<vmem>>
      %dma_wait3A_352 = tpu.memref_squeeze %dma_wait3A_351 : memref<1x128x64xf32, #tpu.memory_space<vmem>> -> memref<128x64xf32, #tpu.memory_space<vmem>>
      %dma_wait3A_353 = arith.constant 0 : i32
      %dma_wait3A_354 = arith.constant 0 : i32
      %dma_wait3A_355 = tpu.memref_slice %arg3[%dma_wait3A_353, %dma_wait3A_354] : memref<1000000x64xf32, #tpu.memory_space<hbm>> -> memref<128x64xf32, #tpu.memory_space<hbm>>
      %dma_wait3A_356 = tpu.memref_slice %arg7[%dma_wait3A_348] : memref<8x!tpu.dma_semaphore, #tpu.memory_space<semaphore_mem>> -> memref<1x!tpu.dma_semaphore, #tpu.memory_space<semaphore_mem>>
      %dma_wait3A_357 = tpu.memref_squeeze %dma_wait3A_356 : memref<1x!tpu.dma_semaphore, #tpu.memory_space<semaphore_mem>> -> memref<!tpu.dma_semaphore, #tpu.memory_space<semaphore_mem>>
      %dma_wait3A_358 = arith.constant 0 : i32
      %dma_wait3A_359 = arith.constant 0 : i32
      %dma_wait3A_360 = tpu.memref_slice %arg6[%dma_wait3A_347, %dma_wait3A_358, %dma_wait3A_359] : memref<8x128x64xf32, #tpu.memory_space<vmem>> -> memref<1x128x64xf32, #tpu.memory_space<vmem>>
      %dma_wait3A_361 = tpu.memref_squeeze %dma_wait3A_360 : memref<1x128x64xf32, #tpu.memory_space<vmem>> -> memref<128x64xf32, #tpu.memory_space<vmem>>
      %dma_wait3A_362 = arith.constant 0 : i32
      %dma_wait3A_363 = arith.constant 0 : i32
      %dma_wait3A_364 = tpu.memref_slice %arg3[%dma_wait3A_362, %dma_wait3A_363] : memref<1000000x64xf32, #tpu.memory_space<hbm>> -> memref<128x64xf32, #tpu.memory_space<hbm>>
      tpu.wait_dma2 semaphore(%dma_wait3A_357 : memref<!tpu.dma_semaphore, #tpu.memory_space<semaphore_mem>>) src(%dma_wait3A_364 : memref<128x64xf32, #tpu.memory_space<hbm>>) dst(%dma_wait3A_361 : memref<128x64xf32, #tpu.memory_space<vmem>>)
      %parallel_loop3A_365 = arith.constant 0 : i32
      %parallel_loop3A_366 = arith.constant 128 : i32
      %parallel_loop3A_367 = arith.constant 1 : i32
      scf.for %parallel_loop3A_661 = %parallel_loop3A_365 to %parallel_loop3A_366 step %parallel_loop3A_367  : i32 {
        %parallel_loop3A_662 = arith.constant 2 : i32
        %parallel_loop3A_663 = arith.index_cast %parallel_loop3A_662 : i32 to index
        %parallel_loop3A_664 = arith.index_cast %parallel_loop3A_661 : i32 to index
        %parallel_loop3A_665 = arith.constant 0 : index
        %parallel_loop3A_666 = tpu.vector_load %arg6[%parallel_loop3A_663, %parallel_loop3A_664, %parallel_loop3A_665] {strides = array<i32>} : memref<8x128x64xf32, #tpu.memory_space<vmem>>, vector<1x1x16xf32>,
        %parallel_loop3A_667 = vector.shape_cast %parallel_loop3A_666 : vector<1x1x16xf32> to vector<16xf32>
        %parallel_loop3A_668 = arith.constant 8.000000e+00 : f32
        %parallel_loop3A_669 = vector.broadcast %parallel_loop3A_668 : f32 to vector<16xf32>
        %parallel_loop3A_670 = arith.mulf %parallel_loop3A_667, %parallel_loop3A_669 : vector<16xf32>
        %parallel_loop3A_671 = arith.constant 2 : i32
        %parallel_loop3A_672 = arith.index_cast %parallel_loop3A_671 : i32 to index
        %parallel_loop3A_673 = arith.index_cast %parallel_loop3A_661 : i32 to index
        %parallel_loop3A_674 = arith.constant 0 : index
        %parallel_loop3A_675 = tpu.vector_load %arg6[%parallel_loop3A_672, %parallel_loop3A_673, %parallel_loop3A_674] {strides = array<i32>} : memref<8x128x64xf32, #tpu.memory_space<vmem>>, vector<1x1x16xf32>,
        %parallel_loop3A_676 = vector.shape_cast %parallel_loop3A_675 : vector<1x1x16xf32> to vector<16xf32>
        %parallel_loop3A_677 = vector.shape_cast %parallel_loop3A_670 : vector<16xf32> to vector<1x1x16xf32>
        tpu.vector_store %arg6[%parallel_loop3A_672, %parallel_loop3A_673, %parallel_loop3A_674], %parallel_loop3A_677 {strides = array<i32>} : memref<8x128x64xf32, #tpu.memory_space<vmem>>, vector<1x1x16xf32>,
        %parallel_loop3A_678 = arith.constant 2 : i32
        %parallel_loop3A_679 = arith.index_cast %parallel_loop3A_678 : i32 to index
        %parallel_loop3A_680 = arith.index_cast %parallel_loop3A_661 : i32 to index
        %parallel_loop3A_681 = arith.constant 16 : index
        %parallel_loop3A_682 = tpu.vector_load %arg6[%parallel_loop3A_679, %parallel_loop3A_680, %parallel_loop3A_681] {strides = array<i32>} : memref<8x128x64xf32, #tpu.memory_space<vmem>>, vector<1x1x16xf32>,
        %parallel_loop3A_683 = vector.shape_cast %parallel_loop3A_682 : vector<1x1x16xf32> to vector<16xf32>
        %parallel_loop3A_684 = arith.constant 8.000000e+00 : f32
        %parallel_loop3A_685 = vector.broadcast %parallel_loop3A_684 : f32 to vector<16xf32>
        %parallel_loop3A_686 = arith.mulf %parallel_loop3A_683, %parallel_loop3A_685 : vector<16xf32>
        %parallel_loop3A_687 = arith.constant 2 : i32
        %parallel_loop3A_688 = arith.index_cast %parallel_loop3A_687 : i32 to index
        %parallel_loop3A_689 = arith.index_cast %parallel_loop3A_661 : i32 to index
        %parallel_loop3A_690 = arith.constant 16 : index
        %parallel_loop3A_691 = tpu.vector_load %arg6[%parallel_loop3A_688, %parallel_loop3A_689, %parallel_loop3A_690] {strides = array<i32>} : memref<8x128x64xf32, #tpu.memory_space<vmem>>, vector<1x1x16xf32>,
        %parallel_loop3A_692 = vector.shape_cast %parallel_loop3A_691 : vector<1x1x16xf32> to vector<16xf32>
        %parallel_loop3A_693 = vector.shape_cast %parallel_loop3A_686 : vector<16xf32> to vector<1x1x16xf32>
        tpu.vector_store %arg6[%parallel_loop3A_688, %parallel_loop3A_689, %parallel_loop3A_690], %parallel_loop3A_693 {strides = array<i32>} : memref<8x128x64xf32, #tpu.memory_space<vmem>>, vector<1x1x16xf32>,
        %parallel_loop3A_694 = arith.constant 2 : i32
        %parallel_loop3A_695 = arith.index_cast %parallel_loop3A_694 : i32 to index
        %parallel_loop3A_696 = arith.index_cast %parallel_loop3A_661 : i32 to index
        %parallel_loop3A_697 = arith.constant 32 : index
        %parallel_loop3A_698 = tpu.vector_load %arg6[%parallel_loop3A_695, %parallel_loop3A_696, %parallel_loop3A_697] {strides = array<i32>} : memref<8x128x64xf32, #tpu.memory_space<vmem>>, vector<1x1x16xf32>,
        %parallel_loop3A_699 = vector.shape_cast %parallel_loop3A_698 : vector<1x1x16xf32> to vector<16xf32>
        %parallel_loop3A_700 = arith.constant 8.000000e+00 : f32
        %parallel_loop3A_701 = vector.broadcast %parallel_loop3A_700 : f32 to vector<16xf32>
        %parallel_loop3A_702 = arith.mulf %parallel_loop3A_699, %parallel_loop3A_701 : vector<16xf32>
        %parallel_loop3A_703 = arith.constant 2 : i32
        %parallel_loop3A_704 = arith.index_cast %parallel_loop3A_703 : i32 to index
        %parallel_loop3A_705 = arith.index_cast %parallel_loop3A_661 : i32 to index
        %parallel_loop3A_706 = arith.constant 32 : index
        %parallel_loop3A_707 = tpu.vector_load %arg6[%parallel_loop3A_704, %parallel_loop3A_705, %parallel_loop3A_706] {strides = array<i32>} : memref<8x128x64xf32, #tpu.memory_space<vmem>>, vector<1x1x16xf32>,
        %parallel_loop3A_708 = vector.shape_cast %parallel_loop3A_707 : vector<1x1x16xf32> to vector<16xf32>
        %parallel_loop3A_709 = vector.shape_cast %parallel_loop3A_702 : vector<16xf32> to vector<1x1x16xf32>
        tpu.vector_store %arg6[%parallel_loop3A_704, %parallel_loop3A_705, %parallel_loop3A_706], %parallel_loop3A_709 {strides = array<i32>} : memref<8x128x64xf32, #tpu.memory_space<vmem>>, vector<1x1x16xf32>,
        %parallel_loop3A_710 = arith.constant 2 : i32
        %parallel_loop3A_711 = arith.index_cast %parallel_loop3A_710 : i32 to index
        %parallel_loop3A_712 = arith.index_cast %parallel_loop3A_661 : i32 to index
        %parallel_loop3A_713 = arith.constant 48 : index
        %parallel_loop3A_714 = tpu.vector_load %arg6[%parallel_loop3A_711, %parallel_loop3A_712, %parallel_loop3A_713] {strides = array<i32>} : memref<8x128x64xf32, #tpu.memory_space<vmem>>, vector<1x1x16xf32>,
        %parallel_loop3A_715 = vector.shape_cast %parallel_loop3A_714 : vector<1x1x16xf32> to vector<16xf32>
        %parallel_loop3A_716 = arith.constant 8.000000e+00 : f32
        %parallel_loop3A_717 = vector.broadcast %parallel_loop3A_716 : f32 to vector<16xf32>
        %parallel_loop3A_718 = arith.mulf %parallel_loop3A_715, %parallel_loop3A_717 : vector<16xf32>
        %parallel_loop3A_719 = arith.constant 2 : i32
        %parallel_loop3A_720 = arith.index_cast %parallel_loop3A_719 : i32 to index
        %parallel_loop3A_721 = arith.index_cast %parallel_loop3A_661 : i32 to index
        %parallel_loop3A_722 = arith.constant 48 : index
        %parallel_loop3A_723 = tpu.vector_load %arg6[%parallel_loop3A_720, %parallel_loop3A_721, %parallel_loop3A_722] {strides = array<i32>} : memref<8x128x64xf32, #tpu.memory_space<vmem>>, vector<1x1x16xf32>,
        %parallel_loop3A_724 = vector.shape_cast %parallel_loop3A_723 : vector<1x1x16xf32> to vector<16xf32>
        %parallel_loop3A_725 = vector.shape_cast %parallel_loop3A_718 : vector<16xf32> to vector<1x1x16xf32>
        tpu.vector_store %arg6[%parallel_loop3A_720, %parallel_loop3A_721, %parallel_loop3A_722], %parallel_loop3A_725 {strides = array<i32>} : memref<8x128x64xf32, #tpu.memory_space<vmem>>, vector<1x1x16xf32>,
      } {sc.loop_unroll_factor = 8 : i64, sc.parallel_access}
      %add3A_368 = arith.addi %mul3A_2, %add3A_346 : i32
      %dma_start3A_369 = arith.constant 2 : i32
      %dma_start3A_370 = arith.constant 2 : i32
      %dma_start3A_371 = arith.constant 0 : i32
      %dma_start3A_372 = arith.constant 0 : i32
      %dma_start3A_373 = tpu.memref_slice %arg6[%dma_start3A_369, %dma_start3A_371, %dma_start3A_372] : memref<8x128x64xf32, #tpu.memory_space<vmem>> -> memref<1x128x64xf32, #tpu.memory_space<vmem>>
      %dma_start3A_374 = tpu.memref_squeeze %dma_start3A_373 : memref<1x128x64xf32, #tpu.memory_space<vmem>> -> memref<128x64xf32, #tpu.memory_space<vmem>>
      %dma_start3A_375 = arith.constant 0 : i32
      %dma_start3A_376 = arith.constant 0 : i32
      %dma_start3A_377 = tpu.memref_slice %arg4[%add3A_368, %dma_start3A_375, %dma_start3A_376] : memref<6400x128x64xf32, #tpu.memory_space<hbm>> -> memref<1x128x64xf32, #tpu.memory_space<hbm>>
      %dma_start3A_378 = tpu.memref_squeeze %dma_start3A_377 : memref<1x128x64xf32, #tpu.memory_space<hbm>> -> memref<128x64xf32, #tpu.memory_space<hbm>>
      %dma_start3A_379 = tpu.memref_slice %arg8[%dma_start3A_370] : memref<8x!tpu.dma_semaphore, #tpu.memory_space<semaphore_mem>> -> memref<1x!tpu.dma_semaphore, #tpu.memory_space<semaphore_mem>>
      %dma_start3A_380 = tpu.memref_squeeze %dma_start3A_379 : memref<1x!tpu.dma_semaphore, #tpu.memory_space<semaphore_mem>> -> memref<!tpu.dma_semaphore, #tpu.memory_space<semaphore_mem>>
      %dma_start3A_381 = arith.constant 0 : i32
      %dma_start3A_382 = arith.constant 0 : i32
      %dma_start3A_383 = tpu.memref_slice %arg4[%add3A_368, %dma_start3A_381, %dma_start3A_382] : memref<6400x128x64xf32, #tpu.memory_space<hbm>> -> memref<1x128x64xf32, #tpu.memory_space<hbm>>
      %dma_start3A_384 = tpu.memref_squeeze %dma_start3A_383 : memref<1x128x64xf32, #tpu.memory_space<hbm>> -> memref<128x64xf32, #tpu.memory_space<hbm>>
      %dma_start3A_385 = arith.constant 0 : i32
      %dma_start3A_386 = arith.constant 0 : i32
      %dma_start3A_387 = tpu.memref_slice %arg6[%dma_start3A_369, %dma_start3A_385, %dma_start3A_386] : memref<8x128x64xf32, #tpu.memory_space<vmem>> -> memref<1x128x64xf32, #tpu.memory_space<vmem>>
      %dma_start3A_388 = tpu.memref_squeeze %dma_start3A_387 : memref<1x128x64xf32, #tpu.memory_space<vmem>> -> memref<128x64xf32, #tpu.memory_space<vmem>>
      tpu.enqueue_dma source(%dma_start3A_388 : memref<128x64xf32, #tpu.memory_space<vmem>>) target(%dma_start3A_384 : memref<128x64xf32, #tpu.memory_space<hbm>>) target_semaphore(%dma_start3A_380 : memref<!tpu.dma_semaphore, #tpu.memory_space<semaphore_mem>>)
      %add3A_389 = arith.constant 6 : i32
      %add3A_390 = arith.addi %add3A_346, %add3A_389 : i32
      %lt3A_391 = arith.constant 200 : i32
      %lt3A_392 = arith.cmpi slt, %add3A_390, %lt3A_391 : i32
      %convert_element_type3A_393 = arith.extui %lt3A_392 : i1 to i32
      %cond3A_394 = arith.constant 0 : i32
      %cond3A_395 = arith.cmpi ne, %convert_element_type3A_393, %cond3A_394 : i32
      scf.if %cond3A_395 {
        %ge3A = arith.constant 2 : i32
        %ge3A_661 = arith.cmpi sge, %add3A_346, %ge3A : i32
        %convert_element_type3A_662 = arith.extui %ge3A_661 : i1 to i32
        %cond3A_663 = arith.constant 0 : i32
        %cond3A_664 = arith.cmpi ne, %convert_element_type3A_662, %cond3A_663 : i32
        scf.if %cond3A_664 {
          %dma_wait3A_679 = arith.constant 0 : i32
          %dma_wait3A_680 = arith.constant 0 : i32
          %dma_wait3A_681 = arith.constant 0 : i32
          %dma_wait3A_682 = arith.constant 0 : i32
          %dma_wait3A_683 = tpu.memref_slice %arg6[%dma_wait3A_679, %dma_wait3A_681, %dma_wait3A_682] : memref<8x128x64xf32, #tpu.memory_space<vmem>> -> memref<1x128x64xf32, #tpu.memory_space<vmem>>
          %dma_wait3A_684 = tpu.memref_squeeze %dma_wait3A_683 : memref<1x128x64xf32, #tpu.memory_space<vmem>> -> memref<128x64xf32, #tpu.memory_space<vmem>>
          %dma_wait3A_685 = arith.constant 0 : i32
          %dma_wait3A_686 = arith.constant 0 : i32
          %dma_wait3A_687 = tpu.memref_slice %arg3[%dma_wait3A_685, %dma_wait3A_686] : memref<1000000x64xf32, #tpu.memory_space<hbm>> -> memref<128x64xf32, #tpu.memory_space<hbm>>
          %dma_wait3A_688 = tpu.memref_slice %arg8[%dma_wait3A_680] : memref<8x!tpu.dma_semaphore, #tpu.memory_space<semaphore_mem>> -> memref<1x!tpu.dma_semaphore, #tpu.memory_space<semaphore_mem>>
          %dma_wait3A_689 = tpu.memref_squeeze %dma_wait3A_688 : memref<1x!tpu.dma_semaphore, #tpu.memory_space<semaphore_mem>> -> memref<!tpu.dma_semaphore, #tpu.memory_space<semaphore_mem>>
          %dma_wait3A_690 = arith.constant 0 : i32
          %dma_wait3A_691 = arith.constant 0 : i32
          %dma_wait3A_692 = tpu.memref_slice %arg6[%dma_wait3A_679, %dma_wait3A_690, %dma_wait3A_691] : memref<8x128x64xf32, #tpu.memory_space<vmem>> -> memref<1x128x64xf32, #tpu.memory_space<vmem>>
          %dma_wait3A_693 = tpu.memref_squeeze %dma_wait3A_692 : memref<1x128x64xf32, #tpu.memory_space<vmem>> -> memref<128x64xf32, #tpu.memory_space<vmem>>
          %dma_wait3A_694 = arith.constant 0 : i32
          %dma_wait3A_695 = arith.constant 0 : i32
          %dma_wait3A_696 = tpu.memref_slice %arg3[%dma_wait3A_694, %dma_wait3A_695] : memref<1000000x64xf32, #tpu.memory_space<hbm>> -> memref<128x64xf32, #tpu.memory_space<hbm>>
          tpu.wait_dma2 semaphore(%dma_wait3A_689 : memref<!tpu.dma_semaphore, #tpu.memory_space<semaphore_mem>>) src(%dma_wait3A_696 : memref<128x64xf32, #tpu.memory_space<hbm>>) dst(%dma_wait3A_693 : memref<128x64xf32, #tpu.memory_space<vmem>>)
        } else {
        }
        %dma_start3A_665 = arith.constant 0 : i32
        %dma_start3A_666 = arith.constant 0 : i32
        %dma_start3A_667 = arith.constant 0 : i32
        %dma_start3A_668 = arith.constant 0 : i32
        %dma_start3A_669 = tpu.memref_slice %arg6[%dma_start3A_665, %dma_start3A_667, %dma_start3A_668] : memref<8x128x64xf32, #tpu.memory_space<vmem>> -> memref<1x128x64xf32, #tpu.memory_space<vmem>>
        %dma_start3A_670 = tpu.memref_squeeze %dma_start3A_669 : memref<1x128x64xf32, #tpu.memory_space<vmem>> -> memref<128x64xf32, #tpu.memory_space<vmem>>
        %dma_start3A_671 = arith.constant 0 : i32
        %dma_start3A_672 = tpu.memref_slice %arg5[%add3A_390, %dma_start3A_671] : memref<200x128xi32, #tpu.memory_space<vmem>> -> memref<1x128xi32, #tpu.memory_space<vmem>>
        %dma_start3A_673 = tpu.memref_squeeze %dma_start3A_672 : memref<1x128xi32, #tpu.memory_space<vmem>> -> memref<128xi32, #tpu.memory_space<vmem>>
        %dma_start3A_674 = arith.constant 0 : i32
        %dma_start3A_675 = arith.constant 0 : i32
        %dma_start3A_676 = tpu.memref_slice %arg3[%dma_start3A_674, %dma_start3A_675] : memref<1000000x64xf32, #tpu.memory_space<hbm>> -> memref<1000000x64xf32, #tpu.memory_space<hbm>>
        %dma_start3A_677 = tpu.memref_slice %arg7[%dma_start3A_666] : memref<8x!tpu.dma_semaphore, #tpu.memory_space<semaphore_mem>> -> memref<1x!tpu.dma_semaphore, #tpu.memory_space<semaphore_mem>>
        %dma_start3A_678 = tpu.memref_squeeze %dma_start3A_677 : memref<1x!tpu.dma_semaphore, #tpu.memory_space<semaphore_mem>> -> memref<!tpu.dma_semaphore, #tpu.memory_space<semaphore_mem>>
        tpu.enqueue_indirect_dma source(%dma_start3A_676 : memref<1000000x64xf32, #tpu.memory_space<hbm>>) target(%dma_start3A_670 : memref<128x64xf32, #tpu.memory_space<vmem>>) offsets(%dma_start3A_673 : memref<128xi32, #tpu.memory_space<vmem>>) semaphore(%dma_start3A_678 : memref<!tpu.dma_semaphore, #tpu.memory_space<semaphore_mem>>)
      } else {
      }
      %mul3A_396 = arith.constant 8 : i32
      %mul3A_397 = arith.muli %scan3A_240, %mul3A_396 : i32
      %add3A_398 = arith.constant 3 : i32
      %add3A_399 = arith.addi %mul3A_397, %add3A_398 : i32
      %dma_wait3A_400 = arith.constant 3 : i32
      %dma_wait3A_401 = arith.constant 3 : i32
      %dma_wait3A_402 = arith.constant 0 : i32
      %dma_wait3A_403 = arith.constant 0 : i32
      %dma_wait3A_404 = tpu.memref_slice %arg6[%dma_wait3A_400, %dma_wait3A_402, %dma_wait3A_403] : memref<8x128x64xf32, #tpu.memory_space<vmem>> -> memref<1x128x64xf32, #tpu.memory_space<vmem>>
      %dma_wait3A_405 = tpu.memref_squeeze %dma_wait3A_404 : memref<1x128x64xf32, #tpu.memory_space<vmem>> -> memref<128x64xf32, #tpu.memory_space<vmem>>
      %dma_wait3A_406 = arith.constant 0 : i32
      %dma_wait3A_407 = arith.constant 0 : i32
      %dma_wait3A_408 = tpu.memref_slice %arg3[%dma_wait3A_406, %dma_wait3A_407] : memref<1000000x64xf32, #tpu.memory_space<hbm>> -> memref<128x64xf32, #tpu.memory_space<hbm>>
      %dma_wait3A_409 = tpu.memref_slice %arg7[%dma_wait3A_401] : memref<8x!tpu.dma_semaphore, #tpu.memory_space<semaphore_mem>> -> memref<1x!tpu.dma_semaphore, #tpu.memory_space<semaphore_mem>>
      %dma_wait3A_410 = tpu.memref_squeeze %dma_wait3A_409 : memref<1x!tpu.dma_semaphore, #tpu.memory_space<semaphore_mem>> -> memref<!tpu.dma_semaphore, #tpu.memory_space<semaphore_mem>>
      %dma_wait3A_411 = arith.constant 0 : i32
      %dma_wait3A_412 = arith.constant 0 : i32
      %dma_wait3A_413 = tpu.memref_slice %arg6[%dma_wait3A_400, %dma_wait3A_411, %dma_wait3A_412] : memref<8x128x64xf32, #tpu.memory_space<vmem>> -> memref<1x128x64xf32, #tpu.memory_space<vmem>>
      %dma_wait3A_414 = tpu.memref_squeeze %dma_wait3A_413 : memref<1x128x64xf32, #tpu.memory_space<vmem>> -> memref<128x64xf32, #tpu.memory_space<vmem>>
      %dma_wait3A_415 = arith.constant 0 : i32
      %dma_wait3A_416 = arith.constant 0 : i32
      %dma_wait3A_417 = tpu.memref_slice %arg3[%dma_wait3A_415, %dma_wait3A_416] : memref<1000000x64xf32, #tpu.memory_space<hbm>> -> memref<128x64xf32, #tpu.memory_space<hbm>>
      tpu.wait_dma2 semaphore(%dma_wait3A_410 : memref<!tpu.dma_semaphore, #tpu.memory_space<semaphore_mem>>) src(%dma_wait3A_417 : memref<128x64xf32, #tpu.memory_space<hbm>>) dst(%dma_wait3A_414 : memref<128x64xf32, #tpu.memory_space<vmem>>)
      %parallel_loop3A_418 = arith.constant 0 : i32
      %parallel_loop3A_419 = arith.constant 128 : i32
      %parallel_loop3A_420 = arith.constant 1 : i32
      scf.for %parallel_loop3A_661 = %parallel_loop3A_418 to %parallel_loop3A_419 step %parallel_loop3A_420  : i32 {
        %parallel_loop3A_662 = arith.constant 3 : i32
        %parallel_loop3A_663 = arith.index_cast %parallel_loop3A_662 : i32 to index
        %parallel_loop3A_664 = arith.index_cast %parallel_loop3A_661 : i32 to index
        %parallel_loop3A_665 = arith.constant 0 : index
        %parallel_loop3A_666 = tpu.vector_load %arg6[%parallel_loop3A_663, %parallel_loop3A_664, %parallel_loop3A_665] {strides = array<i32>} : memref<8x128x64xf32, #tpu.memory_space<vmem>>, vector<1x1x16xf32>,
        %parallel_loop3A_667 = vector.shape_cast %parallel_loop3A_666 : vector<1x1x16xf32> to vector<16xf32>
        %parallel_loop3A_668 = arith.constant 8.000000e+00 : f32
        %parallel_loop3A_669 = vector.broadcast %parallel_loop3A_668 : f32 to vector<16xf32>
        %parallel_loop3A_670 = arith.mulf %parallel_loop3A_667, %parallel_loop3A_669 : vector<16xf32>
        %parallel_loop3A_671 = arith.constant 3 : i32
        %parallel_loop3A_672 = arith.index_cast %parallel_loop3A_671 : i32 to index
        %parallel_loop3A_673 = arith.index_cast %parallel_loop3A_661 : i32 to index
        %parallel_loop3A_674 = arith.constant 0 : index
        %parallel_loop3A_675 = tpu.vector_load %arg6[%parallel_loop3A_672, %parallel_loop3A_673, %parallel_loop3A_674] {strides = array<i32>} : memref<8x128x64xf32, #tpu.memory_space<vmem>>, vector<1x1x16xf32>,
        %parallel_loop3A_676 = vector.shape_cast %parallel_loop3A_675 : vector<1x1x16xf32> to vector<16xf32>
        %parallel_loop3A_677 = vector.shape_cast %parallel_loop3A_670 : vector<16xf32> to vector<1x1x16xf32>
        tpu.vector_store %arg6[%parallel_loop3A_672, %parallel_loop3A_673, %parallel_loop3A_674], %parallel_loop3A_677 {strides = array<i32>} : memref<8x128x64xf32, #tpu.memory_space<vmem>>, vector<1x1x16xf32>,
        %parallel_loop3A_678 = arith.constant 3 : i32
        %parallel_loop3A_679 = arith.index_cast %parallel_loop3A_678 : i32 to index
        %parallel_loop3A_680 = arith.index_cast %parallel_loop3A_661 : i32 to index
        %parallel_loop3A_681 = arith.constant 16 : index
        %parallel_loop3A_682 = tpu.vector_load %arg6[%parallel_loop3A_679, %parallel_loop3A_680, %parallel_loop3A_681] {strides = array<i32>} : memref<8x128x64xf32, #tpu.memory_space<vmem>>, vector<1x1x16xf32>,
        %parallel_loop3A_683 = vector.shape_cast %parallel_loop3A_682 : vector<1x1x16xf32> to vector<16xf32>
        %parallel_loop3A_684 = arith.constant 8.000000e+00 : f32
        %parallel_loop3A_685 = vector.broadcast %parallel_loop3A_684 : f32 to vector<16xf32>
        %parallel_loop3A_686 = arith.mulf %parallel_loop3A_683, %parallel_loop3A_685 : vector<16xf32>
        %parallel_loop3A_687 = arith.constant 3 : i32
        %parallel_loop3A_688 = arith.index_cast %parallel_loop3A_687 : i32 to index
        %parallel_loop3A_689 = arith.index_cast %parallel_loop3A_661 : i32 to index
        %parallel_loop3A_690 = arith.constant 16 : index
        %parallel_loop3A_691 = tpu.vector_load %arg6[%parallel_loop3A_688, %parallel_loop3A_689, %parallel_loop3A_690] {strides = array<i32>} : memref<8x128x64xf32, #tpu.memory_space<vmem>>, vector<1x1x16xf32>,
        %parallel_loop3A_692 = vector.shape_cast %parallel_loop3A_691 : vector<1x1x16xf32> to vector<16xf32>
        %parallel_loop3A_693 = vector.shape_cast %parallel_loop3A_686 : vector<16xf32> to vector<1x1x16xf32>
        tpu.vector_store %arg6[%parallel_loop3A_688, %parallel_loop3A_689, %parallel_loop3A_690], %parallel_loop3A_693 {strides = array<i32>} : memref<8x128x64xf32, #tpu.memory_space<vmem>>, vector<1x1x16xf32>,
        %parallel_loop3A_694 = arith.constant 3 : i32
        %parallel_loop3A_695 = arith.index_cast %parallel_loop3A_694 : i32 to index
        %parallel_loop3A_696 = arith.index_cast %parallel_loop3A_661 : i32 to index
        %parallel_loop3A_697 = arith.constant 32 : index
        %parallel_loop3A_698 = tpu.vector_load %arg6[%parallel_loop3A_695, %parallel_loop3A_696, %parallel_loop3A_697] {strides = array<i32>} : memref<8x128x64xf32, #tpu.memory_space<vmem>>, vector<1x1x16xf32>,
        %parallel_loop3A_699 = vector.shape_cast %parallel_loop3A_698 : vector<1x1x16xf32> to vector<16xf32>
        %parallel_loop3A_700 = arith.constant 8.000000e+00 : f32
        %parallel_loop3A_701 = vector.broadcast %parallel_loop3A_700 : f32 to vector<16xf32>
        %parallel_loop3A_702 = arith.mulf %parallel_loop3A_699, %parallel_loop3A_701 : vector<16xf32>
        %parallel_loop3A_703 = arith.constant 3 : i32
        %parallel_loop3A_704 = arith.index_cast %parallel_loop3A_703 : i32 to index
        %parallel_loop3A_705 = arith.index_cast %parallel_loop3A_661 : i32 to index
        %parallel_loop3A_706 = arith.constant 32 : index
        %parallel_loop3A_707 = tpu.vector_load %arg6[%parallel_loop3A_704, %parallel_loop3A_705, %parallel_loop3A_706] {strides = array<i32>} : memref<8x128x64xf32, #tpu.memory_space<vmem>>, vector<1x1x16xf32>,
        %parallel_loop3A_708 = vector.shape_cast %parallel_loop3A_707 : vector<1x1x16xf32> to vector<16xf32>
        %parallel_loop3A_709 = vector.shape_cast %parallel_loop3A_702 : vector<16xf32> to vector<1x1x16xf32>
        tpu.vector_store %arg6[%parallel_loop3A_704, %parallel_loop3A_705, %parallel_loop3A_706], %parallel_loop3A_709 {strides = array<i32>} : memref<8x128x64xf32, #tpu.memory_space<vmem>>, vector<1x1x16xf32>,
        %parallel_loop3A_710 = arith.constant 3 : i32
        %parallel_loop3A_711 = arith.index_cast %parallel_loop3A_710 : i32 to index
        %parallel_loop3A_712 = arith.index_cast %parallel_loop3A_661 : i32 to index
        %parallel_loop3A_713 = arith.constant 48 : index
        %parallel_loop3A_714 = tpu.vector_load %arg6[%parallel_loop3A_711, %parallel_loop3A_712, %parallel_loop3A_713] {strides = array<i32>} : memref<8x128x64xf32, #tpu.memory_space<vmem>>, vector<1x1x16xf32>,
        %parallel_loop3A_715 = vector.shape_cast %parallel_loop3A_714 : vector<1x1x16xf32> to vector<16xf32>
        %parallel_loop3A_716 = arith.constant 8.000000e+00 : f32
        %parallel_loop3A_717 = vector.broadcast %parallel_loop3A_716 : f32 to vector<16xf32>
        %parallel_loop3A_718 = arith.mulf %parallel_loop3A_715, %parallel_loop3A_717 : vector<16xf32>
        %parallel_loop3A_719 = arith.constant 3 : i32
        %parallel_loop3A_720 = arith.index_cast %parallel_loop3A_719 : i32 to index
        %parallel_loop3A_721 = arith.index_cast %parallel_loop3A_661 : i32 to index
        %parallel_loop3A_722 = arith.constant 48 : index
        %parallel_loop3A_723 = tpu.vector_load %arg6[%parallel_loop3A_720, %parallel_loop3A_721, %parallel_loop3A_722] {strides = array<i32>} : memref<8x128x64xf32, #tpu.memory_space<vmem>>, vector<1x1x16xf32>,
        %parallel_loop3A_724 = vector.shape_cast %parallel_loop3A_723 : vector<1x1x16xf32> to vector<16xf32>
        %parallel_loop3A_725 = vector.shape_cast %parallel_loop3A_718 : vector<16xf32> to vector<1x1x16xf32>
        tpu.vector_store %arg6[%parallel_loop3A_720, %parallel_loop3A_721, %parallel_loop3A_722], %parallel_loop3A_725 {strides = array<i32>} : memref<8x128x64xf32, #tpu.memory_space<vmem>>, vector<1x1x16xf32>,
      } {sc.loop_unroll_factor = 8 : i64, sc.parallel_access}
      %add3A_421 = arith.addi %mul3A_2, %add3A_399 : i32
      %dma_start3A_422 = arith.constant 3 : i32
      %dma_start3A_423 = arith.constant 3 : i32
      %dma_start3A_424 = arith.constant 0 : i32
      %dma_start3A_425 = arith.constant 0 : i32
      %dma_start3A_426 = tpu.memref_slice %arg6[%dma_start3A_422, %dma_start3A_424, %dma_start3A_425] : memref<8x128x64xf32, #tpu.memory_space<vmem>> -> memref<1x128x64xf32, #tpu.memory_space<vmem>>
      %dma_start3A_427 = tpu.memref_squeeze %dma_start3A_426 : memref<1x128x64xf32, #tpu.memory_space<vmem>> -> memref<128x64xf32, #tpu.memory_space<vmem>>
      %dma_start3A_428 = arith.constant 0 : i32
      %dma_start3A_429 = arith.constant 0 : i32
      %dma_start3A_430 = tpu.memref_slice %arg4[%add3A_421, %dma_start3A_428, %dma_start3A_429] : memref<6400x128x64xf32, #tpu.memory_space<hbm>> -> memref<1x128x64xf32, #tpu.memory_space<hbm>>
      %dma_start3A_431 = tpu.memref_squeeze %dma_start3A_430 : memref<1x128x64xf32, #tpu.memory_space<hbm>> -> memref<128x64xf32, #tpu.memory_space<hbm>>
      %dma_start3A_432 = tpu.memref_slice %arg8[%dma_start3A_423] : memref<8x!tpu.dma_semaphore, #tpu.memory_space<semaphore_mem>> -> memref<1x!tpu.dma_semaphore, #tpu.memory_space<semaphore_mem>>
      %dma_start3A_433 = tpu.memref_squeeze %dma_start3A_432 : memref<1x!tpu.dma_semaphore, #tpu.memory_space<semaphore_mem>> -> memref<!tpu.dma_semaphore, #tpu.memory_space<semaphore_mem>>
      %dma_start3A_434 = arith.constant 0 : i32
      %dma_start3A_435 = arith.constant 0 : i32
      %dma_start3A_436 = tpu.memref_slice %arg4[%add3A_421, %dma_start3A_434, %dma_start3A_435] : memref<6400x128x64xf32, #tpu.memory_space<hbm>> -> memref<1x128x64xf32, #tpu.memory_space<hbm>>
      %dma_start3A_437 = tpu.memref_squeeze %dma_start3A_436 : memref<1x128x64xf32, #tpu.memory_space<hbm>> -> memref<128x64xf32, #tpu.memory_space<hbm>>
      %dma_start3A_438 = arith.constant 0 : i32
      %dma_start3A_439 = arith.constant 0 : i32
      %dma_start3A_440 = tpu.memref_slice %arg6[%dma_start3A_422, %dma_start3A_438, %dma_start3A_439] : memref<8x128x64xf32, #tpu.memory_space<vmem>> -> memref<1x128x64xf32, #tpu.memory_space<vmem>>
      %dma_start3A_441 = tpu.memref_squeeze %dma_start3A_440 : memref<1x128x64xf32, #tpu.memory_space<vmem>> -> memref<128x64xf32, #tpu.memory_space<vmem>>
      tpu.enqueue_dma source(%dma_start3A_441 : memref<128x64xf32, #tpu.memory_space<vmem>>) target(%dma_start3A_437 : memref<128x64xf32, #tpu.memory_space<hbm>>) target_semaphore(%dma_start3A_433 : memref<!tpu.dma_semaphore, #tpu.memory_space<semaphore_mem>>)
      %add3A_442 = arith.constant 6 : i32
      %add3A_443 = arith.addi %add3A_399, %add3A_442 : i32
      %lt3A_444 = arith.constant 200 : i32
      %lt3A_445 = arith.cmpi slt, %add3A_443, %lt3A_444 : i32
      %convert_element_type3A_446 = arith.extui %lt3A_445 : i1 to i32
      %cond3A_447 = arith.constant 0 : i32
      %cond3A_448 = arith.cmpi ne, %convert_element_type3A_446, %cond3A_447 : i32
      scf.if %cond3A_448 {
        %ge3A = arith.constant 2 : i32
        %ge3A_661 = arith.cmpi sge, %add3A_399, %ge3A : i32
        %convert_element_type3A_662 = arith.extui %ge3A_661 : i1 to i32
        %cond3A_663 = arith.constant 0 : i32
        %cond3A_664 = arith.cmpi ne, %convert_element_type3A_662, %cond3A_663 : i32
        scf.if %cond3A_664 {
          %dma_wait3A_679 = arith.constant 1 : i32
          %dma_wait3A_680 = arith.constant 1 : i32
          %dma_wait3A_681 = arith.constant 0 : i32
          %dma_wait3A_682 = arith.constant 0 : i32
          %dma_wait3A_683 = tpu.memref_slice %arg6[%dma_wait3A_679, %dma_wait3A_681, %dma_wait3A_682] : memref<8x128x64xf32, #tpu.memory_space<vmem>> -> memref<1x128x64xf32, #tpu.memory_space<vmem>>
          %dma_wait3A_684 = tpu.memref_squeeze %dma_wait3A_683 : memref<1x128x64xf32, #tpu.memory_space<vmem>> -> memref<128x64xf32, #tpu.memory_space<vmem>>
          %dma_wait3A_685 = arith.constant 0 : i32
          %dma_wait3A_686 = arith.constant 0 : i32
          %dma_wait3A_687 = tpu.memref_slice %arg3[%dma_wait3A_685, %dma_wait3A_686] : memref<1000000x64xf32, #tpu.memory_space<hbm>> -> memref<128x64xf32, #tpu.memory_space<hbm>>
          %dma_wait3A_688 = tpu.memref_slice %arg8[%dma_wait3A_680] : memref<8x!tpu.dma_semaphore, #tpu.memory_space<semaphore_mem>> -> memref<1x!tpu.dma_semaphore, #tpu.memory_space<semaphore_mem>>
          %dma_wait3A_689 = tpu.memref_squeeze %dma_wait3A_688 : memref<1x!tpu.dma_semaphore, #tpu.memory_space<semaphore_mem>> -> memref<!tpu.dma_semaphore, #tpu.memory_space<semaphore_mem>>
          %dma_wait3A_690 = arith.constant 0 : i32
          %dma_wait3A_691 = arith.constant 0 : i32
          %dma_wait3A_692 = tpu.memref_slice %arg6[%dma_wait3A_679, %dma_wait3A_690, %dma_wait3A_691] : memref<8x128x64xf32, #tpu.memory_space<vmem>> -> memref<1x128x64xf32, #tpu.memory_space<vmem>>
          %dma_wait3A_693 = tpu.memref_squeeze %dma_wait3A_692 : memref<1x128x64xf32, #tpu.memory_space<vmem>> -> memref<128x64xf32, #tpu.memory_space<vmem>>
          %dma_wait3A_694 = arith.constant 0 : i32
          %dma_wait3A_695 = arith.constant 0 : i32
          %dma_wait3A_696 = tpu.memref_slice %arg3[%dma_wait3A_694, %dma_wait3A_695] : memref<1000000x64xf32, #tpu.memory_space<hbm>> -> memref<128x64xf32, #tpu.memory_space<hbm>>
          tpu.wait_dma2 semaphore(%dma_wait3A_689 : memref<!tpu.dma_semaphore, #tpu.memory_space<semaphore_mem>>) src(%dma_wait3A_696 : memref<128x64xf32, #tpu.memory_space<hbm>>) dst(%dma_wait3A_693 : memref<128x64xf32, #tpu.memory_space<vmem>>)
        } else {
        }
        %dma_start3A_665 = arith.constant 1 : i32
        %dma_start3A_666 = arith.constant 1 : i32
        %dma_start3A_667 = arith.constant 0 : i32
        %dma_start3A_668 = arith.constant 0 : i32
        %dma_start3A_669 = tpu.memref_slice %arg6[%dma_start3A_665, %dma_start3A_667, %dma_start3A_668] : memref<8x128x64xf32, #tpu.memory_space<vmem>> -> memref<1x128x64xf32, #tpu.memory_space<vmem>>
        %dma_start3A_670 = tpu.memref_squeeze %dma_start3A_669 : memref<1x128x64xf32, #tpu.memory_space<vmem>> -> memref<128x64xf32, #tpu.memory_space<vmem>>
        %dma_start3A_671 = arith.constant 0 : i32
        %dma_start3A_672 = tpu.memref_slice %arg5[%add3A_443, %dma_start3A_671] : memref<200x128xi32, #tpu.memory_space<vmem>> -> memref<1x128xi32, #tpu.memory_space<vmem>>
        %dma_start3A_673 = tpu.memref_squeeze %dma_start3A_672 : memref<1x128xi32, #tpu.memory_space<vmem>> -> memref<128xi32, #tpu.memory_space<vmem>>
        %dma_start3A_674 = arith.constant 0 : i32
        %dma_start3A_675 = arith.constant 0 : i32
        %dma_start3A_676 = tpu.memref_slice %arg3[%dma_start3A_674, %dma_start3A_675] : memref<1000000x64xf32, #tpu.memory_space<hbm>> -> memref<1000000x64xf32, #tpu.memory_space<hbm>>
        %dma_start3A_677 = tpu.memref_slice %arg7[%dma_start3A_666] : memref<8x!tpu.dma_semaphore, #tpu.memory_space<semaphore_mem>> -> memref<1x!tpu.dma_semaphore, #tpu.memory_space<semaphore_mem>>
        %dma_start3A_678 = tpu.memref_squeeze %dma_start3A_677 : memref<1x!tpu.dma_semaphore, #tpu.memory_space<semaphore_mem>> -> memref<!tpu.dma_semaphore, #tpu.memory_space<semaphore_mem>>
        tpu.enqueue_indirect_dma source(%dma_start3A_676 : memref<1000000x64xf32, #tpu.memory_space<hbm>>) target(%dma_start3A_670 : memref<128x64xf32, #tpu.memory_space<vmem>>) offsets(%dma_start3A_673 : memref<128xi32, #tpu.memory_space<vmem>>) semaphore(%dma_start3A_678 : memref<!tpu.dma_semaphore, #tpu.memory_space<semaphore_mem>>)
      } else {
      }
      %mul3A_449 = arith.constant 8 : i32
      %mul3A_450 = arith.muli %scan3A_240, %mul3A_449 : i32
      %add3A_451 = arith.constant 4 : i32
      %add3A_452 = arith.addi %mul3A_450, %add3A_451 : i32
      %dma_wait3A_453 = arith.constant 4 : i32
      %dma_wait3A_454 = arith.constant 4 : i32
      %dma_wait3A_455 = arith.constant 0 : i32
      %dma_wait3A_456 = arith.constant 0 : i32
      %dma_wait3A_457 = tpu.memref_slice %arg6[%dma_wait3A_453, %dma_wait3A_455, %dma_wait3A_456] : memref<8x128x64xf32, #tpu.memory_space<vmem>> -> memref<1x128x64xf32, #tpu.memory_space<vmem>>
      %dma_wait3A_458 = tpu.memref_squeeze %dma_wait3A_457 : memref<1x128x64xf32, #tpu.memory_space<vmem>> -> memref<128x64xf32, #tpu.memory_space<vmem>>
      %dma_wait3A_459 = arith.constant 0 : i32
      %dma_wait3A_460 = arith.constant 0 : i32
      %dma_wait3A_461 = tpu.memref_slice %arg3[%dma_wait3A_459, %dma_wait3A_460] : memref<1000000x64xf32, #tpu.memory_space<hbm>> -> memref<128x64xf32, #tpu.memory_space<hbm>>
      %dma_wait3A_462 = tpu.memref_slice %arg7[%dma_wait3A_454] : memref<8x!tpu.dma_semaphore, #tpu.memory_space<semaphore_mem>> -> memref<1x!tpu.dma_semaphore, #tpu.memory_space<semaphore_mem>>
      %dma_wait3A_463 = tpu.memref_squeeze %dma_wait3A_462 : memref<1x!tpu.dma_semaphore, #tpu.memory_space<semaphore_mem>> -> memref<!tpu.dma_semaphore, #tpu.memory_space<semaphore_mem>>
      %dma_wait3A_464 = arith.constant 0 : i32
      %dma_wait3A_465 = arith.constant 0 : i32
      %dma_wait3A_466 = tpu.memref_slice %arg6[%dma_wait3A_453, %dma_wait3A_464, %dma_wait3A_465] : memref<8x128x64xf32, #tpu.memory_space<vmem>> -> memref<1x128x64xf32, #tpu.memory_space<vmem>>
      %dma_wait3A_467 = tpu.memref_squeeze %dma_wait3A_466 : memref<1x128x64xf32, #tpu.memory_space<vmem>> -> memref<128x64xf32, #tpu.memory_space<vmem>>
      %dma_wait3A_468 = arith.constant 0 : i32
      %dma_wait3A_469 = arith.constant 0 : i32
      %dma_wait3A_470 = tpu.memref_slice %arg3[%dma_wait3A_468, %dma_wait3A_469] : memref<1000000x64xf32, #tpu.memory_space<hbm>> -> memref<128x64xf32, #tpu.memory_space<hbm>>
      tpu.wait_dma2 semaphore(%dma_wait3A_463 : memref<!tpu.dma_semaphore, #tpu.memory_space<semaphore_mem>>) src(%dma_wait3A_470 : memref<128x64xf32, #tpu.memory_space<hbm>>) dst(%dma_wait3A_467 : memref<128x64xf32, #tpu.memory_space<vmem>>)
      %parallel_loop3A_471 = arith.constant 0 : i32
      %parallel_loop3A_472 = arith.constant 128 : i32
      %parallel_loop3A_473 = arith.constant 1 : i32
      scf.for %parallel_loop3A_661 = %parallel_loop3A_471 to %parallel_loop3A_472 step %parallel_loop3A_473  : i32 {
        %parallel_loop3A_662 = arith.constant 4 : i32
        %parallel_loop3A_663 = arith.index_cast %parallel_loop3A_662 : i32 to index
        %parallel_loop3A_664 = arith.index_cast %parallel_loop3A_661 : i32 to index
        %parallel_loop3A_665 = arith.constant 0 : index
        %parallel_loop3A_666 = tpu.vector_load %arg6[%parallel_loop3A_663, %parallel_loop3A_664, %parallel_loop3A_665] {strides = array<i32>} : memref<8x128x64xf32, #tpu.memory_space<vmem>>, vector<1x1x16xf32>,
        %parallel_loop3A_667 = vector.shape_cast %parallel_loop3A_666 : vector<1x1x16xf32> to vector<16xf32>
        %parallel_loop3A_668 = arith.constant 8.000000e+00 : f32
        %parallel_loop3A_669 = vector.broadcast %parallel_loop3A_668 : f32 to vector<16xf32>
        %parallel_loop3A_670 = arith.mulf %parallel_loop3A_667, %parallel_loop3A_669 : vector<16xf32>
        %parallel_loop3A_671 = arith.constant 4 : i32
        %parallel_loop3A_672 = arith.index_cast %parallel_loop3A_671 : i32 to index
        %parallel_loop3A_673 = arith.index_cast %parallel_loop3A_661 : i32 to index
        %parallel_loop3A_674 = arith.constant 0 : index
        %parallel_loop3A_675 = tpu.vector_load %arg6[%parallel_loop3A_672, %parallel_loop3A_673, %parallel_loop3A_674] {strides = array<i32>} : memref<8x128x64xf32, #tpu.memory_space<vmem>>, vector<1x1x16xf32>,
        %parallel_loop3A_676 = vector.shape_cast %parallel_loop3A_675 : vector<1x1x16xf32> to vector<16xf32>
        %parallel_loop3A_677 = vector.shape_cast %parallel_loop3A_670 : vector<16xf32> to vector<1x1x16xf32>
        tpu.vector_store %arg6[%parallel_loop3A_672, %parallel_loop3A_673, %parallel_loop3A_674], %parallel_loop3A_677 {strides = array<i32>} : memref<8x128x64xf32, #tpu.memory_space<vmem>>, vector<1x1x16xf32>,
        %parallel_loop3A_678 = arith.constant 4 : i32
        %parallel_loop3A_679 = arith.index_cast %parallel_loop3A_678 : i32 to index
        %parallel_loop3A_680 = arith.index_cast %parallel_loop3A_661 : i32 to index
        %parallel_loop3A_681 = arith.constant 16 : index
        %parallel_loop3A_682 = tpu.vector_load %arg6[%parallel_loop3A_679, %parallel_loop3A_680, %parallel_loop3A_681] {strides = array<i32>} : memref<8x128x64xf32, #tpu.memory_space<vmem>>, vector<1x1x16xf32>,
        %parallel_loop3A_683 = vector.shape_cast %parallel_loop3A_682 : vector<1x1x16xf32> to vector<16xf32>
        %parallel_loop3A_684 = arith.constant 8.000000e+00 : f32
        %parallel_loop3A_685 = vector.broadcast %parallel_loop3A_684 : f32 to vector<16xf32>
        %parallel_loop3A_686 = arith.mulf %parallel_loop3A_683, %parallel_loop3A_685 : vector<16xf32>
        %parallel_loop3A_687 = arith.constant 4 : i32
        %parallel_loop3A_688 = arith.index_cast %parallel_loop3A_687 : i32 to index
        %parallel_loop3A_689 = arith.index_cast %parallel_loop3A_661 : i32 to index
        %parallel_loop3A_690 = arith.constant 16 : index
        %parallel_loop3A_691 = tpu.vector_load %arg6[%parallel_loop3A_688, %parallel_loop3A_689, %parallel_loop3A_690] {strides = array<i32>} : memref<8x128x64xf32, #tpu.memory_space<vmem>>, vector<1x1x16xf32>,
        %parallel_loop3A_692 = vector.shape_cast %parallel_loop3A_691 : vector<1x1x16xf32> to vector<16xf32>
        %parallel_loop3A_693 = vector.shape_cast %parallel_loop3A_686 : vector<16xf32> to vector<1x1x16xf32>
        tpu.vector_store %arg6[%parallel_loop3A_688, %parallel_loop3A_689, %parallel_loop3A_690], %parallel_loop3A_693 {strides = array<i32>} : memref<8x128x64xf32, #tpu.memory_space<vmem>>, vector<1x1x16xf32>,
        %parallel_loop3A_694 = arith.constant 4 : i32
        %parallel_loop3A_695 = arith.index_cast %parallel_loop3A_694 : i32 to index
        %parallel_loop3A_696 = arith.index_cast %parallel_loop3A_661 : i32 to index
        %parallel_loop3A_697 = arith.constant 32 : index
        %parallel_loop3A_698 = tpu.vector_load %arg6[%parallel_loop3A_695, %parallel_loop3A_696, %parallel_loop3A_697] {strides = array<i32>} : memref<8x128x64xf32, #tpu.memory_space<vmem>>, vector<1x1x16xf32>,
        %parallel_loop3A_699 = vector.shape_cast %parallel_loop3A_698 : vector<1x1x16xf32> to vector<16xf32>
        %parallel_loop3A_700 = arith.constant 8.000000e+00 : f32
        %parallel_loop3A_701 = vector.broadcast %parallel_loop3A_700 : f32 to vector<16xf32>
        %parallel_loop3A_702 = arith.mulf %parallel_loop3A_699, %parallel_loop3A_701 : vector<16xf32>
        %parallel_loop3A_703 = arith.constant 4 : i32
        %parallel_loop3A_704 = arith.index_cast %parallel_loop3A_703 : i32 to index
        %parallel_loop3A_705 = arith.index_cast %parallel_loop3A_661 : i32 to index
        %parallel_loop3A_706 = arith.constant 32 : index
        %parallel_loop3A_707 = tpu.vector_load %arg6[%parallel_loop3A_704, %parallel_loop3A_705, %parallel_loop3A_706] {strides = array<i32>} : memref<8x128x64xf32, #tpu.memory_space<vmem>>, vector<1x1x16xf32>,
        %parallel_loop3A_708 = vector.shape_cast %parallel_loop3A_707 : vector<1x1x16xf32> to vector<16xf32>
        %parallel_loop3A_709 = vector.shape_cast %parallel_loop3A_702 : vector<16xf32> to vector<1x1x16xf32>
        tpu.vector_store %arg6[%parallel_loop3A_704, %parallel_loop3A_705, %parallel_loop3A_706], %parallel_loop3A_709 {strides = array<i32>} : memref<8x128x64xf32, #tpu.memory_space<vmem>>, vector<1x1x16xf32>,
        %parallel_loop3A_710 = arith.constant 4 : i32
        %parallel_loop3A_711 = arith.index_cast %parallel_loop3A_710 : i32 to index
        %parallel_loop3A_712 = arith.index_cast %parallel_loop3A_661 : i32 to index
        %parallel_loop3A_713 = arith.constant 48 : index
        %parallel_loop3A_714 = tpu.vector_load %arg6[%parallel_loop3A_711, %parallel_loop3A_712, %parallel_loop3A_713] {strides = array<i32>} : memref<8x128x64xf32, #tpu.memory_space<vmem>>, vector<1x1x16xf32>,
        %parallel_loop3A_715 = vector.shape_cast %parallel_loop3A_714 : vector<1x1x16xf32> to vector<16xf32>
        %parallel_loop3A_716 = arith.constant 8.000000e+00 : f32
        %parallel_loop3A_717 = vector.broadcast %parallel_loop3A_716 : f32 to vector<16xf32>
        %parallel_loop3A_718 = arith.mulf %parallel_loop3A_715, %parallel_loop3A_717 : vector<16xf32>
        %parallel_loop3A_719 = arith.constant 4 : i32
        %parallel_loop3A_720 = arith.index_cast %parallel_loop3A_719 : i32 to index
        %parallel_loop3A_721 = arith.index_cast %parallel_loop3A_661 : i32 to index
        %parallel_loop3A_722 = arith.constant 48 : index
        %parallel_loop3A_723 = tpu.vector_load %arg6[%parallel_loop3A_720, %parallel_loop3A_721, %parallel_loop3A_722] {strides = array<i32>} : memref<8x128x64xf32, #tpu.memory_space<vmem>>, vector<1x1x16xf32>,
        %parallel_loop3A_724 = vector.shape_cast %parallel_loop3A_723 : vector<1x1x16xf32> to vector<16xf32>
        %parallel_loop3A_725 = vector.shape_cast %parallel_loop3A_718 : vector<16xf32> to vector<1x1x16xf32>
        tpu.vector_store %arg6[%parallel_loop3A_720, %parallel_loop3A_721, %parallel_loop3A_722], %parallel_loop3A_725 {strides = array<i32>} : memref<8x128x64xf32, #tpu.memory_space<vmem>>, vector<1x1x16xf32>,
      } {sc.loop_unroll_factor = 8 : i64, sc.parallel_access}
      %add3A_474 = arith.addi %mul3A_2, %add3A_452 : i32
      %dma_start3A_475 = arith.constant 4 : i32
      %dma_start3A_476 = arith.constant 4 : i32
      %dma_start3A_477 = arith.constant 0 : i32
      %dma_start3A_478 = arith.constant 0 : i32
      %dma_start3A_479 = tpu.memref_slice %arg6[%dma_start3A_475, %dma_start3A_477, %dma_start3A_478] : memref<8x128x64xf32, #tpu.memory_space<vmem>> -> memref<1x128x64xf32, #tpu.memory_space<vmem>>
      %dma_start3A_480 = tpu.memref_squeeze %dma_start3A_479 : memref<1x128x64xf32, #tpu.memory_space<vmem>> -> memref<128x64xf32, #tpu.memory_space<vmem>>
      %dma_start3A_481 = arith.constant 0 : i32
      %dma_start3A_482 = arith.constant 0 : i32
      %dma_start3A_483 = tpu.memref_slice %arg4[%add3A_474, %dma_start3A_481, %dma_start3A_482] : memref<6400x128x64xf32, #tpu.memory_space<hbm>> -> memref<1x128x64xf32, #tpu.memory_space<hbm>>
      %dma_start3A_484 = tpu.memref_squeeze %dma_start3A_483 : memref<1x128x64xf32, #tpu.memory_space<hbm>> -> memref<128x64xf32, #tpu.memory_space<hbm>>
      %dma_start3A_485 = tpu.memref_slice %arg8[%dma_start3A_476] : memref<8x!tpu.dma_semaphore, #tpu.memory_space<semaphore_mem>> -> memref<1x!tpu.dma_semaphore, #tpu.memory_space<semaphore_mem>>
      %dma_start3A_486 = tpu.memref_squeeze %dma_start3A_485 : memref<1x!tpu.dma_semaphore, #tpu.memory_space<semaphore_mem>> -> memref<!tpu.dma_semaphore, #tpu.memory_space<semaphore_mem>>
      %dma_start3A_487 = arith.constant 0 : i32
      %dma_start3A_488 = arith.constant 0 : i32
      %dma_start3A_489 = tpu.memref_slice %arg4[%add3A_474, %dma_start3A_487, %dma_start3A_488] : memref<6400x128x64xf32, #tpu.memory_space<hbm>> -> memref<1x128x64xf32, #tpu.memory_space<hbm>>
      %dma_start3A_490 = tpu.memref_squeeze %dma_start3A_489 : memref<1x128x64xf32, #tpu.memory_space<hbm>> -> memref<128x64xf32, #tpu.memory_space<hbm>>
      %dma_start3A_491 = arith.constant 0 : i32
      %dma_start3A_492 = arith.constant 0 : i32
      %dma_start3A_493 = tpu.memref_slice %arg6[%dma_start3A_475, %dma_start3A_491, %dma_start3A_492] : memref<8x128x64xf32, #tpu.memory_space<vmem>> -> memref<1x128x64xf32, #tpu.memory_space<vmem>>
      %dma_start3A_494 = tpu.memref_squeeze %dma_start3A_493 : memref<1x128x64xf32, #tpu.memory_space<vmem>> -> memref<128x64xf32, #tpu.memory_space<vmem>>
      tpu.enqueue_dma source(%dma_start3A_494 : memref<128x64xf32, #tpu.memory_space<vmem>>) target(%dma_start3A_490 : memref<128x64xf32, #tpu.memory_space<hbm>>) target_semaphore(%dma_start3A_486 : memref<!tpu.dma_semaphore, #tpu.memory_space<semaphore_mem>>)
      %add3A_495 = arith.constant 6 : i32
      %add3A_496 = arith.addi %add3A_452, %add3A_495 : i32
      %lt3A_497 = arith.constant 200 : i32
      %lt3A_498 = arith.cmpi slt, %add3A_496, %lt3A_497 : i32
      %convert_element_type3A_499 = arith.extui %lt3A_498 : i1 to i32
      %cond3A_500 = arith.constant 0 : i32
      %cond3A_501 = arith.cmpi ne, %convert_element_type3A_499, %cond3A_500 : i32
      scf.if %cond3A_501 {
        %ge3A = arith.constant 2 : i32
        %ge3A_661 = arith.cmpi sge, %add3A_452, %ge3A : i32
        %convert_element_type3A_662 = arith.extui %ge3A_661 : i1 to i32
        %cond3A_663 = arith.constant 0 : i32
        %cond3A_664 = arith.cmpi ne, %convert_element_type3A_662, %cond3A_663 : i32
        scf.if %cond3A_664 {
          %dma_wait3A_679 = arith.constant 2 : i32
          %dma_wait3A_680 = arith.constant 2 : i32
          %dma_wait3A_681 = arith.constant 0 : i32
          %dma_wait3A_682 = arith.constant 0 : i32
          %dma_wait3A_683 = tpu.memref_slice %arg6[%dma_wait3A_679, %dma_wait3A_681, %dma_wait3A_682] : memref<8x128x64xf32, #tpu.memory_space<vmem>> -> memref<1x128x64xf32, #tpu.memory_space<vmem>>
          %dma_wait3A_684 = tpu.memref_squeeze %dma_wait3A_683 : memref<1x128x64xf32, #tpu.memory_space<vmem>> -> memref<128x64xf32, #tpu.memory_space<vmem>>
          %dma_wait3A_685 = arith.constant 0 : i32
          %dma_wait3A_686 = arith.constant 0 : i32
          %dma_wait3A_687 = tpu.memref_slice %arg3[%dma_wait3A_685, %dma_wait3A_686] : memref<1000000x64xf32, #tpu.memory_space<hbm>> -> memref<128x64xf32, #tpu.memory_space<hbm>>
          %dma_wait3A_688 = tpu.memref_slice %arg8[%dma_wait3A_680] : memref<8x!tpu.dma_semaphore, #tpu.memory_space<semaphore_mem>> -> memref<1x!tpu.dma_semaphore, #tpu.memory_space<semaphore_mem>>
          %dma_wait3A_689 = tpu.memref_squeeze %dma_wait3A_688 : memref<1x!tpu.dma_semaphore, #tpu.memory_space<semaphore_mem>> -> memref<!tpu.dma_semaphore, #tpu.memory_space<semaphore_mem>>
          %dma_wait3A_690 = arith.constant 0 : i32
          %dma_wait3A_691 = arith.constant 0 : i32
          %dma_wait3A_692 = tpu.memref_slice %arg6[%dma_wait3A_679, %dma_wait3A_690, %dma_wait3A_691] : memref<8x128x64xf32, #tpu.memory_space<vmem>> -> memref<1x128x64xf32, #tpu.memory_space<vmem>>
          %dma_wait3A_693 = tpu.memref_squeeze %dma_wait3A_692 : memref<1x128x64xf32, #tpu.memory_space<vmem>> -> memref<128x64xf32, #tpu.memory_space<vmem>>
          %dma_wait3A_694 = arith.constant 0 : i32
          %dma_wait3A_695 = arith.constant 0 : i32
          %dma_wait3A_696 = tpu.memref_slice %arg3[%dma_wait3A_694, %dma_wait3A_695] : memref<1000000x64xf32, #tpu.memory_space<hbm>> -> memref<128x64xf32, #tpu.memory_space<hbm>>
          tpu.wait_dma2 semaphore(%dma_wait3A_689 : memref<!tpu.dma_semaphore, #tpu.memory_space<semaphore_mem>>) src(%dma_wait3A_696 : memref<128x64xf32, #tpu.memory_space<hbm>>) dst(%dma_wait3A_693 : memref<128x64xf32, #tpu.memory_space<vmem>>)
        } else {
        }
        %dma_start3A_665 = arith.constant 2 : i32
        %dma_start3A_666 = arith.constant 2 : i32
        %dma_start3A_667 = arith.constant 0 : i32
        %dma_start3A_668 = arith.constant 0 : i32
        %dma_start3A_669 = tpu.memref_slice %arg6[%dma_start3A_665, %dma_start3A_667, %dma_start3A_668] : memref<8x128x64xf32, #tpu.memory_space<vmem>> -> memref<1x128x64xf32, #tpu.memory_space<vmem>>
        %dma_start3A_670 = tpu.memref_squeeze %dma_start3A_669 : memref<1x128x64xf32, #tpu.memory_space<vmem>> -> memref<128x64xf32, #tpu.memory_space<vmem>>
        %dma_start3A_671 = arith.constant 0 : i32
        %dma_start3A_672 = tpu.memref_slice %arg5[%add3A_496, %dma_start3A_671] : memref<200x128xi32, #tpu.memory_space<vmem>> -> memref<1x128xi32, #tpu.memory_space<vmem>>
        %dma_start3A_673 = tpu.memref_squeeze %dma_start3A_672 : memref<1x128xi32, #tpu.memory_space<vmem>> -> memref<128xi32, #tpu.memory_space<vmem>>
        %dma_start3A_674 = arith.constant 0 : i32
        %dma_start3A_675 = arith.constant 0 : i32
        %dma_start3A_676 = tpu.memref_slice %arg3[%dma_start3A_674, %dma_start3A_675] : memref<1000000x64xf32, #tpu.memory_space<hbm>> -> memref<1000000x64xf32, #tpu.memory_space<hbm>>
        %dma_start3A_677 = tpu.memref_slice %arg7[%dma_start3A_666] : memref<8x!tpu.dma_semaphore, #tpu.memory_space<semaphore_mem>> -> memref<1x!tpu.dma_semaphore, #tpu.memory_space<semaphore_mem>>
        %dma_start3A_678 = tpu.memref_squeeze %dma_start3A_677 : memref<1x!tpu.dma_semaphore, #tpu.memory_space<semaphore_mem>> -> memref<!tpu.dma_semaphore, #tpu.memory_space<semaphore_mem>>
        tpu.enqueue_indirect_dma source(%dma_start3A_676 : memref<1000000x64xf32, #tpu.memory_space<hbm>>) target(%dma_start3A_670 : memref<128x64xf32, #tpu.memory_space<vmem>>) offsets(%dma_start3A_673 : memref<128xi32, #tpu.memory_space<vmem>>) semaphore(%dma_start3A_678 : memref<!tpu.dma_semaphore, #tpu.memory_space<semaphore_mem>>)
      } else {
      }
      %mul3A_502 = arith.constant 8 : i32
      %mul3A_503 = arith.muli %scan3A_240, %mul3A_502 : i32
      %add3A_504 = arith.constant 5 : i32
      %add3A_505 = arith.addi %mul3A_503, %add3A_504 : i32
      %dma_wait3A_506 = arith.constant 5 : i32
      %dma_wait3A_507 = arith.constant 5 : i32
      %dma_wait3A_508 = arith.constant 0 : i32
      %dma_wait3A_509 = arith.constant 0 : i32
      %dma_wait3A_510 = tpu.memref_slice %arg6[%dma_wait3A_506, %dma_wait3A_508, %dma_wait3A_509] : memref<8x128x64xf32, #tpu.memory_space<vmem>> -> memref<1x128x64xf32, #tpu.memory_space<vmem>>
      %dma_wait3A_511 = tpu.memref_squeeze %dma_wait3A_510 : memref<1x128x64xf32, #tpu.memory_space<vmem>> -> memref<128x64xf32, #tpu.memory_space<vmem>>
      %dma_wait3A_512 = arith.constant 0 : i32
      %dma_wait3A_513 = arith.constant 0 : i32
      %dma_wait3A_514 = tpu.memref_slice %arg3[%dma_wait3A_512, %dma_wait3A_513] : memref<1000000x64xf32, #tpu.memory_space<hbm>> -> memref<128x64xf32, #tpu.memory_space<hbm>>
      %dma_wait3A_515 = tpu.memref_slice %arg7[%dma_wait3A_507] : memref<8x!tpu.dma_semaphore, #tpu.memory_space<semaphore_mem>> -> memref<1x!tpu.dma_semaphore, #tpu.memory_space<semaphore_mem>>
      %dma_wait3A_516 = tpu.memref_squeeze %dma_wait3A_515 : memref<1x!tpu.dma_semaphore, #tpu.memory_space<semaphore_mem>> -> memref<!tpu.dma_semaphore, #tpu.memory_space<semaphore_mem>>
      %dma_wait3A_517 = arith.constant 0 : i32
      %dma_wait3A_518 = arith.constant 0 : i32
      %dma_wait3A_519 = tpu.memref_slice %arg6[%dma_wait3A_506, %dma_wait3A_517, %dma_wait3A_518] : memref<8x128x64xf32, #tpu.memory_space<vmem>> -> memref<1x128x64xf32, #tpu.memory_space<vmem>>
      %dma_wait3A_520 = tpu.memref_squeeze %dma_wait3A_519 : memref<1x128x64xf32, #tpu.memory_space<vmem>> -> memref<128x64xf32, #tpu.memory_space<vmem>>
      %dma_wait3A_521 = arith.constant 0 : i32
      %dma_wait3A_522 = arith.constant 0 : i32
      %dma_wait3A_523 = tpu.memref_slice %arg3[%dma_wait3A_521, %dma_wait3A_522] : memref<1000000x64xf32, #tpu.memory_space<hbm>> -> memref<128x64xf32, #tpu.memory_space<hbm>>
      tpu.wait_dma2 semaphore(%dma_wait3A_516 : memref<!tpu.dma_semaphore, #tpu.memory_space<semaphore_mem>>) src(%dma_wait3A_523 : memref<128x64xf32, #tpu.memory_space<hbm>>) dst(%dma_wait3A_520 : memref<128x64xf32, #tpu.memory_space<vmem>>)
      %parallel_loop3A_524 = arith.constant 0 : i32
      %parallel_loop3A_525 = arith.constant 128 : i32
      %parallel_loop3A_526 = arith.constant 1 : i32
      scf.for %parallel_loop3A_661 = %parallel_loop3A_524 to %parallel_loop3A_525 step %parallel_loop3A_526  : i32 {
        %parallel_loop3A_662 = arith.constant 5 : i32
        %parallel_loop3A_663 = arith.index_cast %parallel_loop3A_662 : i32 to index
        %parallel_loop3A_664 = arith.index_cast %parallel_loop3A_661 : i32 to index
        %parallel_loop3A_665 = arith.constant 0 : index
        %parallel_loop3A_666 = tpu.vector_load %arg6[%parallel_loop3A_663, %parallel_loop3A_664, %parallel_loop3A_665] {strides = array<i32>} : memref<8x128x64xf32, #tpu.memory_space<vmem>>, vector<1x1x16xf32>,
        %parallel_loop3A_667 = vector.shape_cast %parallel_loop3A_666 : vector<1x1x16xf32> to vector<16xf32>
        %parallel_loop3A_668 = arith.constant 8.000000e+00 : f32
        %parallel_loop3A_669 = vector.broadcast %parallel_loop3A_668 : f32 to vector<16xf32>
        %parallel_loop3A_670 = arith.mulf %parallel_loop3A_667, %parallel_loop3A_669 : vector<16xf32>
        %parallel_loop3A_671 = arith.constant 5 : i32
        %parallel_loop3A_672 = arith.index_cast %parallel_loop3A_671 : i32 to index
        %parallel_loop3A_673 = arith.index_cast %parallel_loop3A_661 : i32 to index
        %parallel_loop3A_674 = arith.constant 0 : index
        %parallel_loop3A_675 = tpu.vector_load %arg6[%parallel_loop3A_672, %parallel_loop3A_673, %parallel_loop3A_674] {strides = array<i32>} : memref<8x128x64xf32, #tpu.memory_space<vmem>>, vector<1x1x16xf32>,
        %parallel_loop3A_676 = vector.shape_cast %parallel_loop3A_675 : vector<1x1x16xf32> to vector<16xf32>
        %parallel_loop3A_677 = vector.shape_cast %parallel_loop3A_670 : vector<16xf32> to vector<1x1x16xf32>
        tpu.vector_store %arg6[%parallel_loop3A_672, %parallel_loop3A_673, %parallel_loop3A_674], %parallel_loop3A_677 {strides = array<i32>} : memref<8x128x64xf32, #tpu.memory_space<vmem>>, vector<1x1x16xf32>,
        %parallel_loop3A_678 = arith.constant 5 : i32
        %parallel_loop3A_679 = arith.index_cast %parallel_loop3A_678 : i32 to index
        %parallel_loop3A_680 = arith.index_cast %parallel_loop3A_661 : i32 to index
        %parallel_loop3A_681 = arith.constant 16 : index
        %parallel_loop3A_682 = tpu.vector_load %arg6[%parallel_loop3A_679, %parallel_loop3A_680, %parallel_loop3A_681] {strides = array<i32>} : memref<8x128x64xf32, #tpu.memory_space<vmem>>, vector<1x1x16xf32>,
        %parallel_loop3A_683 = vector.shape_cast %parallel_loop3A_682 : vector<1x1x16xf32> to vector<16xf32>
        %parallel_loop3A_684 = arith.constant 8.000000e+00 : f32
        %parallel_loop3A_685 = vector.broadcast %parallel_loop3A_684 : f32 to vector<16xf32>
        %parallel_loop3A_686 = arith.mulf %parallel_loop3A_683, %parallel_loop3A_685 : vector<16xf32>
        %parallel_loop3A_687 = arith.constant 5 : i32
        %parallel_loop3A_688 = arith.index_cast %parallel_loop3A_687 : i32 to index
        %parallel_loop3A_689 = arith.index_cast %parallel_loop3A_661 : i32 to index
        %parallel_loop3A_690 = arith.constant 16 : index
        %parallel_loop3A_691 = tpu.vector_load %arg6[%parallel_loop3A_688, %parallel_loop3A_689, %parallel_loop3A_690] {strides = array<i32>} : memref<8x128x64xf32, #tpu.memory_space<vmem>>, vector<1x1x16xf32>,
        %parallel_loop3A_692 = vector.shape_cast %parallel_loop3A_691 : vector<1x1x16xf32> to vector<16xf32>
        %parallel_loop3A_693 = vector.shape_cast %parallel_loop3A_686 : vector<16xf32> to vector<1x1x16xf32>
        tpu.vector_store %arg6[%parallel_loop3A_688, %parallel_loop3A_689, %parallel_loop3A_690], %parallel_loop3A_693 {strides = array<i32>} : memref<8x128x64xf32, #tpu.memory_space<vmem>>, vector<1x1x16xf32>,
        %parallel_loop3A_694 = arith.constant 5 : i32
        %parallel_loop3A_695 = arith.index_cast %parallel_loop3A_694 : i32 to index
        %parallel_loop3A_696 = arith.index_cast %parallel_loop3A_661 : i32 to index
        %parallel_loop3A_697 = arith.constant 32 : index
        %parallel_loop3A_698 = tpu.vector_load %arg6[%parallel_loop3A_695, %parallel_loop3A_696, %parallel_loop3A_697] {strides = array<i32>} : memref<8x128x64xf32, #tpu.memory_space<vmem>>, vector<1x1x16xf32>,
        %parallel_loop3A_699 = vector.shape_cast %parallel_loop3A_698 : vector<1x1x16xf32> to vector<16xf32>
        %parallel_loop3A_700 = arith.constant 8.000000e+00 : f32
        %parallel_loop3A_701 = vector.broadcast %parallel_loop3A_700 : f32 to vector<16xf32>
        %parallel_loop3A_702 = arith.mulf %parallel_loop3A_699, %parallel_loop3A_701 : vector<16xf32>
        %parallel_loop3A_703 = arith.constant 5 : i32
        %parallel_loop3A_704 = arith.index_cast %parallel_loop3A_703 : i32 to index
        %parallel_loop3A_705 = arith.index_cast %parallel_loop3A_661 : i32 to index
        %parallel_loop3A_706 = arith.constant 32 : index
        %parallel_loop3A_707 = tpu.vector_load %arg6[%parallel_loop3A_704, %parallel_loop3A_705, %parallel_loop3A_706] {strides = array<i32>} : memref<8x128x64xf32, #tpu.memory_space<vmem>>, vector<1x1x16xf32>,
        %parallel_loop3A_708 = vector.shape_cast %parallel_loop3A_707 : vector<1x1x16xf32> to vector<16xf32>
        %parallel_loop3A_709 = vector.shape_cast %parallel_loop3A_702 : vector<16xf32> to vector<1x1x16xf32>
        tpu.vector_store %arg6[%parallel_loop3A_704, %parallel_loop3A_705, %parallel_loop3A_706], %parallel_loop3A_709 {strides = array<i32>} : memref<8x128x64xf32, #tpu.memory_space<vmem>>, vector<1x1x16xf32>,
        %parallel_loop3A_710 = arith.constant 5 : i32
        %parallel_loop3A_711 = arith.index_cast %parallel_loop3A_710 : i32 to index
        %parallel_loop3A_712 = arith.index_cast %parallel_loop3A_661 : i32 to index
        %parallel_loop3A_713 = arith.constant 48 : index
        %parallel_loop3A_714 = tpu.vector_load %arg6[%parallel_loop3A_711, %parallel_loop3A_712, %parallel_loop3A_713] {strides = array<i32>} : memref<8x128x64xf32, #tpu.memory_space<vmem>>, vector<1x1x16xf32>,
        %parallel_loop3A_715 = vector.shape_cast %parallel_loop3A_714 : vector<1x1x16xf32> to vector<16xf32>
        %parallel_loop3A_716 = arith.constant 8.000000e+00 : f32
        %parallel_loop3A_717 = vector.broadcast %parallel_loop3A_716 : f32 to vector<16xf32>
        %parallel_loop3A_718 = arith.mulf %parallel_loop3A_715, %parallel_loop3A_717 : vector<16xf32>
        %parallel_loop3A_719 = arith.constant 5 : i32
        %parallel_loop3A_720 = arith.index_cast %parallel_loop3A_719 : i32 to index
        %parallel_loop3A_721 = arith.index_cast %parallel_loop3A_661 : i32 to index
        %parallel_loop3A_722 = arith.constant 48 : index
        %parallel_loop3A_723 = tpu.vector_load %arg6[%parallel_loop3A_720, %parallel_loop3A_721, %parallel_loop3A_722] {strides = array<i32>} : memref<8x128x64xf32, #tpu.memory_space<vmem>>, vector<1x1x16xf32>,
        %parallel_loop3A_724 = vector.shape_cast %parallel_loop3A_723 : vector<1x1x16xf32> to vector<16xf32>
        %parallel_loop3A_725 = vector.shape_cast %parallel_loop3A_718 : vector<16xf32> to vector<1x1x16xf32>
        tpu.vector_store %arg6[%parallel_loop3A_720, %parallel_loop3A_721, %parallel_loop3A_722], %parallel_loop3A_725 {strides = array<i32>} : memref<8x128x64xf32, #tpu.memory_space<vmem>>, vector<1x1x16xf32>,
      } {sc.loop_unroll_factor = 8 : i64, sc.parallel_access}
      %add3A_527 = arith.addi %mul3A_2, %add3A_505 : i32
      %dma_start3A_528 = arith.constant 5 : i32
      %dma_start3A_529 = arith.constant 5 : i32
      %dma_start3A_530 = arith.constant 0 : i32
      %dma_start3A_531 = arith.constant 0 : i32
      %dma_start3A_532 = tpu.memref_slice %arg6[%dma_start3A_528, %dma_start3A_530, %dma_start3A_531] : memref<8x128x64xf32, #tpu.memory_space<vmem>> -> memref<1x128x64xf32, #tpu.memory_space<vmem>>
      %dma_start3A_533 = tpu.memref_squeeze %dma_start3A_532 : memref<1x128x64xf32, #tpu.memory_space<vmem>> -> memref<128x64xf32, #tpu.memory_space<vmem>>
      %dma_start3A_534 = arith.constant 0 : i32
      %dma_start3A_535 = arith.constant 0 : i32
      %dma_start3A_536 = tpu.memref_slice %arg4[%add3A_527, %dma_start3A_534, %dma_start3A_535] : memref<6400x128x64xf32, #tpu.memory_space<hbm>> -> memref<1x128x64xf32, #tpu.memory_space<hbm>>
      %dma_start3A_537 = tpu.memref_squeeze %dma_start3A_536 : memref<1x128x64xf32, #tpu.memory_space<hbm>> -> memref<128x64xf32, #tpu.memory_space<hbm>>
      %dma_start3A_538 = tpu.memref_slice %arg8[%dma_start3A_529] : memref<8x!tpu.dma_semaphore, #tpu.memory_space<semaphore_mem>> -> memref<1x!tpu.dma_semaphore, #tpu.memory_space<semaphore_mem>>
      %dma_start3A_539 = tpu.memref_squeeze %dma_start3A_538 : memref<1x!tpu.dma_semaphore, #tpu.memory_space<semaphore_mem>> -> memref<!tpu.dma_semaphore, #tpu.memory_space<semaphore_mem>>
      %dma_start3A_540 = arith.constant 0 : i32
      %dma_start3A_541 = arith.constant 0 : i32
      %dma_start3A_542 = tpu.memref_slice %arg4[%add3A_527, %dma_start3A_540, %dma_start3A_541] : memref<6400x128x64xf32, #tpu.memory_space<hbm>> -> memref<1x128x64xf32, #tpu.memory_space<hbm>>
      %dma_start3A_543 = tpu.memref_squeeze %dma_start3A_542 : memref<1x128x64xf32, #tpu.memory_space<hbm>> -> memref<128x64xf32, #tpu.memory_space<hbm>>
      %dma_start3A_544 = arith.constant 0 : i32
      %dma_start3A_545 = arith.constant 0 : i32
      %dma_start3A_546 = tpu.memref_slice %arg6[%dma_start3A_528, %dma_start3A_544, %dma_start3A_545] : memref<8x128x64xf32, #tpu.memory_space<vmem>> -> memref<1x128x64xf32, #tpu.memory_space<vmem>>
      %dma_start3A_547 = tpu.memref_squeeze %dma_start3A_546 : memref<1x128x64xf32, #tpu.memory_space<vmem>> -> memref<128x64xf32, #tpu.memory_space<vmem>>
      tpu.enqueue_dma source(%dma_start3A_547 : memref<128x64xf32, #tpu.memory_space<vmem>>) target(%dma_start3A_543 : memref<128x64xf32, #tpu.memory_space<hbm>>) target_semaphore(%dma_start3A_539 : memref<!tpu.dma_semaphore, #tpu.memory_space<semaphore_mem>>)
      %add3A_548 = arith.constant 6 : i32
      %add3A_549 = arith.addi %add3A_505, %add3A_548 : i32
      %lt3A_550 = arith.constant 200 : i32
      %lt3A_551 = arith.cmpi slt, %add3A_549, %lt3A_550 : i32
      %convert_element_type3A_552 = arith.extui %lt3A_551 : i1 to i32
      %cond3A_553 = arith.constant 0 : i32
      %cond3A_554 = arith.cmpi ne, %convert_element_type3A_552, %cond3A_553 : i32
      scf.if %cond3A_554 {
        %ge3A = arith.constant 2 : i32
        %ge3A_661 = arith.cmpi sge, %add3A_505, %ge3A : i32
        %convert_element_type3A_662 = arith.extui %ge3A_661 : i1 to i32
        %cond3A_663 = arith.constant 0 : i32
        %cond3A_664 = arith.cmpi ne, %convert_element_type3A_662, %cond3A_663 : i32
        scf.if %cond3A_664 {
          %dma_wait3A_679 = arith.constant 3 : i32
          %dma_wait3A_680 = arith.constant 3 : i32
          %dma_wait3A_681 = arith.constant 0 : i32
          %dma_wait3A_682 = arith.constant 0 : i32
          %dma_wait3A_683 = tpu.memref_slice %arg6[%dma_wait3A_679, %dma_wait3A_681, %dma_wait3A_682] : memref<8x128x64xf32, #tpu.memory_space<vmem>> -> memref<1x128x64xf32, #tpu.memory_space<vmem>>
          %dma_wait3A_684 = tpu.memref_squeeze %dma_wait3A_683 : memref<1x128x64xf32, #tpu.memory_space<vmem>> -> memref<128x64xf32, #tpu.memory_space<vmem>>
          %dma_wait3A_685 = arith.constant 0 : i32
          %dma_wait3A_686 = arith.constant 0 : i32
          %dma_wait3A_687 = tpu.memref_slice %arg3[%dma_wait3A_685, %dma_wait3A_686] : memref<1000000x64xf32, #tpu.memory_space<hbm>> -> memref<128x64xf32, #tpu.memory_space<hbm>>
          %dma_wait3A_688 = tpu.memref_slice %arg8[%dma_wait3A_680] : memref<8x!tpu.dma_semaphore, #tpu.memory_space<semaphore_mem>> -> memref<1x!tpu.dma_semaphore, #tpu.memory_space<semaphore_mem>>
          %dma_wait3A_689 = tpu.memref_squeeze %dma_wait3A_688 : memref<1x!tpu.dma_semaphore, #tpu.memory_space<semaphore_mem>> -> memref<!tpu.dma_semaphore, #tpu.memory_space<semaphore_mem>>
          %dma_wait3A_690 = arith.constant 0 : i32
          %dma_wait3A_691 = arith.constant 0 : i32
          %dma_wait3A_692 = tpu.memref_slice %arg6[%dma_wait3A_679, %dma_wait3A_690, %dma_wait3A_691] : memref<8x128x64xf32, #tpu.memory_space<vmem>> -> memref<1x128x64xf32, #tpu.memory_space<vmem>>
          %dma_wait3A_693 = tpu.memref_squeeze %dma_wait3A_692 : memref<1x128x64xf32, #tpu.memory_space<vmem>> -> memref<128x64xf32, #tpu.memory_space<vmem>>
          %dma_wait3A_694 = arith.constant 0 : i32
          %dma_wait3A_695 = arith.constant 0 : i32
          %dma_wait3A_696 = tpu.memref_slice %arg3[%dma_wait3A_694, %dma_wait3A_695] : memref<1000000x64xf32, #tpu.memory_space<hbm>> -> memref<128x64xf32, #tpu.memory_space<hbm>>
          tpu.wait_dma2 semaphore(%dma_wait3A_689 : memref<!tpu.dma_semaphore, #tpu.memory_space<semaphore_mem>>) src(%dma_wait3A_696 : memref<128x64xf32, #tpu.memory_space<hbm>>) dst(%dma_wait3A_693 : memref<128x64xf32, #tpu.memory_space<vmem>>)
        } else {
        }
        %dma_start3A_665 = arith.constant 3 : i32
        %dma_start3A_666 = arith.constant 3 : i32
        %dma_start3A_667 = arith.constant 0 : i32
        %dma_start3A_668 = arith.constant 0 : i32
        %dma_start3A_669 = tpu.memref_slice %arg6[%dma_start3A_665, %dma_start3A_667, %dma_start3A_668] : memref<8x128x64xf32, #tpu.memory_space<vmem>> -> memref<1x128x64xf32, #tpu.memory_space<vmem>>
        %dma_start3A_670 = tpu.memref_squeeze %dma_start3A_669 : memref<1x128x64xf32, #tpu.memory_space<vmem>> -> memref<128x64xf32, #tpu.memory_space<vmem>>
        %dma_start3A_671 = arith.constant 0 : i32
        %dma_start3A_672 = tpu.memref_slice %arg5[%add3A_549, %dma_start3A_671] : memref<200x128xi32, #tpu.memory_space<vmem>> -> memref<1x128xi32, #tpu.memory_space<vmem>>
        %dma_start3A_673 = tpu.memref_squeeze %dma_start3A_672 : memref<1x128xi32, #tpu.memory_space<vmem>> -> memref<128xi32, #tpu.memory_space<vmem>>
        %dma_start3A_674 = arith.constant 0 : i32
        %dma_start3A_675 = arith.constant 0 : i32
        %dma_start3A_676 = tpu.memref_slice %arg3[%dma_start3A_674, %dma_start3A_675] : memref<1000000x64xf32, #tpu.memory_space<hbm>> -> memref<1000000x64xf32, #tpu.memory_space<hbm>>
        %dma_start3A_677 = tpu.memref_slice %arg7[%dma_start3A_666] : memref<8x!tpu.dma_semaphore, #tpu.memory_space<semaphore_mem>> -> memref<1x!tpu.dma_semaphore, #tpu.memory_space<semaphore_mem>>
        %dma_start3A_678 = tpu.memref_squeeze %dma_start3A_677 : memref<1x!tpu.dma_semaphore, #tpu.memory_space<semaphore_mem>> -> memref<!tpu.dma_semaphore, #tpu.memory_space<semaphore_mem>>
        tpu.enqueue_indirect_dma source(%dma_start3A_676 : memref<1000000x64xf32, #tpu.memory_space<hbm>>) target(%dma_start3A_670 : memref<128x64xf32, #tpu.memory_space<vmem>>) offsets(%dma_start3A_673 : memref<128xi32, #tpu.memory_space<vmem>>) semaphore(%dma_start3A_678 : memref<!tpu.dma_semaphore, #tpu.memory_space<semaphore_mem>>)
      } else {
      }
      %mul3A_555 = arith.constant 8 : i32
      %mul3A_556 = arith.muli %scan3A_240, %mul3A_555 : i32
      %add3A_557 = arith.constant 6 : i32
      %add3A_558 = arith.addi %mul3A_556, %add3A_557 : i32
      %dma_wait3A_559 = arith.constant 6 : i32
      %dma_wait3A_560 = arith.constant 6 : i32
      %dma_wait3A_561 = arith.constant 0 : i32
      %dma_wait3A_562 = arith.constant 0 : i32
      %dma_wait3A_563 = tpu.memref_slice %arg6[%dma_wait3A_559, %dma_wait3A_561, %dma_wait3A_562] : memref<8x128x64xf32, #tpu.memory_space<vmem>> -> memref<1x128x64xf32, #tpu.memory_space<vmem>>
      %dma_wait3A_564 = tpu.memref_squeeze %dma_wait3A_563 : memref<1x128x64xf32, #tpu.memory_space<vmem>> -> memref<128x64xf32, #tpu.memory_space<vmem>>
      %dma_wait3A_565 = arith.constant 0 : i32
      %dma_wait3A_566 = arith.constant 0 : i32
      %dma_wait3A_567 = tpu.memref_slice %arg3[%dma_wait3A_565, %dma_wait3A_566] : memref<1000000x64xf32, #tpu.memory_space<hbm>> -> memref<128x64xf32, #tpu.memory_space<hbm>>
      %dma_wait3A_568 = tpu.memref_slice %arg7[%dma_wait3A_560] : memref<8x!tpu.dma_semaphore, #tpu.memory_space<semaphore_mem>> -> memref<1x!tpu.dma_semaphore, #tpu.memory_space<semaphore_mem>>
      %dma_wait3A_569 = tpu.memref_squeeze %dma_wait3A_568 : memref<1x!tpu.dma_semaphore, #tpu.memory_space<semaphore_mem>> -> memref<!tpu.dma_semaphore, #tpu.memory_space<semaphore_mem>>
      %dma_wait3A_570 = arith.constant 0 : i32
      %dma_wait3A_571 = arith.constant 0 : i32
      %dma_wait3A_572 = tpu.memref_slice %arg6[%dma_wait3A_559, %dma_wait3A_570, %dma_wait3A_571] : memref<8x128x64xf32, #tpu.memory_space<vmem>> -> memref<1x128x64xf32, #tpu.memory_space<vmem>>
      %dma_wait3A_573 = tpu.memref_squeeze %dma_wait3A_572 : memref<1x128x64xf32, #tpu.memory_space<vmem>> -> memref<128x64xf32, #tpu.memory_space<vmem>>
      %dma_wait3A_574 = arith.constant 0 : i32
      %dma_wait3A_575 = arith.constant 0 : i32
      %dma_wait3A_576 = tpu.memref_slice %arg3[%dma_wait3A_574, %dma_wait3A_575] : memref<1000000x64xf32, #tpu.memory_space<hbm>> -> memref<128x64xf32, #tpu.memory_space<hbm>>
      tpu.wait_dma2 semaphore(%dma_wait3A_569 : memref<!tpu.dma_semaphore, #tpu.memory_space<semaphore_mem>>) src(%dma_wait3A_576 : memref<128x64xf32, #tpu.memory_space<hbm>>) dst(%dma_wait3A_573 : memref<128x64xf32, #tpu.memory_space<vmem>>)
      %parallel_loop3A_577 = arith.constant 0 : i32
      %parallel_loop3A_578 = arith.constant 128 : i32
      %parallel_loop3A_579 = arith.constant 1 : i32
      scf.for %parallel_loop3A_661 = %parallel_loop3A_577 to %parallel_loop3A_578 step %parallel_loop3A_579  : i32 {
        %parallel_loop3A_662 = arith.constant 6 : i32
        %parallel_loop3A_663 = arith.index_cast %parallel_loop3A_662 : i32 to index
        %parallel_loop3A_664 = arith.index_cast %parallel_loop3A_661 : i32 to index
        %parallel_loop3A_665 = arith.constant 0 : index
        %parallel_loop3A_666 = tpu.vector_load %arg6[%parallel_loop3A_663, %parallel_loop3A_664, %parallel_loop3A_665] {strides = array<i32>} : memref<8x128x64xf32, #tpu.memory_space<vmem>>, vector<1x1x16xf32>,
        %parallel_loop3A_667 = vector.shape_cast %parallel_loop3A_666 : vector<1x1x16xf32> to vector<16xf32>
        %parallel_loop3A_668 = arith.constant 8.000000e+00 : f32
        %parallel_loop3A_669 = vector.broadcast %parallel_loop3A_668 : f32 to vector<16xf32>
        %parallel_loop3A_670 = arith.mulf %parallel_loop3A_667, %parallel_loop3A_669 : vector<16xf32>
        %parallel_loop3A_671 = arith.constant 6 : i32
        %parallel_loop3A_672 = arith.index_cast %parallel_loop3A_671 : i32 to index
        %parallel_loop3A_673 = arith.index_cast %parallel_loop3A_661 : i32 to index
        %parallel_loop3A_674 = arith.constant 0 : index
        %parallel_loop3A_675 = tpu.vector_load %arg6[%parallel_loop3A_672, %parallel_loop3A_673, %parallel_loop3A_674] {strides = array<i32>} : memref<8x128x64xf32, #tpu.memory_space<vmem>>, vector<1x1x16xf32>,
        %parallel_loop3A_676 = vector.shape_cast %parallel_loop3A_675 : vector<1x1x16xf32> to vector<16xf32>
        %parallel_loop3A_677 = vector.shape_cast %parallel_loop3A_670 : vector<16xf32> to vector<1x1x16xf32>
        tpu.vector_store %arg6[%parallel_loop3A_672, %parallel_loop3A_673, %parallel_loop3A_674], %parallel_loop3A_677 {strides = array<i32>} : memref<8x128x64xf32, #tpu.memory_space<vmem>>, vector<1x1x16xf32>,
        %parallel_loop3A_678 = arith.constant 6 : i32
        %parallel_loop3A_679 = arith.index_cast %parallel_loop3A_678 : i32 to index
        %parallel_loop3A_680 = arith.index_cast %parallel_loop3A_661 : i32 to index
        %parallel_loop3A_681 = arith.constant 16 : index
        %parallel_loop3A_682 = tpu.vector_load %arg6[%parallel_loop3A_679, %parallel_loop3A_680, %parallel_loop3A_681] {strides = array<i32>} : memref<8x128x64xf32, #tpu.memory_space<vmem>>, vector<1x1x16xf32>,
        %parallel_loop3A_683 = vector.shape_cast %parallel_loop3A_682 : vector<1x1x16xf32> to vector<16xf32>
        %parallel_loop3A_684 = arith.constant 8.000000e+00 : f32
        %parallel_loop3A_685 = vector.broadcast %parallel_loop3A_684 : f32 to vector<16xf32>
        %parallel_loop3A_686 = arith.mulf %parallel_loop3A_683, %parallel_loop3A_685 : vector<16xf32>
        %parallel_loop3A_687 = arith.constant 6 : i32
        %parallel_loop3A_688 = arith.index_cast %parallel_loop3A_687 : i32 to index
        %parallel_loop3A_689 = arith.index_cast %parallel_loop3A_661 : i32 to index
        %parallel_loop3A_690 = arith.constant 16 : index
        %parallel_loop3A_691 = tpu.vector_load %arg6[%parallel_loop3A_688, %parallel_loop3A_689, %parallel_loop3A_690] {strides = array<i32>} : memref<8x128x64xf32, #tpu.memory_space<vmem>>, vector<1x1x16xf32>,
        %parallel_loop3A_692 = vector.shape_cast %parallel_loop3A_691 : vector<1x1x16xf32> to vector<16xf32>
        %parallel_loop3A_693 = vector.shape_cast %parallel_loop3A_686 : vector<16xf32> to vector<1x1x16xf32>
        tpu.vector_store %arg6[%parallel_loop3A_688, %parallel_loop3A_689, %parallel_loop3A_690], %parallel_loop3A_693 {strides = array<i32>} : memref<8x128x64xf32, #tpu.memory_space<vmem>>, vector<1x1x16xf32>,
        %parallel_loop3A_694 = arith.constant 6 : i32
        %parallel_loop3A_695 = arith.index_cast %parallel_loop3A_694 : i32 to index
        %parallel_loop3A_696 = arith.index_cast %parallel_loop3A_661 : i32 to index
        %parallel_loop3A_697 = arith.constant 32 : index
        %parallel_loop3A_698 = tpu.vector_load %arg6[%parallel_loop3A_695, %parallel_loop3A_696, %parallel_loop3A_697] {strides = array<i32>} : memref<8x128x64xf32, #tpu.memory_space<vmem>>, vector<1x1x16xf32>,
        %parallel_loop3A_699 = vector.shape_cast %parallel_loop3A_698 : vector<1x1x16xf32> to vector<16xf32>
        %parallel_loop3A_700 = arith.constant 8.000000e+00 : f32
        %parallel_loop3A_701 = vector.broadcast %parallel_loop3A_700 : f32 to vector<16xf32>
        %parallel_loop3A_702 = arith.mulf %parallel_loop3A_699, %parallel_loop3A_701 : vector<16xf32>
        %parallel_loop3A_703 = arith.constant 6 : i32
        %parallel_loop3A_704 = arith.index_cast %parallel_loop3A_703 : i32 to index
        %parallel_loop3A_705 = arith.index_cast %parallel_loop3A_661 : i32 to index
        %parallel_loop3A_706 = arith.constant 32 : index
        %parallel_loop3A_707 = tpu.vector_load %arg6[%parallel_loop3A_704, %parallel_loop3A_705, %parallel_loop3A_706] {strides = array<i32>} : memref<8x128x64xf32, #tpu.memory_space<vmem>>, vector<1x1x16xf32>,
        %parallel_loop3A_708 = vector.shape_cast %parallel_loop3A_707 : vector<1x1x16xf32> to vector<16xf32>
        %parallel_loop3A_709 = vector.shape_cast %parallel_loop3A_702 : vector<16xf32> to vector<1x1x16xf32>
        tpu.vector_store %arg6[%parallel_loop3A_704, %parallel_loop3A_705, %parallel_loop3A_706], %parallel_loop3A_709 {strides = array<i32>} : memref<8x128x64xf32, #tpu.memory_space<vmem>>, vector<1x1x16xf32>,
        %parallel_loop3A_710 = arith.constant 6 : i32
        %parallel_loop3A_711 = arith.index_cast %parallel_loop3A_710 : i32 to index
        %parallel_loop3A_712 = arith.index_cast %parallel_loop3A_661 : i32 to index
        %parallel_loop3A_713 = arith.constant 48 : index
        %parallel_loop3A_714 = tpu.vector_load %arg6[%parallel_loop3A_711, %parallel_loop3A_712, %parallel_loop3A_713] {strides = array<i32>} : memref<8x128x64xf32, #tpu.memory_space<vmem>>, vector<1x1x16xf32>,
        %parallel_loop3A_715 = vector.shape_cast %parallel_loop3A_714 : vector<1x1x16xf32> to vector<16xf32>
        %parallel_loop3A_716 = arith.constant 8.000000e+00 : f32
        %parallel_loop3A_717 = vector.broadcast %parallel_loop3A_716 : f32 to vector<16xf32>
        %parallel_loop3A_718 = arith.mulf %parallel_loop3A_715, %parallel_loop3A_717 : vector<16xf32>
        %parallel_loop3A_719 = arith.constant 6 : i32
        %parallel_loop3A_720 = arith.index_cast %parallel_loop3A_719 : i32 to index
        %parallel_loop3A_721 = arith.index_cast %parallel_loop3A_661 : i32 to index
        %parallel_loop3A_722 = arith.constant 48 : index
        %parallel_loop3A_723 = tpu.vector_load %arg6[%parallel_loop3A_720, %parallel_loop3A_721, %parallel_loop3A_722] {strides = array<i32>} : memref<8x128x64xf32, #tpu.memory_space<vmem>>, vector<1x1x16xf32>,
        %parallel_loop3A_724 = vector.shape_cast %parallel_loop3A_723 : vector<1x1x16xf32> to vector<16xf32>
        %parallel_loop3A_725 = vector.shape_cast %parallel_loop3A_718 : vector<16xf32> to vector<1x1x16xf32>
        tpu.vector_store %arg6[%parallel_loop3A_720, %parallel_loop3A_721, %parallel_loop3A_722], %parallel_loop3A_725 {strides = array<i32>} : memref<8x128x64xf32, #tpu.memory_space<vmem>>, vector<1x1x16xf32>,
      } {sc.loop_unroll_factor = 8 : i64, sc.parallel_access}
      %add3A_580 = arith.addi %mul3A_2, %add3A_558 : i32
      %dma_start3A_581 = arith.constant 6 : i32
      %dma_start3A_582 = arith.constant 6 : i32
      %dma_start3A_583 = arith.constant 0 : i32
      %dma_start3A_584 = arith.constant 0 : i32
      %dma_start3A_585 = tpu.memref_slice %arg6[%dma_start3A_581, %dma_start3A_583, %dma_start3A_584] : memref<8x128x64xf32, #tpu.memory_space<vmem>> -> memref<1x128x64xf32, #tpu.memory_space<vmem>>
      %dma_start3A_586 = tpu.memref_squeeze %dma_start3A_585 : memref<1x128x64xf32, #tpu.memory_space<vmem>> -> memref<128x64xf32, #tpu.memory_space<vmem>>
      %dma_start3A_587 = arith.constant 0 : i32
      %dma_start3A_588 = arith.constant 0 : i32
      %dma_start3A_589 = tpu.memref_slice %arg4[%add3A_580, %dma_start3A_587, %dma_start3A_588] : memref<6400x128x64xf32, #tpu.memory_space<hbm>> -> memref<1x128x64xf32, #tpu.memory_space<hbm>>
      %dma_start3A_590 = tpu.memref_squeeze %dma_start3A_589 : memref<1x128x64xf32, #tpu.memory_space<hbm>> -> memref<128x64xf32, #tpu.memory_space<hbm>>
      %dma_start3A_591 = tpu.memref_slice %arg8[%dma_start3A_582] : memref<8x!tpu.dma_semaphore, #tpu.memory_space<semaphore_mem>> -> memref<1x!tpu.dma_semaphore, #tpu.memory_space<semaphore_mem>>
      %dma_start3A_592 = tpu.memref_squeeze %dma_start3A_591 : memref<1x!tpu.dma_semaphore, #tpu.memory_space<semaphore_mem>> -> memref<!tpu.dma_semaphore, #tpu.memory_space<semaphore_mem>>
      %dma_start3A_593 = arith.constant 0 : i32
      %dma_start3A_594 = arith.constant 0 : i32
      %dma_start3A_595 = tpu.memref_slice %arg4[%add3A_580, %dma_start3A_593, %dma_start3A_594] : memref<6400x128x64xf32, #tpu.memory_space<hbm>> -> memref<1x128x64xf32, #tpu.memory_space<hbm>>
      %dma_start3A_596 = tpu.memref_squeeze %dma_start3A_595 : memref<1x128x64xf32, #tpu.memory_space<hbm>> -> memref<128x64xf32, #tpu.memory_space<hbm>>
      %dma_start3A_597 = arith.constant 0 : i32
      %dma_start3A_598 = arith.constant 0 : i32
      %dma_start3A_599 = tpu.memref_slice %arg6[%dma_start3A_581, %dma_start3A_597, %dma_start3A_598] : memref<8x128x64xf32, #tpu.memory_space<vmem>> -> memref<1x128x64xf32, #tpu.memory_space<vmem>>
      %dma_start3A_600 = tpu.memref_squeeze %dma_start3A_599 : memref<1x128x64xf32, #tpu.memory_space<vmem>> -> memref<128x64xf32, #tpu.memory_space<vmem>>
      tpu.enqueue_dma source(%dma_start3A_600 : memref<128x64xf32, #tpu.memory_space<vmem>>) target(%dma_start3A_596 : memref<128x64xf32, #tpu.memory_space<hbm>>) target_semaphore(%dma_start3A_592 : memref<!tpu.dma_semaphore, #tpu.memory_space<semaphore_mem>>)
      %add3A_601 = arith.constant 6 : i32
      %add3A_602 = arith.addi %add3A_558, %add3A_601 : i32
      %lt3A_603 = arith.constant 200 : i32
      %lt3A_604 = arith.cmpi slt, %add3A_602, %lt3A_603 : i32
      %convert_element_type3A_605 = arith.extui %lt3A_604 : i1 to i32
      %cond3A_606 = arith.constant 0 : i32
      %cond3A_607 = arith.cmpi ne, %convert_element_type3A_605, %cond3A_606 : i32
      scf.if %cond3A_607 {
        %ge3A = arith.constant 2 : i32
        %ge3A_661 = arith.cmpi sge, %add3A_558, %ge3A : i32
        %convert_element_type3A_662 = arith.extui %ge3A_661 : i1 to i32
        %cond3A_663 = arith.constant 0 : i32
        %cond3A_664 = arith.cmpi ne, %convert_element_type3A_662, %cond3A_663 : i32
        scf.if %cond3A_664 {
          %dma_wait3A_679 = arith.constant 4 : i32
          %dma_wait3A_680 = arith.constant 4 : i32
          %dma_wait3A_681 = arith.constant 0 : i32
          %dma_wait3A_682 = arith.constant 0 : i32
          %dma_wait3A_683 = tpu.memref_slice %arg6[%dma_wait3A_679, %dma_wait3A_681, %dma_wait3A_682] : memref<8x128x64xf32, #tpu.memory_space<vmem>> -> memref<1x128x64xf32, #tpu.memory_space<vmem>>
          %dma_wait3A_684 = tpu.memref_squeeze %dma_wait3A_683 : memref<1x128x64xf32, #tpu.memory_space<vmem>> -> memref<128x64xf32, #tpu.memory_space<vmem>>
          %dma_wait3A_685 = arith.constant 0 : i32
          %dma_wait3A_686 = arith.constant 0 : i32
          %dma_wait3A_687 = tpu.memref_slice %arg3[%dma_wait3A_685, %dma_wait3A_686] : memref<1000000x64xf32, #tpu.memory_space<hbm>> -> memref<128x64xf32, #tpu.memory_space<hbm>>
          %dma_wait3A_688 = tpu.memref_slice %arg8[%dma_wait3A_680] : memref<8x!tpu.dma_semaphore, #tpu.memory_space<semaphore_mem>> -> memref<1x!tpu.dma_semaphore, #tpu.memory_space<semaphore_mem>>
          %dma_wait3A_689 = tpu.memref_squeeze %dma_wait3A_688 : memref<1x!tpu.dma_semaphore, #tpu.memory_space<semaphore_mem>> -> memref<!tpu.dma_semaphore, #tpu.memory_space<semaphore_mem>>
          %dma_wait3A_690 = arith.constant 0 : i32
          %dma_wait3A_691 = arith.constant 0 : i32
          %dma_wait3A_692 = tpu.memref_slice %arg6[%dma_wait3A_679, %dma_wait3A_690, %dma_wait3A_691] : memref<8x128x64xf32, #tpu.memory_space<vmem>> -> memref<1x128x64xf32, #tpu.memory_space<vmem>>
          %dma_wait3A_693 = tpu.memref_squeeze %dma_wait3A_692 : memref<1x128x64xf32, #tpu.memory_space<vmem>> -> memref<128x64xf32, #tpu.memory_space<vmem>>
          %dma_wait3A_694 = arith.constant 0 : i32
          %dma_wait3A_695 = arith.constant 0 : i32
          %dma_wait3A_696 = tpu.memref_slice %arg3[%dma_wait3A_694, %dma_wait3A_695] : memref<1000000x64xf32, #tpu.memory_space<hbm>> -> memref<128x64xf32, #tpu.memory_space<hbm>>
          tpu.wait_dma2 semaphore(%dma_wait3A_689 : memref<!tpu.dma_semaphore, #tpu.memory_space<semaphore_mem>>) src(%dma_wait3A_696 : memref<128x64xf32, #tpu.memory_space<hbm>>) dst(%dma_wait3A_693 : memref<128x64xf32, #tpu.memory_space<vmem>>)
        } else {
        }
        %dma_start3A_665 = arith.constant 4 : i32
        %dma_start3A_666 = arith.constant 4 : i32
        %dma_start3A_667 = arith.constant 0 : i32
        %dma_start3A_668 = arith.constant 0 : i32
        %dma_start3A_669 = tpu.memref_slice %arg6[%dma_start3A_665, %dma_start3A_667, %dma_start3A_668] : memref<8x128x64xf32, #tpu.memory_space<vmem>> -> memref<1x128x64xf32, #tpu.memory_space<vmem>>
        %dma_start3A_670 = tpu.memref_squeeze %dma_start3A_669 : memref<1x128x64xf32, #tpu.memory_space<vmem>> -> memref<128x64xf32, #tpu.memory_space<vmem>>
        %dma_start3A_671 = arith.constant 0 : i32
        %dma_start3A_672 = tpu.memref_slice %arg5[%add3A_602, %dma_start3A_671] : memref<200x128xi32, #tpu.memory_space<vmem>> -> memref<1x128xi32, #tpu.memory_space<vmem>>
        %dma_start3A_673 = tpu.memref_squeeze %dma_start3A_672 : memref<1x128xi32, #tpu.memory_space<vmem>> -> memref<128xi32, #tpu.memory_space<vmem>>
        %dma_start3A_674 = arith.constant 0 : i32
        %dma_start3A_675 = arith.constant 0 : i32
        %dma_start3A_676 = tpu.memref_slice %arg3[%dma_start3A_674, %dma_start3A_675] : memref<1000000x64xf32, #tpu.memory_space<hbm>> -> memref<1000000x64xf32, #tpu.memory_space<hbm>>
        %dma_start3A_677 = tpu.memref_slice %arg7[%dma_start3A_666] : memref<8x!tpu.dma_semaphore, #tpu.memory_space<semaphore_mem>> -> memref<1x!tpu.dma_semaphore, #tpu.memory_space<semaphore_mem>>
        %dma_start3A_678 = tpu.memref_squeeze %dma_start3A_677 : memref<1x!tpu.dma_semaphore, #tpu.memory_space<semaphore_mem>> -> memref<!tpu.dma_semaphore, #tpu.memory_space<semaphore_mem>>
        tpu.enqueue_indirect_dma source(%dma_start3A_676 : memref<1000000x64xf32, #tpu.memory_space<hbm>>) target(%dma_start3A_670 : memref<128x64xf32, #tpu.memory_space<vmem>>) offsets(%dma_start3A_673 : memref<128xi32, #tpu.memory_space<vmem>>) semaphore(%dma_start3A_678 : memref<!tpu.dma_semaphore, #tpu.memory_space<semaphore_mem>>)
      } else {
      }
      %mul3A_608 = arith.constant 8 : i32
      %mul3A_609 = arith.muli %scan3A_240, %mul3A_608 : i32
      %add3A_610 = arith.constant 7 : i32
      %add3A_611 = arith.addi %mul3A_609, %add3A_610 : i32
      %dma_wait3A_612 = arith.constant 7 : i32
      %dma_wait3A_613 = arith.constant 7 : i32
      %dma_wait3A_614 = arith.constant 0 : i32
      %dma_wait3A_615 = arith.constant 0 : i32
      %dma_wait3A_616 = tpu.memref_slice %arg6[%dma_wait3A_612, %dma_wait3A_614, %dma_wait3A_615] : memref<8x128x64xf32, #tpu.memory_space<vmem>> -> memref<1x128x64xf32, #tpu.memory_space<vmem>>
      %dma_wait3A_617 = tpu.memref_squeeze %dma_wait3A_616 : memref<1x128x64xf32, #tpu.memory_space<vmem>> -> memref<128x64xf32, #tpu.memory_space<vmem>>
      %dma_wait3A_618 = arith.constant 0 : i32
      %dma_wait3A_619 = arith.constant 0 : i32
      %dma_wait3A_620 = tpu.memref_slice %arg3[%dma_wait3A_618, %dma_wait3A_619] : memref<1000000x64xf32, #tpu.memory_space<hbm>> -> memref<128x64xf32, #tpu.memory_space<hbm>>
      %dma_wait3A_621 = tpu.memref_slice %arg7[%dma_wait3A_613] : memref<8x!tpu.dma_semaphore, #tpu.memory_space<semaphore_mem>> -> memref<1x!tpu.dma_semaphore, #tpu.memory_space<semaphore_mem>>
      %dma_wait3A_622 = tpu.memref_squeeze %dma_wait3A_621 : memref<1x!tpu.dma_semaphore, #tpu.memory_space<semaphore_mem>> -> memref<!tpu.dma_semaphore, #tpu.memory_space<semaphore_mem>>
      %dma_wait3A_623 = arith.constant 0 : i32
      %dma_wait3A_624 = arith.constant 0 : i32
      %dma_wait3A_625 = tpu.memref_slice %arg6[%dma_wait3A_612, %dma_wait3A_623, %dma_wait3A_624] : memref<8x128x64xf32, #tpu.memory_space<vmem>> -> memref<1x128x64xf32, #tpu.memory_space<vmem>>
      %dma_wait3A_626 = tpu.memref_squeeze %dma_wait3A_625 : memref<1x128x64xf32, #tpu.memory_space<vmem>> -> memref<128x64xf32, #tpu.memory_space<vmem>>
      %dma_wait3A_627 = arith.constant 0 : i32
      %dma_wait3A_628 = arith.constant 0 : i32
      %dma_wait3A_629 = tpu.memref_slice %arg3[%dma_wait3A_627, %dma_wait3A_628] : memref<1000000x64xf32, #tpu.memory_space<hbm>> -> memref<128x64xf32, #tpu.memory_space<hbm>>
      tpu.wait_dma2 semaphore(%dma_wait3A_622 : memref<!tpu.dma_semaphore, #tpu.memory_space<semaphore_mem>>) src(%dma_wait3A_629 : memref<128x64xf32, #tpu.memory_space<hbm>>) dst(%dma_wait3A_626 : memref<128x64xf32, #tpu.memory_space<vmem>>)
      %parallel_loop3A_630 = arith.constant 0 : i32
      %parallel_loop3A_631 = arith.constant 128 : i32
      %parallel_loop3A_632 = arith.constant 1 : i32
      scf.for %parallel_loop3A_661 = %parallel_loop3A_630 to %parallel_loop3A_631 step %parallel_loop3A_632  : i32 {
        %parallel_loop3A_662 = arith.constant 7 : i32
        %parallel_loop3A_663 = arith.index_cast %parallel_loop3A_662 : i32 to index
        %parallel_loop3A_664 = arith.index_cast %parallel_loop3A_661 : i32 to index
        %parallel_loop3A_665 = arith.constant 0 : index
        %parallel_loop3A_666 = tpu.vector_load %arg6[%parallel_loop3A_663, %parallel_loop3A_664, %parallel_loop3A_665] {strides = array<i32>} : memref<8x128x64xf32, #tpu.memory_space<vmem>>, vector<1x1x16xf32>,
        %parallel_loop3A_667 = vector.shape_cast %parallel_loop3A_666 : vector<1x1x16xf32> to vector<16xf32>
        %parallel_loop3A_668 = arith.constant 8.000000e+00 : f32
        %parallel_loop3A_669 = vector.broadcast %parallel_loop3A_668 : f32 to vector<16xf32>
        %parallel_loop3A_670 = arith.mulf %parallel_loop3A_667, %parallel_loop3A_669 : vector<16xf32>
        %parallel_loop3A_671 = arith.constant 7 : i32
        %parallel_loop3A_672 = arith.index_cast %parallel_loop3A_671 : i32 to index
        %parallel_loop3A_673 = arith.index_cast %parallel_loop3A_661 : i32 to index
        %parallel_loop3A_674 = arith.constant 0 : index
        %parallel_loop3A_675 = tpu.vector_load %arg6[%parallel_loop3A_672, %parallel_loop3A_673, %parallel_loop3A_674] {strides = array<i32>} : memref<8x128x64xf32, #tpu.memory_space<vmem>>, vector<1x1x16xf32>,
        %parallel_loop3A_676 = vector.shape_cast %parallel_loop3A_675 : vector<1x1x16xf32> to vector<16xf32>
        %parallel_loop3A_677 = vector.shape_cast %parallel_loop3A_670 : vector<16xf32> to vector<1x1x16xf32>
        tpu.vector_store %arg6[%parallel_loop3A_672, %parallel_loop3A_673, %parallel_loop3A_674], %parallel_loop3A_677 {strides = array<i32>} : memref<8x128x64xf32, #tpu.memory_space<vmem>>, vector<1x1x16xf32>,
        %parallel_loop3A_678 = arith.constant 7 : i32
        %parallel_loop3A_679 = arith.index_cast %parallel_loop3A_678 : i32 to index
        %parallel_loop3A_680 = arith.index_cast %parallel_loop3A_661 : i32 to index
        %parallel_loop3A_681 = arith.constant 16 : index
        %parallel_loop3A_682 = tpu.vector_load %arg6[%parallel_loop3A_679, %parallel_loop3A_680, %parallel_loop3A_681] {strides = array<i32>} : memref<8x128x64xf32, #tpu.memory_space<vmem>>, vector<1x1x16xf32>,
        %parallel_loop3A_683 = vector.shape_cast %parallel_loop3A_682 : vector<1x1x16xf32> to vector<16xf32>
        %parallel_loop3A_684 = arith.constant 8.000000e+00 : f32
        %parallel_loop3A_685 = vector.broadcast %parallel_loop3A_684 : f32 to vector<16xf32>
        %parallel_loop3A_686 = arith.mulf %parallel_loop3A_683, %parallel_loop3A_685 : vector<16xf32>
        %parallel_loop3A_687 = arith.constant 7 : i32
        %parallel_loop3A_688 = arith.index_cast %parallel_loop3A_687 : i32 to index
        %parallel_loop3A_689 = arith.index_cast %parallel_loop3A_661 : i32 to index
        %parallel_loop3A_690 = arith.constant 16 : index
        %parallel_loop3A_691 = tpu.vector_load %arg6[%parallel_loop3A_688, %parallel_loop3A_689, %parallel_loop3A_690] {strides = array<i32>} : memref<8x128x64xf32, #tpu.memory_space<vmem>>, vector<1x1x16xf32>,
        %parallel_loop3A_692 = vector.shape_cast %parallel_loop3A_691 : vector<1x1x16xf32> to vector<16xf32>
        %parallel_loop3A_693 = vector.shape_cast %parallel_loop3A_686 : vector<16xf32> to vector<1x1x16xf32>
        tpu.vector_store %arg6[%parallel_loop3A_688, %parallel_loop3A_689, %parallel_loop3A_690], %parallel_loop3A_693 {strides = array<i32>} : memref<8x128x64xf32, #tpu.memory_space<vmem>>, vector<1x1x16xf32>,
        %parallel_loop3A_694 = arith.constant 7 : i32
        %parallel_loop3A_695 = arith.index_cast %parallel_loop3A_694 : i32 to index
        %parallel_loop3A_696 = arith.index_cast %parallel_loop3A_661 : i32 to index
        %parallel_loop3A_697 = arith.constant 32 : index
        %parallel_loop3A_698 = tpu.vector_load %arg6[%parallel_loop3A_695, %parallel_loop3A_696, %parallel_loop3A_697] {strides = array<i32>} : memref<8x128x64xf32, #tpu.memory_space<vmem>>, vector<1x1x16xf32>,
        %parallel_loop3A_699 = vector.shape_cast %parallel_loop3A_698 : vector<1x1x16xf32> to vector<16xf32>
        %parallel_loop3A_700 = arith.constant 8.000000e+00 : f32
        %parallel_loop3A_701 = vector.broadcast %parallel_loop3A_700 : f32 to vector<16xf32>
        %parallel_loop3A_702 = arith.mulf %parallel_loop3A_699, %parallel_loop3A_701 : vector<16xf32>
        %parallel_loop3A_703 = arith.constant 7 : i32
        %parallel_loop3A_704 = arith.index_cast %parallel_loop3A_703 : i32 to index
        %parallel_loop3A_705 = arith.index_cast %parallel_loop3A_661 : i32 to index
        %parallel_loop3A_706 = arith.constant 32 : index
        %parallel_loop3A_707 = tpu.vector_load %arg6[%parallel_loop3A_704, %parallel_loop3A_705, %parallel_loop3A_706] {strides = array<i32>} : memref<8x128x64xf32, #tpu.memory_space<vmem>>, vector<1x1x16xf32>,
        %parallel_loop3A_708 = vector.shape_cast %parallel_loop3A_707 : vector<1x1x16xf32> to vector<16xf32>
        %parallel_loop3A_709 = vector.shape_cast %parallel_loop3A_702 : vector<16xf32> to vector<1x1x16xf32>
        tpu.vector_store %arg6[%parallel_loop3A_704, %parallel_loop3A_705, %parallel_loop3A_706], %parallel_loop3A_709 {strides = array<i32>} : memref<8x128x64xf32, #tpu.memory_space<vmem>>, vector<1x1x16xf32>,
        %parallel_loop3A_710 = arith.constant 7 : i32
        %parallel_loop3A_711 = arith.index_cast %parallel_loop3A_710 : i32 to index
        %parallel_loop3A_712 = arith.index_cast %parallel_loop3A_661 : i32 to index
        %parallel_loop3A_713 = arith.constant 48 : index
        %parallel_loop3A_714 = tpu.vector_load %arg6[%parallel_loop3A_711, %parallel_loop3A_712, %parallel_loop3A_713] {strides = array<i32>} : memref<8x128x64xf32, #tpu.memory_space<vmem>>, vector<1x1x16xf32>,
        %parallel_loop3A_715 = vector.shape_cast %parallel_loop3A_714 : vector<1x1x16xf32> to vector<16xf32>
        %parallel_loop3A_716 = arith.constant 8.000000e+00 : f32
        %parallel_loop3A_717 = vector.broadcast %parallel_loop3A_716 : f32 to vector<16xf32>
        %parallel_loop3A_718 = arith.mulf %parallel_loop3A_715, %parallel_loop3A_717 : vector<16xf32>
        %parallel_loop3A_719 = arith.constant 7 : i32
        %parallel_loop3A_720 = arith.index_cast %parallel_loop3A_719 : i32 to index
        %parallel_loop3A_721 = arith.index_cast %parallel_loop3A_661 : i32 to index
        %parallel_loop3A_722 = arith.constant 48 : index
        %parallel_loop3A_723 = tpu.vector_load %arg6[%parallel_loop3A_720, %parallel_loop3A_721, %parallel_loop3A_722] {strides = array<i32>} : memref<8x128x64xf32, #tpu.memory_space<vmem>>, vector<1x1x16xf32>,
        %parallel_loop3A_724 = vector.shape_cast %parallel_loop3A_723 : vector<1x1x16xf32> to vector<16xf32>
        %parallel_loop3A_725 = vector.shape_cast %parallel_loop3A_718 : vector<16xf32> to vector<1x1x16xf32>
        tpu.vector_store %arg6[%parallel_loop3A_720, %parallel_loop3A_721, %parallel_loop3A_722], %parallel_loop3A_725 {strides = array<i32>} : memref<8x128x64xf32, #tpu.memory_space<vmem>>, vector<1x1x16xf32>,
      } {sc.loop_unroll_factor = 8 : i64, sc.parallel_access}
      %add3A_633 = arith.addi %mul3A_2, %add3A_611 : i32
      %dma_start3A_634 = arith.constant 7 : i32
      %dma_start3A_635 = arith.constant 7 : i32
      %dma_start3A_636 = arith.constant 0 : i32
      %dma_start3A_637 = arith.constant 0 : i32
      %dma_start3A_638 = tpu.memref_slice %arg6[%dma_start3A_634, %dma_start3A_636, %dma_start3A_637] : memref<8x128x64xf32, #tpu.memory_space<vmem>> -> memref<1x128x64xf32, #tpu.memory_space<vmem>>
      %dma_start3A_639 = tpu.memref_squeeze %dma_start3A_638 : memref<1x128x64xf32, #tpu.memory_space<vmem>> -> memref<128x64xf32, #tpu.memory_space<vmem>>
      %dma_start3A_640 = arith.constant 0 : i32
      %dma_start3A_641 = arith.constant 0 : i32
      %dma_start3A_642 = tpu.memref_slice %arg4[%add3A_633, %dma_start3A_640, %dma_start3A_641] : memref<6400x128x64xf32, #tpu.memory_space<hbm>> -> memref<1x128x64xf32, #tpu.memory_space<hbm>>
      %dma_start3A_643 = tpu.memref_squeeze %dma_start3A_642 : memref<1x128x64xf32, #tpu.memory_space<hbm>> -> memref<128x64xf32, #tpu.memory_space<hbm>>
      %dma_start3A_644 = tpu.memref_slice %arg8[%dma_start3A_635] : memref<8x!tpu.dma_semaphore, #tpu.memory_space<semaphore_mem>> -> memref<1x!tpu.dma_semaphore, #tpu.memory_space<semaphore_mem>>
      %dma_start3A_645 = tpu.memref_squeeze %dma_start3A_644 : memref<1x!tpu.dma_semaphore, #tpu.memory_space<semaphore_mem>> -> memref<!tpu.dma_semaphore, #tpu.memory_space<semaphore_mem>>
      %dma_start3A_646 = arith.constant 0 : i32
      %dma_start3A_647 = arith.constant 0 : i32
      %dma_start3A_648 = tpu.memref_slice %arg4[%add3A_633, %dma_start3A_646, %dma_start3A_647] : memref<6400x128x64xf32, #tpu.memory_space<hbm>> -> memref<1x128x64xf32, #tpu.memory_space<hbm>>
      %dma_start3A_649 = tpu.memref_squeeze %dma_start3A_648 : memref<1x128x64xf32, #tpu.memory_space<hbm>> -> memref<128x64xf32, #tpu.memory_space<hbm>>
      %dma_start3A_650 = arith.constant 0 : i32
      %dma_start3A_651 = arith.constant 0 : i32
      %dma_start3A_652 = tpu.memref_slice %arg6[%dma_start3A_634, %dma_start3A_650, %dma_start3A_651] : memref<8x128x64xf32, #tpu.memory_space<vmem>> -> memref<1x128x64xf32, #tpu.memory_space<vmem>>
      %dma_start3A_653 = tpu.memref_squeeze %dma_start3A_652 : memref<1x128x64xf32, #tpu.memory_space<vmem>> -> memref<128x64xf32, #tpu.memory_space<vmem>>
      tpu.enqueue_dma source(%dma_start3A_653 : memref<128x64xf32, #tpu.memory_space<vmem>>) target(%dma_start3A_649 : memref<128x64xf32, #tpu.memory_space<hbm>>) target_semaphore(%dma_start3A_645 : memref<!tpu.dma_semaphore, #tpu.memory_space<semaphore_mem>>)
      %add3A_654 = arith.constant 6 : i32
      %add3A_655 = arith.addi %add3A_611, %add3A_654 : i32
      %lt3A_656 = arith.constant 200 : i32
      %lt3A_657 = arith.cmpi slt, %add3A_655, %lt3A_656 : i32
      %convert_element_type3A_658 = arith.extui %lt3A_657 : i1 to i32
      %cond3A_659 = arith.constant 0 : i32
      %cond3A_660 = arith.cmpi ne, %convert_element_type3A_658, %cond3A_659 : i32
      scf.if %cond3A_660 {
        %ge3A = arith.constant 2 : i32
        %ge3A_661 = arith.cmpi sge, %add3A_611, %ge3A : i32
        %convert_element_type3A_662 = arith.extui %ge3A_661 : i1 to i32
        %cond3A_663 = arith.constant 0 : i32
        %cond3A_664 = arith.cmpi ne, %convert_element_type3A_662, %cond3A_663 : i32
        scf.if %cond3A_664 {
          %dma_wait3A_679 = arith.constant 5 : i32
          %dma_wait3A_680 = arith.constant 5 : i32
          %dma_wait3A_681 = arith.constant 0 : i32
          %dma_wait3A_682 = arith.constant 0 : i32
          %dma_wait3A_683 = tpu.memref_slice %arg6[%dma_wait3A_679, %dma_wait3A_681, %dma_wait3A_682] : memref<8x128x64xf32, #tpu.memory_space<vmem>> -> memref<1x128x64xf32, #tpu.memory_space<vmem>>
          %dma_wait3A_684 = tpu.memref_squeeze %dma_wait3A_683 : memref<1x128x64xf32, #tpu.memory_space<vmem>> -> memref<128x64xf32, #tpu.memory_space<vmem>>
          %dma_wait3A_685 = arith.constant 0 : i32
          %dma_wait3A_686 = arith.constant 0 : i32
          %dma_wait3A_687 = tpu.memref_slice %arg3[%dma_wait3A_685, %dma_wait3A_686] : memref<1000000x64xf32, #tpu.memory_space<hbm>> -> memref<128x64xf32, #tpu.memory_space<hbm>>
          %dma_wait3A_688 = tpu.memref_slice %arg8[%dma_wait3A_680] : memref<8x!tpu.dma_semaphore, #tpu.memory_space<semaphore_mem>> -> memref<1x!tpu.dma_semaphore, #tpu.memory_space<semaphore_mem>>
          %dma_wait3A_689 = tpu.memref_squeeze %dma_wait3A_688 : memref<1x!tpu.dma_semaphore, #tpu.memory_space<semaphore_mem>> -> memref<!tpu.dma_semaphore, #tpu.memory_space<semaphore_mem>>
          %dma_wait3A_690 = arith.constant 0 : i32
          %dma_wait3A_691 = arith.constant 0 : i32
          %dma_wait3A_692 = tpu.memref_slice %arg6[%dma_wait3A_679, %dma_wait3A_690, %dma_wait3A_691] : memref<8x128x64xf32, #tpu.memory_space<vmem>> -> memref<1x128x64xf32, #tpu.memory_space<vmem>>
          %dma_wait3A_693 = tpu.memref_squeeze %dma_wait3A_692 : memref<1x128x64xf32, #tpu.memory_space<vmem>> -> memref<128x64xf32, #tpu.memory_space<vmem>>
          %dma_wait3A_694 = arith.constant 0 : i32
          %dma_wait3A_695 = arith.constant 0 : i32
          %dma_wait3A_696 = tpu.memref_slice %arg3[%dma_wait3A_694, %dma_wait3A_695] : memref<1000000x64xf32, #tpu.memory_space<hbm>> -> memref<128x64xf32, #tpu.memory_space<hbm>>
          tpu.wait_dma2 semaphore(%dma_wait3A_689 : memref<!tpu.dma_semaphore, #tpu.memory_space<semaphore_mem>>) src(%dma_wait3A_696 : memref<128x64xf32, #tpu.memory_space<hbm>>) dst(%dma_wait3A_693 : memref<128x64xf32, #tpu.memory_space<vmem>>)
        } else {
        }
        %dma_start3A_665 = arith.constant 5 : i32
        %dma_start3A_666 = arith.constant 5 : i32
        %dma_start3A_667 = arith.constant 0 : i32
        %dma_start3A_668 = arith.constant 0 : i32
        %dma_start3A_669 = tpu.memref_slice %arg6[%dma_start3A_665, %dma_start3A_667, %dma_start3A_668] : memref<8x128x64xf32, #tpu.memory_space<vmem>> -> memref<1x128x64xf32, #tpu.memory_space<vmem>>
        %dma_start3A_670 = tpu.memref_squeeze %dma_start3A_669 : memref<1x128x64xf32, #tpu.memory_space<vmem>> -> memref<128x64xf32, #tpu.memory_space<vmem>>
        %dma_start3A_671 = arith.constant 0 : i32
        %dma_start3A_672 = tpu.memref_slice %arg5[%add3A_655, %dma_start3A_671] : memref<200x128xi32, #tpu.memory_space<vmem>> -> memref<1x128xi32, #tpu.memory_space<vmem>>
        %dma_start3A_673 = tpu.memref_squeeze %dma_start3A_672 : memref<1x128xi32, #tpu.memory_space<vmem>> -> memref<128xi32, #tpu.memory_space<vmem>>
        %dma_start3A_674 = arith.constant 0 : i32
        %dma_start3A_675 = arith.constant 0 : i32
        %dma_start3A_676 = tpu.memref_slice %arg3[%dma_start3A_674, %dma_start3A_675] : memref<1000000x64xf32, #tpu.memory_space<hbm>> -> memref<1000000x64xf32, #tpu.memory_space<hbm>>
        %dma_start3A_677 = tpu.memref_slice %arg7[%dma_start3A_666] : memref<8x!tpu.dma_semaphore, #tpu.memory_space<semaphore_mem>> -> memref<1x!tpu.dma_semaphore, #tpu.memory_space<semaphore_mem>>
        %dma_start3A_678 = tpu.memref_squeeze %dma_start3A_677 : memref<1x!tpu.dma_semaphore, #tpu.memory_space<semaphore_mem>> -> memref<!tpu.dma_semaphore, #tpu.memory_space<semaphore_mem>>
        tpu.enqueue_indirect_dma source(%dma_start3A_676 : memref<1000000x64xf32, #tpu.memory_space<hbm>>) target(%dma_start3A_670 : memref<128x64xf32, #tpu.memory_space<vmem>>) offsets(%dma_start3A_673 : memref<128xi32, #tpu.memory_space<vmem>>) semaphore(%dma_start3A_678 : memref<!tpu.dma_semaphore, #tpu.memory_space<semaphore_mem>>)
      } else {
      }
    }
    %scan3A_96 = arith.constant 25 : i32
    %dma_wait3A = arith.constant 0 : i32
    %dma_wait3A_97 = arith.constant 0 : i32
    %dma_wait3A_98 = arith.constant 0 : i32
    %dma_wait3A_99 = arith.constant 0 : i32
    %dma_wait3A_100 = tpu.memref_slice %arg6[%dma_wait3A, %dma_wait3A_98, %dma_wait3A_99] : memref<8x128x64xf32, #tpu.memory_space<vmem>> -> memref<1x128x64xf32, #tpu.memory_space<vmem>>
    %dma_wait3A_101 = tpu.memref_squeeze %dma_wait3A_100 : memref<1x128x64xf32, #tpu.memory_space<vmem>> -> memref<128x64xf32, #tpu.memory_space<vmem>>
    %dma_wait3A_102 = arith.constant 0 : i32
    %dma_wait3A_103 = arith.constant 0 : i32
    %dma_wait3A_104 = tpu.memref_slice %arg3[%dma_wait3A_102, %dma_wait3A_103] : memref<1000000x64xf32, #tpu.memory_space<hbm>> -> memref<128x64xf32, #tpu.memory_space<hbm>>
    %dma_wait3A_105 = tpu.memref_slice %arg8[%dma_wait3A_97] : memref<8x!tpu.dma_semaphore, #tpu.memory_space<semaphore_mem>> -> memref<1x!tpu.dma_semaphore, #tpu.memory_space<semaphore_mem>>
    %dma_wait3A_106 = tpu.memref_squeeze %dma_wait3A_105 : memref<1x!tpu.dma_semaphore, #tpu.memory_space<semaphore_mem>> -> memref<!tpu.dma_semaphore, #tpu.memory_space<semaphore_mem>>
    %dma_wait3A_107 = arith.constant 0 : i32
    %dma_wait3A_108 = arith.constant 0 : i32
    %dma_wait3A_109 = tpu.memref_slice %arg6[%dma_wait3A, %dma_wait3A_107, %dma_wait3A_108] : memref<8x128x64xf32, #tpu.memory_space<vmem>> -> memref<1x128x64xf32, #tpu.memory_space<vmem>>
    %dma_wait3A_110 = tpu.memref_squeeze %dma_wait3A_109 : memref<1x128x64xf32, #tpu.memory_space<vmem>> -> memref<128x64xf32, #tpu.memory_space<vmem>>
    %dma_wait3A_111 = arith.constant 0 : i32
    %dma_wait3A_112 = arith.constant 0 : i32
    %dma_wait3A_113 = tpu.memref_slice %arg3[%dma_wait3A_111, %dma_wait3A_112] : memref<1000000x64xf32, #tpu.memory_space<hbm>> -> memref<128x64xf32, #tpu.memory_space<hbm>>
    tpu.wait_dma2 semaphore(%dma_wait3A_106 : memref<!tpu.dma_semaphore, #tpu.memory_space<semaphore_mem>>) src(%dma_wait3A_113 : memref<128x64xf32, #tpu.memory_space<hbm>>) dst(%dma_wait3A_110 : memref<128x64xf32, #tpu.memory_space<vmem>>)
    %dma_wait3A_114 = arith.constant 1 : i32
    %dma_wait3A_115 = arith.constant 1 : i32
    %dma_wait3A_116 = arith.constant 0 : i32
    %dma_wait3A_117 = arith.constant 0 : i32
    %dma_wait3A_118 = tpu.memref_slice %arg6[%dma_wait3A_114, %dma_wait3A_116, %dma_wait3A_117] : memref<8x128x64xf32, #tpu.memory_space<vmem>> -> memref<1x128x64xf32, #tpu.memory_space<vmem>>
    %dma_wait3A_119 = tpu.memref_squeeze %dma_wait3A_118 : memref<1x128x64xf32, #tpu.memory_space<vmem>> -> memref<128x64xf32, #tpu.memory_space<vmem>>
    %dma_wait3A_120 = arith.constant 0 : i32
    %dma_wait3A_121 = arith.constant 0 : i32
    %dma_wait3A_122 = tpu.memref_slice %arg3[%dma_wait3A_120, %dma_wait3A_121] : memref<1000000x64xf32, #tpu.memory_space<hbm>> -> memref<128x64xf32, #tpu.memory_space<hbm>>
    %dma_wait3A_123 = tpu.memref_slice %arg8[%dma_wait3A_115] : memref<8x!tpu.dma_semaphore, #tpu.memory_space<semaphore_mem>> -> memref<1x!tpu.dma_semaphore, #tpu.memory_space<semaphore_mem>>
    %dma_wait3A_124 = tpu.memref_squeeze %dma_wait3A_123 : memref<1x!tpu.dma_semaphore, #tpu.memory_space<semaphore_mem>> -> memref<!tpu.dma_semaphore, #tpu.memory_space<semaphore_mem>>
    %dma_wait3A_125 = arith.constant 0 : i32
    %dma_wait3A_126 = arith.constant 0 : i32
    %dma_wait3A_127 = tpu.memref_slice %arg6[%dma_wait3A_114, %dma_wait3A_125, %dma_wait3A_126] : memref<8x128x64xf32, #tpu.memory_space<vmem>> -> memref<1x128x64xf32, #tpu.memory_space<vmem>>
    %dma_wait3A_128 = tpu.memref_squeeze %dma_wait3A_127 : memref<1x128x64xf32, #tpu.memory_space<vmem>> -> memref<128x64xf32, #tpu.memory_space<vmem>>
    %dma_wait3A_129 = arith.constant 0 : i32
    %dma_wait3A_130 = arith.constant 0 : i32
    %dma_wait3A_131 = tpu.memref_slice %arg3[%dma_wait3A_129, %dma_wait3A_130] : memref<1000000x64xf32, #tpu.memory_space<hbm>> -> memref<128x64xf32, #tpu.memory_space<hbm>>
    tpu.wait_dma2 semaphore(%dma_wait3A_124 : memref<!tpu.dma_semaphore, #tpu.memory_space<semaphore_mem>>) src(%dma_wait3A_131 : memref<128x64xf32, #tpu.memory_space<hbm>>) dst(%dma_wait3A_128 : memref<128x64xf32, #tpu.memory_space<vmem>>)
    %dma_wait3A_132 = arith.constant 2 : i32
    %dma_wait3A_133 = arith.constant 2 : i32
    %dma_wait3A_134 = arith.constant 0 : i32
    %dma_wait3A_135 = arith.constant 0 : i32
    %dma_wait3A_136 = tpu.memref_slice %arg6[%dma_wait3A_132, %dma_wait3A_134, %dma_wait3A_135] : memref<8x128x64xf32, #tpu.memory_space<vmem>> -> memref<1x128x64xf32, #tpu.memory_space<vmem>>
    %dma_wait3A_137 = tpu.memref_squeeze %dma_wait3A_136 : memref<1x128x64xf32, #tpu.memory_space<vmem>> -> memref<128x64xf32, #tpu.memory_space<vmem>>
    %dma_wait3A_138 = arith.constant 0 : i32
    %dma_wait3A_139 = arith.constant 0 : i32
    %dma_wait3A_140 = tpu.memref_slice %arg3[%dma_wait3A_138, %dma_wait3A_139] : memref<1000000x64xf32, #tpu.memory_space<hbm>> -> memref<128x64xf32, #tpu.memory_space<hbm>>
    %dma_wait3A_141 = tpu.memref_slice %arg8[%dma_wait3A_133] : memref<8x!tpu.dma_semaphore, #tpu.memory_space<semaphore_mem>> -> memref<1x!tpu.dma_semaphore, #tpu.memory_space<semaphore_mem>>
    %dma_wait3A_142 = tpu.memref_squeeze %dma_wait3A_141 : memref<1x!tpu.dma_semaphore, #tpu.memory_space<semaphore_mem>> -> memref<!tpu.dma_semaphore, #tpu.memory_space<semaphore_mem>>
    %dma_wait3A_143 = arith.constant 0 : i32
    %dma_wait3A_144 = arith.constant 0 : i32
    %dma_wait3A_145 = tpu.memref_slice %arg6[%dma_wait3A_132, %dma_wait3A_143, %dma_wait3A_144] : memref<8x128x64xf32, #tpu.memory_space<vmem>> -> memref<1x128x64xf32, #tpu.memory_space<vmem>>
    %dma_wait3A_146 = tpu.memref_squeeze %dma_wait3A_145 : memref<1x128x64xf32, #tpu.memory_space<vmem>> -> memref<128x64xf32, #tpu.memory_space<vmem>>
    %dma_wait3A_147 = arith.constant 0 : i32
    %dma_wait3A_148 = arith.constant 0 : i32
    %dma_wait3A_149 = tpu.memref_slice %arg3[%dma_wait3A_147, %dma_wait3A_148] : memref<1000000x64xf32, #tpu.memory_space<hbm>> -> memref<128x64xf32, #tpu.memory_space<hbm>>
    tpu.wait_dma2 semaphore(%dma_wait3A_142 : memref<!tpu.dma_semaphore, #tpu.memory_space<semaphore_mem>>) src(%dma_wait3A_149 : memref<128x64xf32, #tpu.memory_space<hbm>>) dst(%dma_wait3A_146 : memref<128x64xf32, #tpu.memory_space<vmem>>)
    %dma_wait3A_150 = arith.constant 3 : i32
    %dma_wait3A_151 = arith.constant 3 : i32
    %dma_wait3A_152 = arith.constant 0 : i32
    %dma_wait3A_153 = arith.constant 0 : i32
    %dma_wait3A_154 = tpu.memref_slice %arg6[%dma_wait3A_150, %dma_wait3A_152, %dma_wait3A_153] : memref<8x128x64xf32, #tpu.memory_space<vmem>> -> memref<1x128x64xf32, #tpu.memory_space<vmem>>
    %dma_wait3A_155 = tpu.memref_squeeze %dma_wait3A_154 : memref<1x128x64xf32, #tpu.memory_space<vmem>> -> memref<128x64xf32, #tpu.memory_space<vmem>>
    %dma_wait3A_156 = arith.constant 0 : i32
    %dma_wait3A_157 = arith.constant 0 : i32
    %dma_wait3A_158 = tpu.memref_slice %arg3[%dma_wait3A_156, %dma_wait3A_157] : memref<1000000x64xf32, #tpu.memory_space<hbm>> -> memref<128x64xf32, #tpu.memory_space<hbm>>
    %dma_wait3A_159 = tpu.memref_slice %arg8[%dma_wait3A_151] : memref<8x!tpu.dma_semaphore, #tpu.memory_space<semaphore_mem>> -> memref<1x!tpu.dma_semaphore, #tpu.memory_space<semaphore_mem>>
    %dma_wait3A_160 = tpu.memref_squeeze %dma_wait3A_159 : memref<1x!tpu.dma_semaphore, #tpu.memory_space<semaphore_mem>> -> memref<!tpu.dma_semaphore, #tpu.memory_space<semaphore_mem>>
    %dma_wait3A_161 = arith.constant 0 : i32
    %dma_wait3A_162 = arith.constant 0 : i32
    %dma_wait3A_163 = tpu.memref_slice %arg6[%dma_wait3A_150, %dma_wait3A_161, %dma_wait3A_162] : memref<8x128x64xf32, #tpu.memory_space<vmem>> -> memref<1x128x64xf32, #tpu.memory_space<vmem>>
    %dma_wait3A_164 = tpu.memref_squeeze %dma_wait3A_163 : memref<1x128x64xf32, #tpu.memory_space<vmem>> -> memref<128x64xf32, #tpu.memory_space<vmem>>
    %dma_wait3A_165 = arith.constant 0 : i32
    %dma_wait3A_166 = arith.constant 0 : i32
    %dma_wait3A_167 = tpu.memref_slice %arg3[%dma_wait3A_165, %dma_wait3A_166] : memref<1000000x64xf32, #tpu.memory_space<hbm>> -> memref<128x64xf32, #tpu.memory_space<hbm>>
    tpu.wait_dma2 semaphore(%dma_wait3A_160 : memref<!tpu.dma_semaphore, #tpu.memory_space<semaphore_mem>>) src(%dma_wait3A_167 : memref<128x64xf32, #tpu.memory_space<hbm>>) dst(%dma_wait3A_164 : memref<128x64xf32, #tpu.memory_space<vmem>>)
    %dma_wait3A_168 = arith.constant 4 : i32
    %dma_wait3A_169 = arith.constant 4 : i32
    %dma_wait3A_170 = arith.constant 0 : i32
    %dma_wait3A_171 = arith.constant 0 : i32
    %dma_wait3A_172 = tpu.memref_slice %arg6[%dma_wait3A_168, %dma_wait3A_170, %dma_wait3A_171] : memref<8x128x64xf32, #tpu.memory_space<vmem>> -> memref<1x128x64xf32, #tpu.memory_space<vmem>>
    %dma_wait3A_173 = tpu.memref_squeeze %dma_wait3A_172 : memref<1x128x64xf32, #tpu.memory_space<vmem>> -> memref<128x64xf32, #tpu.memory_space<vmem>>
    %dma_wait3A_174 = arith.constant 0 : i32
    %dma_wait3A_175 = arith.constant 0 : i32
    %dma_wait3A_176 = tpu.memref_slice %arg3[%dma_wait3A_174, %dma_wait3A_175] : memref<1000000x64xf32, #tpu.memory_space<hbm>> -> memref<128x64xf32, #tpu.memory_space<hbm>>
    %dma_wait3A_177 = tpu.memref_slice %arg8[%dma_wait3A_169] : memref<8x!tpu.dma_semaphore, #tpu.memory_space<semaphore_mem>> -> memref<1x!tpu.dma_semaphore, #tpu.memory_space<semaphore_mem>>
    %dma_wait3A_178 = tpu.memref_squeeze %dma_wait3A_177 : memref<1x!tpu.dma_semaphore, #tpu.memory_space<semaphore_mem>> -> memref<!tpu.dma_semaphore, #tpu.memory_space<semaphore_mem>>
    %dma_wait3A_179 = arith.constant 0 : i32
    %dma_wait3A_180 = arith.constant 0 : i32
    %dma_wait3A_181 = tpu.memref_slice %arg6[%dma_wait3A_168, %dma_wait3A_179, %dma_wait3A_180] : memref<8x128x64xf32, #tpu.memory_space<vmem>> -> memref<1x128x64xf32, #tpu.memory_space<vmem>>
    %dma_wait3A_182 = tpu.memref_squeeze %dma_wait3A_181 : memref<1x128x64xf32, #tpu.memory_space<vmem>> -> memref<128x64xf32, #tpu.memory_space<vmem>>
    %dma_wait3A_183 = arith.constant 0 : i32
    %dma_wait3A_184 = arith.constant 0 : i32
    %dma_wait3A_185 = tpu.memref_slice %arg3[%dma_wait3A_183, %dma_wait3A_184] : memref<1000000x64xf32, #tpu.memory_space<hbm>> -> memref<128x64xf32, #tpu.memory_space<hbm>>
    tpu.wait_dma2 semaphore(%dma_wait3A_178 : memref<!tpu.dma_semaphore, #tpu.memory_space<semaphore_mem>>) src(%dma_wait3A_185 : memref<128x64xf32, #tpu.memory_space<hbm>>) dst(%dma_wait3A_182 : memref<128x64xf32, #tpu.memory_space<vmem>>)
    %dma_wait3A_186 = arith.constant 5 : i32
    %dma_wait3A_187 = arith.constant 5 : i32
    %dma_wait3A_188 = arith.constant 0 : i32
    %dma_wait3A_189 = arith.constant 0 : i32
    %dma_wait3A_190 = tpu.memref_slice %arg6[%dma_wait3A_186, %dma_wait3A_188, %dma_wait3A_189] : memref<8x128x64xf32, #tpu.memory_space<vmem>> -> memref<1x128x64xf32, #tpu.memory_space<vmem>>
    %dma_wait3A_191 = tpu.memref_squeeze %dma_wait3A_190 : memref<1x128x64xf32, #tpu.memory_space<vmem>> -> memref<128x64xf32, #tpu.memory_space<vmem>>
    %dma_wait3A_192 = arith.constant 0 : i32
    %dma_wait3A_193 = arith.constant 0 : i32
    %dma_wait3A_194 = tpu.memref_slice %arg3[%dma_wait3A_192, %dma_wait3A_193] : memref<1000000x64xf32, #tpu.memory_space<hbm>> -> memref<128x64xf32, #tpu.memory_space<hbm>>
    %dma_wait3A_195 = tpu.memref_slice %arg8[%dma_wait3A_187] : memref<8x!tpu.dma_semaphore, #tpu.memory_space<semaphore_mem>> -> memref<1x!tpu.dma_semaphore, #tpu.memory_space<semaphore_mem>>
    %dma_wait3A_196 = tpu.memref_squeeze %dma_wait3A_195 : memref<1x!tpu.dma_semaphore, #tpu.memory_space<semaphore_mem>> -> memref<!tpu.dma_semaphore, #tpu.memory_space<semaphore_mem>>
    %dma_wait3A_197 = arith.constant 0 : i32
    %dma_wait3A_198 = arith.constant 0 : i32
    %dma_wait3A_199 = tpu.memref_slice %arg6[%dma_wait3A_186, %dma_wait3A_197, %dma_wait3A_198] : memref<8x128x64xf32, #tpu.memory_space<vmem>> -> memref<1x128x64xf32, #tpu.memory_space<vmem>>
    %dma_wait3A_200 = tpu.memref_squeeze %dma_wait3A_199 : memref<1x128x64xf32, #tpu.memory_space<vmem>> -> memref<128x64xf32, #tpu.memory_space<vmem>>
    %dma_wait3A_201 = arith.constant 0 : i32
    %dma_wait3A_202 = arith.constant 0 : i32
    %dma_wait3A_203 = tpu.memref_slice %arg3[%dma_wait3A_201, %dma_wait3A_202] : memref<1000000x64xf32, #tpu.memory_space<hbm>> -> memref<128x64xf32, #tpu.memory_space<hbm>>
    tpu.wait_dma2 semaphore(%dma_wait3A_196 : memref<!tpu.dma_semaphore, #tpu.memory_space<semaphore_mem>>) src(%dma_wait3A_203 : memref<128x64xf32, #tpu.memory_space<hbm>>) dst(%dma_wait3A_200 : memref<128x64xf32, #tpu.memory_space<vmem>>)
    %dma_wait3A_204 = arith.constant 6 : i32
    %dma_wait3A_205 = arith.constant 6 : i32
    %dma_wait3A_206 = arith.constant 0 : i32
    %dma_wait3A_207 = arith.constant 0 : i32
    %dma_wait3A_208 = tpu.memref_slice %arg6[%dma_wait3A_204, %dma_wait3A_206, %dma_wait3A_207] : memref<8x128x64xf32, #tpu.memory_space<vmem>> -> memref<1x128x64xf32, #tpu.memory_space<vmem>>
    %dma_wait3A_209 = tpu.memref_squeeze %dma_wait3A_208 : memref<1x128x64xf32, #tpu.memory_space<vmem>> -> memref<128x64xf32, #tpu.memory_space<vmem>>
    %dma_wait3A_210 = arith.constant 0 : i32
    %dma_wait3A_211 = arith.constant 0 : i32
    %dma_wait3A_212 = tpu.memref_slice %arg3[%dma_wait3A_210, %dma_wait3A_211] : memref<1000000x64xf32, #tpu.memory_space<hbm>> -> memref<128x64xf32, #tpu.memory_space<hbm>>
    %dma_wait3A_213 = tpu.memref_slice %arg8[%dma_wait3A_205] : memref<8x!tpu.dma_semaphore, #tpu.memory_space<semaphore_mem>> -> memref<1x!tpu.dma_semaphore, #tpu.memory_space<semaphore_mem>>
    %dma_wait3A_214 = tpu.memref_squeeze %dma_wait3A_213 : memref<1x!tpu.dma_semaphore, #tpu.memory_space<semaphore_mem>> -> memref<!tpu.dma_semaphore, #tpu.memory_space<semaphore_mem>>
    %dma_wait3A_215 = arith.constant 0 : i32
    %dma_wait3A_216 = arith.constant 0 : i32
    %dma_wait3A_217 = tpu.memref_slice %arg6[%dma_wait3A_204, %dma_wait3A_215, %dma_wait3A_216] : memref<8x128x64xf32, #tpu.memory_space<vmem>> -> memref<1x128x64xf32, #tpu.memory_space<vmem>>
    %dma_wait3A_218 = tpu.memref_squeeze %dma_wait3A_217 : memref<1x128x64xf32, #tpu.memory_space<vmem>> -> memref<128x64xf32, #tpu.memory_space<vmem>>
    %dma_wait3A_219 = arith.constant 0 : i32
    %dma_wait3A_220 = arith.constant 0 : i32
    %dma_wait3A_221 = tpu.memref_slice %arg3[%dma_wait3A_219, %dma_wait3A_220] : memref<1000000x64xf32, #tpu.memory_space<hbm>> -> memref<128x64xf32, #tpu.memory_space<hbm>>
    tpu.wait_dma2 semaphore(%dma_wait3A_214 : memref<!tpu.dma_semaphore, #tpu.memory_space<semaphore_mem>>) src(%dma_wait3A_221 : memref<128x64xf32, #tpu.memory_space<hbm>>) dst(%dma_wait3A_218 : memref<128x64xf32, #tpu.memory_space<vmem>>)
    %dma_wait3A_222 = arith.constant 7 : i32
    %dma_wait3A_223 = arith.constant 7 : i32
    %dma_wait3A_224 = arith.constant 0 : i32
    %dma_wait3A_225 = arith.constant 0 : i32
    %dma_wait3A_226 = tpu.memref_slice %arg6[%dma_wait3A_222, %dma_wait3A_224, %dma_wait3A_225] : memref<8x128x64xf32, #tpu.memory_space<vmem>> -> memref<1x128x64xf32, #tpu.memory_space<vmem>>
    %dma_wait3A_227 = tpu.memref_squeeze %dma_wait3A_226 : memref<1x128x64xf32, #tpu.memory_space<vmem>> -> memref<128x64xf32, #tpu.memory_space<vmem>>
    %dma_wait3A_228 = arith.constant 0 : i32
    %dma_wait3A_229 = arith.constant 0 : i32
    %dma_wait3A_230 = tpu.memref_slice %arg3[%dma_wait3A_228, %dma_wait3A_229] : memref<1000000x64xf32, #tpu.memory_space<hbm>> -> memref<128x64xf32, #tpu.memory_space<hbm>>
    %dma_wait3A_231 = tpu.memref_slice %arg8[%dma_wait3A_223] : memref<8x!tpu.dma_semaphore, #tpu.memory_space<semaphore_mem>> -> memref<1x!tpu.dma_semaphore, #tpu.memory_space<semaphore_mem>>
    %dma_wait3A_232 = tpu.memref_squeeze %dma_wait3A_231 : memref<1x!tpu.dma_semaphore, #tpu.memory_space<semaphore_mem>> -> memref<!tpu.dma_semaphore, #tpu.memory_space<semaphore_mem>>
    %dma_wait3A_233 = arith.constant 0 : i32
    %dma_wait3A_234 = arith.constant 0 : i32
    %dma_wait3A_235 = tpu.memref_slice %arg6[%dma_wait3A_222, %dma_wait3A_233, %dma_wait3A_234] : memref<8x128x64xf32, #tpu.memory_space<vmem>> -> memref<1x128x64xf32, #tpu.memory_space<vmem>>
    %dma_wait3A_236 = tpu.memref_squeeze %dma_wait3A_235 : memref<1x128x64xf32, #tpu.memory_space<vmem>> -> memref<128x64xf32, #tpu.memory_space<vmem>>
    %dma_wait3A_237 = arith.constant 0 : i32
    %dma_wait3A_238 = arith.constant 0 : i32
    %dma_wait3A_239 = tpu.memref_slice %arg3[%dma_wait3A_237, %dma_wait3A_238] : memref<1000000x64xf32, #tpu.memory_space<hbm>> -> memref<128x64xf32, #tpu.memory_space<hbm>>
    tpu.wait_dma2 semaphore(%dma_wait3A_232 : memref<!tpu.dma_semaphore, #tpu.memory_space<semaphore_mem>>) src(%dma_wait3A_239 : memref<128x64xf32, #tpu.memory_space<hbm>>) dst(%dma_wait3A_236 : memref<128x64xf32, #tpu.memory_space<vmem>>)
    return
  }
}

</mosaic_0001>

<sc_bundles>
// kernel: kernel.3.cloned.1.call-start
scs
__scs_entry_jumppad:
0x0: {  	(pc) =	sbr.rel $0x88, $3  }
0x1: {  	(tag) =	ssettag $0x0;
	lr =	simm.s32 $0x1  }
0x2: {  	[smem:$0x3F9F] =	sst lr;
	_ =	strace $0xD0000000  }
0x3: {  	_ = 	snop  }
0x4: {  	_ = 	snop  }
0x5: {  	_ = 	snop  }
0x6: {  	_ = 	snop  }
0x7: {  	_ = 	snop  }
__scs_overlays_trampoline_lowered:
0x8: {  	[smem:$0x3FAE] =	sst s0  }
0x9: {  	[smem:$0x3FAF] =	sst s1  }
0xa: {  	[smem:$0x3FB0] =	sst s2  }
0xb: {  	[smem:$0x3FB1] =	sst s3  }
0xc: {  	[smem:$0x3FB2] =	sst s4  }
0xd: {  	[smem:$0x3FB3] =	sst s5  }
0xe: {  	[smem:$0x3FB4] =	sst s6  }
0xf: {  	[smem:$0x3FB5] =	sst s7  }
0x10: {  	[smem:$0x3FB6] =	sst s8  }
0x11: {  	[smem:$0x3FB7] =	sst s9;
	s0 =	simm.s32 @!p0 $0x0  }
0x12: {  	s1 =	sld [smem:$0x3F9D];
	s0 =	simm.s32 @p0 $0x1  }
0x13: {  	[smem:$0x3FB8] =	sst s0;
	s0 =	simm.s32 @!p1 $0x0  }
0x14: {  	s2 =	sld [smem:$0x3F9C];
	s0 =	simm.s32 @p1 $0x1  }
0x15: {  	[smem:$0x3FB9] =	sst s0;
	s0 =	simm.s32 @!p2 $0x0  }
0x16: {  	s3 =	sld [smem:$0x3FDB];
	s0 =	simm.s32 @p2 $0x1  }
0x17: {  	s4 =	simm.s32 $0x1BF5;
	[smem:$0x3FBB] =	sst s0  }
0x18: {  	s0 =	sld [smem:$0x3F9E];
	_ =	swait.ge [sflag:s4], $0x0  }
0x19: {  	s7 =	sld [smem:$0x3F9F]  }
0x1a: {  	s8 =	sadd.s32 $0xFFFFE003, lr  }
0x1b: {  	s9 =	sadd.s32 $0xFFFFFEF7, lr;
	s5 =	simm.s32 $0xFFFFFFFF;
	p2 =	slt.u32 s8, $0xFFFFF086  }
0x1c: {  	p1 =	slt.u32 s9, $0xF7A;
	s5 =	simm.s32 @!p2 $0x0  }
0x1d: {  	s5 =	simm.s32 @p1 $0x1;
	p0 =	seq.s32 s7, s2  }
0x1e: {  	s7 =	smul.u32 @!p0 $0xF7A, s2;
	p2 =	seq.s32 @!p0 s5, $0x0  }
0x1f: {  	s9 =	smul.u32 $0xF7A, s1;
	s8 =	simm.s32 @!p0 $0x1BF5;
	p2 =	por !p2, p0  }
0x20: {  	[sflag:s8] =	ssyncset.s32 @!p0 $0xFFFFF086;
	s6 =	sadd.s32 @!p0 s3, s7;
	s7 =	simm.s32 @!p0 $0x108  }
0x21: {  	s3 =	sadd.s32 s3, s9;
	s6 =	sadd.s32 @!p0 $0x88, s6;
	s7 =	simm.s32 @p2 $0x1082  }
0x22: {  	[simem:s7], [sflag:s8] =	dma.local @!p0 [hbm:s6], $0xF7A  }
0x23: {  	s9 =	sor.u32 $0xD0000000, s2;
	s6 =	simm.s32 $0x108;
	_ =	swait.ge @!p0 [sflag:s8], $0x0  }
0x24: {  	s3 =	sadd.s32 $0x88, s3;
	s6 =	simm.s32 @!p1 $0x1082;
	[sflag:s4] =	ssyncset.s32 $0xFFFFF086  }
0x25: {  	[simem:s6], [sflag:s4] =	dma.local [hbm:s3], $0xF7A  }
0x26: {  	[smem:$0x3F9F] =	sst s1;
	(tag) =	ssettag s2;
	_ =	strace s9  }
0x27: {  	s1 =	sld [smem:$0x3FAF]  }
0x28: {  	s2 =	sld [smem:$0x3FB0]  }
0x29: {  	s4 =	sld [smem:$0x3FB2]  }
0x2a: {  	p0 =	seq.s32 s5, $0x0;
	s5 =	sld [smem:$0x3FB3]  }
0x2b: {  	s6 =	sld [smem:$0x3FB4]  }
0x2c: {  	s7 =	sld [smem:$0x3FB5]  }
0x2d: {  	s3 =	simm.s32 $0x108;
	s8 =	sld [smem:$0x3FB6]  }
0x2e: {  	s3 =	simm.s32 @!p0 $0x1082;
	s9 =	sld [smem:$0x3FB7]  }
0x2f: {  	lr =	sadd.s32 s0, s3;
	s0 =	sld [smem:$0x3FAE]  }
0x30: {  	s3 =	sld [smem:$0x3FB1]  }
0x31: {  	[smem:$0x3FBA] =	sst s10  }
0x32: {  	s10 =	sld [smem:$0x3FB8];
	_ =	sdelay $0x3  }
0x33: {  	p0 =	seq.s32 s10, $0x1;
	s10 =	sld [smem:$0x3FBA];
	_ =	sdelay $0x3  }
0x34: {  	[smem:$0x3FBA] =	sst s10  }
0x35: {  	s10 =	sld [smem:$0x3FB9];
	_ =	sdelay $0x3  }
0x36: {  	p1 =	seq.s32 s10, $0x1;
	s10 =	sld [smem:$0x3FBA];
	_ =	sdelay $0x3  }
0x37: {  	[smem:$0x3FBA] =	sst s10  }
0x38: {  	s10 =	sld [smem:$0x3FBB]  }
0x39: {  	_ = 	snop;
	(pc) =	sbr.ind lr, $3  }
0x3a: {  	_ = 	snop  }
0x3b: {  	_ = 	snop  }
0x3c: {  	p2 =	seq.s32 s10, $0x1;
	s10 =	sld [smem:$0x3FBA]  }
0x3d: {  	_ =	shalt  }
0x3e: {  	_ =	shalt  }
0x3f: {  	_ =	shalt  }
0x40: {  	_ =	shalt  }
0x41: {  	_ =	shalt  }
0x42: {  	_ =	shalt  }
0x43: {  	_ =	shalt  }
0x44: {  	_ =	shalt  }
0x45: {  	_ =	shalt  }
0x46: {  	_ =	shalt  }
0x47: {  	_ =	shalt  }
0x48: {  	_ =	shalt  }
0x49: {  	_ =	shalt  }
0x4a: {  	_ =	shalt  }
0x4b: {  	_ =	shalt  }
0x4c: {  	_ =	shalt  }
0x4d: {  	_ =	shalt  }
0x4e: {  	_ =	shalt  }
0x4f: {  	_ =	shalt  }
0x50: {  	_ =	shalt  }
0x51: {  	_ =	shalt  }
0x52: {  	_ =	shalt  }
0x53: {  	_ =	shalt  }
0x54: {  	_ =	shalt  }
0x55: {  	_ =	shalt  }
0x56: {  	_ =	shalt  }
0x57: {  	_ =	shalt  }
0x58: {  	_ =	shalt  }
0x59: {  	_ =	shalt  }
0x5a: {  	_ =	shalt  }
0x5b: {  	_ =	shalt  }
0x5c: {  	_ =	shalt  }
0x5d: {  	_ =	shalt  }
0x5e: {  	_ =	shalt  }
0x5f: {  	_ =	shalt  }
0x60: {  	_ =	shalt  }
0x61: {  	_ =	shalt  }
0x62: {  	_ =	shalt  }
0x63: {  	_ =	shalt  }
0x64: {  	_ =	shalt  }
0x65: {  	_ =	shalt  }
0x66: {  	_ =	shalt  }
0x67: {  	_ =	shalt  }
0x68: {  	_ =	shalt  }
0x69: {  	_ =	shalt  }
0x6a: {  	_ =	shalt  }
0x6b: {  	_ =	shalt  }
0x6c: {  	_ =	shalt  }
0x6d: {  	_ =	shalt  }
0x6e: {  	_ =	shalt  }
0x6f: {  	_ =	shalt  }
0x70: {  	_ =	shalt  }
0x71: {  	_ =	shalt  }
0x72: {  	_ =	shalt  }
0x73: {  	_ =	shalt  }
0x74: {  	_ =	shalt  }
0x75: {  	_ =	shalt  }
0x76: {  	_ =	shalt  }
0x77: {  	_ =	shalt  }
0x78: {  	_ =	shalt  }
0x79: {  	_ =	shalt  }
0x7a: {  	_ =	shalt  }
0x7b: {  	_ =	shalt  }
0x7c: {  	_ =	shalt  }
0x7d: {  	_ =	shalt  }
0x7e: {  	_ =	shalt  }
0x7f: {  	_ =	shalt  }
0x80: {  	_ =	shalt  }
0x81: {  	_ =	shalt  }
0x82: {  	_ =	shalt  }
0x83: {  	_ =	shalt  }
0x84: {  	_ =	shalt  }
0x85: {  	_ =	shalt  }
0x86: {  	_ =	shalt  }
0x87: {  	_ =	shalt  }
.Lfunc_end0:
.L_simem_size_0:
called_computation.1_lowered:
.L_overlay_start_0:
0x88: {  	s2 =	sld [smem:$0x3FD9]  }
0x89: {  	s3 =	sld [smem:$0x3FFE];
	_ =	sdelay $0x1  }
0x8a: {  	s1 =	srdreg.scid  }
0x8b: {  	s0 =	sand.u32 $0x1, s1  }
0x8c: {  	s17 =	sshll.u32 s0, $0xA;
	s2 =	sadd.s32 s3, s2  }
0x8d: {  	s2 =	sadd.s32 s2, s17  }
0x8e: {  	[smem:$0x3FC6] =	sst s2  }
0x8f: {  	_ = 	snop  }
0x90: {  	s2 =	sld [smem:$0x3FD0];
	(tm) =	ssettm $0x1  }
0x91: {  	s18 =	sld [smem:$0x3FFB];
	_ =	sdelay $0x3  }
0x92: {  	_ =	strace s18  }
0x93: {  	s3 =	sld [smem:$0x3FFC];
	_ =	sdelay $0x3  }
0x94: {  	_ =	strace s3  }
0x95: {  	s3 =	sld [smem:$0x3FFD];
	_ =	sdelay $0x3  }
0x96: {  	_ =	strace s3  }
0x97: {  	_ =	strace $0x8FFFFFFF  }
0x98: {  	s19 =	sld [smem:$0x3FDB];
	_ =	sdelay $0x1  }
0x99: {  	s4 =	simm.s32 $_scs_section_size  }
0x9a: {  	s5 =	simm.s32 $_size__tile_overlayer_lowered;
	s6 =	simm.s32 $_tile_overlayer_lowered  }
0x9b: {  	s22 =	simm.s32 $0x1BFF;
	s21 =	sshll.u32 s6, $0x1;
	s3 =	sadd.s32 s4, s19  }
0x9c: {  	s7 =	simm.s32 $0x0;
	s20 =	sshll.u32 s5, $0x1;
	s5 =	sadd.s32 s21, s3  }
0x9d: {  	[timem:s7], [sflag:s22] =	dma.local [hbm:s5], s20  }
0x9e: {  	_ =	swait.ge [sflag:s22], s20  }
0x9f: {  	s4 =	ssub.s32 $0x0, s20;
	[sflag:s22] =	ssyncset.done $0x0  }
0xa0: {  	[sflag:s22] =	ssyncadd.s32 s4;
	_ =	sdelay $0x1  }
0xa1: {  	s23 =	simm.s32 $0x1B8B  }
0xa2: {  	_ =	swait.ge [sflag:s23], $0x1  }
0xa3: {  	[sflag:s23] =	ssyncset.done $0x0  }
0xa4: {  	s25 =	simm.s32 $0x1B8E;
	s24 =	sld [smem:$0x3FFE];
	[sflag:s23] =	ssyncadd.s32 $0xFFFFFFFF  }
0xa5: {  	s26 =	simm.s32 $execute0_lowered;
	[smem:$0x3FD2] =	sst s25  }
0xa6: {  	s5 =	sshll.u32 s26, $0x1;
	_ =	strace $0x80000046;
	[dreg:$0x1] =	wrdreg $0xFFFFFFFF  }
0xa7: {  	s28 =	simm.s32 $_size_execute0_lowered;
	s3 =	sadd.s32 s3, s5;
	[dreg:$0x0] =	wrdreg $0x0  }
0xa8: {  	s5 =	sshll.u32 s28, $0x1;
	[dreg:$0x2] =	wrdreg s3  }
0xa9: {  	[dreg:$0x3] =	wrdreg s5  }
0xaa: {  	[dreg:$0x4] =	wrdreg $0xC0  }
0xab: {  	_ =	task [dreg:s7], $0x5FFFF  }
0xac: {  	[dreg:$0x1] =	wrdreg $0xFFFFFFFF  }
0xad: {  	[dreg:$0x0] =	wrdreg $0x60  }
0xae: {  	[dreg:$0x2] =	wrdreg s24  }
0xaf: {  	[dreg:$0x3] =	wrdreg s2  }
0xb0: {  	[dreg:$0x4] =	wrdreg $0x9  }
0xb1: {  	_ =	task.clear_ibuf [dreg:s7], $0x5FFFF;
	_ =	strace $0x90000046  }
0xb2: {  	s29 =	simm.s32 $0x9;
	_ =	strace $0x80000048  }
0xb3: {  	_ =	swait.ge [sflag:s29], $0x1  }
0xb4: {  	[sflag:s29] =	ssyncadd.s32 $0xFFFFFFFF  }
0xb5: {  	_ =	strace $0x90000048  }
0xb6: {  	_ =	sfence  }
0xb7: {  	s30 =	sld [smem:$0x0];
	_ =	sdelay $0x2  }
0xb8: {  	s31 =	sshll.u32 s1, $0xD;
	s1 =	sshrl.u32 s1, $0x2  }
0xb9: {  	s3 =	sand.u32 $0x4000, s31;
	s1 =	sadd.s32 s1, s30  }
0xba: {  	s0 =	sor.u32 s3, s0;
	s1 =	sshll.u32 s1, $0x11  }
0xbb: {  	s0 =	sor.u32 s1, s0  }
0xbc: {  	s0 =	sadd.s32 $0x8F2B, s0  }
0xbd: {  	[sflag:s0] =	ssyncadd.remote.s32 $0x1  }
0xbe: {  	_ =	sfence.sel $0xFFFF  }
0xbf: {  	[dreg:$0x0] =	wrdreg $0xFFFFFFFF;
	(pc) =	sbr.abs _section_cstart, $3  }
0xc0: {  	[dreg:$0x1] =	wrdreg $0xFFFFFFFF  }
0xc1: {  	_ =	task.clear_ibuf [dreg:s7], $0x2FFFF;
	_ =	strace $0x9FFFFFFF  }
0xc2: {  	(tm) =	ssettm $0x7FFFFFFF  }
0xc3: {  	_ =	shalt  }
tec
execute0_lowered:
.L_overlay_start_1:
0x0: {  	(tag) =	ssettag $0x1  }
0x1: {  	s0 =	rddreg [dreg:$0x0]  }
0x2: {  	s1 =	srdreg.scid;
	s3 =	stileid.u32  }
0x3: {  	s2 =	rddreg [dreg:$0x1];
	s14 =	simm.s32 $0x80;
	s22 =	simm.s32 $0xE400  }
0x4: {  	s24 =	simm.s32 $0x10400;
	s28 =	simm.s32 $0x2;
	s29 =	simm.s32 $0x14400  }
0x5: {  	s30 =	simm.s32 $0x3;
	s31 =	simm.s32 $0x4;
	s17 =	simm.s32 $0x7  }
0x6: {  	s19 =	simm.s32 $0x8;
	s1 =	sand.u32 $0x1, s1;
	s4 =	sshll.u32 s3, $0x1  }
0x7: {  	s21 =	simm.s32 $0xE;
	s3 =	simm.s32 $0x0;
	s4 =	sor.u32 s1, s4  }
0x8: {  	s13 =	simm.s32 $0x0;
	[smem:$0x7FF] =	sst s3;
	s5 =	smul.u32 $0xC80, s4  }
0x9: {  	s1 =	ssub.s32 $0x2, s1;
	_ =	strace $0x80000047;
	s4 =	smul.u32 $0xC8, s4  }
0xa: {  	s25 =	sshrl.u32 s1, $0x1;
	s6 =	sadd.s32 s5, s0;
	s5 =	sadd.s32 $0xF42E00, s0  }
.Ltmp0:
0xb: {  	s0 =	ssub.s32 s1, s25;
	s7 =	sor.u32 $0x1, s4;
	(pc) =	sbr.rel .LBB2_1-.Ltmp0, $4  }
0xc: {  	s8 =	sor.u32 $0x2, s4;
	s9 =	sor.u32 $0x3, s4;
	s10 =	sor.u32 $0x4, s4  }
0xd: {  	s11 =	sor.u32 $0x5, s4;
	s25 =	simm.s32 $0x1;
	s26 =	sadd.s32 $0xA00, s6  }
0xe: {  	s1 =	simm.s32 $0x5;
	s0 =	smax.u32 s0, $0x1;
	[dreg:$0x3] =	wrdreg s26  }
0xf: {  	[dreg:$0x4] =	wrdreg s0;
	s26 =	simm.s32 $0x12400;
	s0 =	simm.s32 $0x6  }
.LBB2_20:
0x10: {  	s6 =	simm.s32 $0x9  }
0x11: {  	_ =	swait.ge [sflag:s6], $0x2000  }
0x12: {  	[sflag:s6] =	ssyncset.done $0x0  }
0x13: {  	s13 =	simm.s32 $0xA;
	[sflag:s6] =	ssyncadd.s32 $0xFFFFE000  }
0x14: {  	_ =	swait.ge [sflag:s13], $0x2000  }
0x15: {  	[sflag:s13] =	ssyncset.done $0x0  }
0x16: {  	s15 =	simm.s32 $0xB;
	[sflag:s13] =	ssyncadd.s32 $0xFFFFE000  }
0x17: {  	_ =	swait.ge [sflag:s15], $0x2000  }
0x18: {  	[sflag:s15] =	ssyncset.done $0x0  }
0x19: {  	s16 =	simm.s32 $0xC;
	[sflag:s15] =	ssyncadd.s32 $0xFFFFE000  }
0x1a: {  	_ =	swait.ge [sflag:s16], $0x2000  }
0x1b: {  	[sflag:s16] =	ssyncset.done $0x0  }
0x1c: {  	s18 =	simm.s32 $0xD;
	[sflag:s16] =	ssyncadd.s32 $0xFFFFE000  }
0x1d: {  	_ =	swait.ge [sflag:s18], $0x2000  }
0x1e: {  	[sflag:s18] =	ssyncset.done $0x0  }
0x1f: {  	[sflag:s18] =	ssyncadd.s32 $0xFFFFE000  }
0x20: {  	_ =	swait.ge [sflag:s21], $0x2000  }
0x21: {  	[sflag:s21] =	ssyncset.done $0x0  }
0x22: {  	s20 =	simm.s32 $0xF;
	[sflag:s21] =	ssyncadd.s32 $0xFFFFE000  }
0x23: {  	_ =	swait.ge [sflag:s20], $0x2000  }
0x24: {  	[sflag:s20] =	ssyncset.done $0x0  }
0x25: {  	s12 =	simm.s32 $0x10;
	[sflag:s20] =	ssyncadd.s32 $0xFFFFE000  }
0x26: {  	_ =	swait.ge [sflag:s12], $0x2000  }
0x27: {  	s13 =	rddreg [dreg:$0x5]  }
0x28: {  	s23 =	rddreg [dreg:$0x4];
	s13 =	sadd.s32 $0x1, s13  }
0x29: {  	p0 =	sne.s32 s13, s23  }
.Ltmp1:
0x2a: {  	_ = 	snop;
	(pc) =	sbr.rel @!p0 .LBB2_21-.Ltmp1, $3  }
0x2b: {  	_ =	sdelay $0x1  }
0x2c: {  	[sflag:s12] =	ssyncset.done $0x0  }
0x2d: {  	[sflag:s12] =	ssyncadd.s32 $0xFFFFE000  }
.LBB2_1:
0x2e: {  	[dreg:$0x5] =	wrdreg s13  }
0x2f: {  	s6 =	rddreg [dreg:$0x3];
	s23 =	simm.s32 $0x11  }
0x30: {  	[tilespmem:s3], [sflag:$0x11] =	stream.linear.gather [hbm4b:s6+s3], $0x6400, $0x38;
	[tilespmem:$0x16400] =	vst v63  }
0x31: {  	_ =	swait.ge [sflag:s23], $0x6400  }
0x32: {  	[sflag:s23] =	ssyncset.done $0x0  }
0x33: {  	s12 =	simm.s32 $0x6400;
	[sflag:s23] =	ssyncadd.s32 $0xFFFF9C00  }
0x34: {  	[tilespmem:s12], [sflag:$0x1] =	stream.indirect.gather [hbm4b:s5+s14], $0x40, s3, s14, $0xb8;
	[tilespmem:$0x16400] =	vst v63  }
0x35: {  	s13 =	simm.s32 $0x8400  }
0x36: {  	[tilespmem:s13], [sflag:$0x2] =	stream.indirect.gather [hbm4b:s5+s14], $0x40, s14, s14, $0xb8;
	[tilespmem:$0x16400] =	vst v63  }
0x37: {  	s15 =	simm.s32 $0x100;
	s12 =	simm.s32 $0xA400  }
0x38: {  	[tilespmem:s12], [sflag:$0x3] =	stream.indirect.gather [hbm4b:s5+s14], $0x40, s15, s14, $0xb8;
	[tilespmem:$0x16400] =	vst v63  }
0x39: {  	s16 =	simm.s32 $0x180;
	s18 =	simm.s32 $0xC400  }
0x3a: {  	[tilespmem:s18], [sflag:$0x4] =	stream.indirect.gather [hbm4b:s5+s14], $0x40, s16, s14, $0xb8;
	[tilespmem:$0x16400] =	vst v63  }
0x3b: {  	s20 =	simm.s32 $0x200  }
0x3c: {  	[tilespmem:s22], [sflag:$0x5] =	stream.indirect.gather [hbm4b:s5+s14], $0x40, s20, s14, $0xb8;
	[tilespmem:$0x16400] =	vst v63  }
0x3d: {  	s23 =	simm.s32 $0x280;
	s13 =	simm.s32 $0x0  }
0x3e: {  	[tilespmem:s24], [sflag:$0x6] =	stream.indirect.gather [hbm4b:s5+s14], $0x40, s23, s14, $0xb8;
	[tilespmem:$0x16400] =	vst v63  }
.LBB2_2:
0x3f: {  	_ =	swait.ge [sflag:s25], $0x2000  }
0x40: {  	[sflag:s25] =	ssyncset.done $0x0  }
0x41: {  	s6 =	simm.s32 $0x6500;
	[sflag:s25] =	ssyncadd.s32 $0xFFFFE000  }
0x42: {  	v0 =	vld [tilespmem:s6+$0xF0]  }
0x43: {  	v1 =	vld [tilespmem:s6+$0xFFFFFF10]  }
0x44: {  	v2 =	vld [tilespmem:s6+$0xFFFFFF20]  }
0x45: {  	v3 =	vld [tilespmem:s6+$0xFFFFFF30]  }
0x46: {  	v4 =	vld [tilespmem:s6+$0xFFFFFF40]  }
0x47: {  	v5 =	vld [tilespmem:s6+$0xFFFFFF50];
	v0 =	vmul.f32 $8.000000000e+00, v0  }
0x48: {  	v6 =	vld [tilespmem:s6+$0xFFFFFF60];
	v1 =	vmul.f32 $8.000000000e+00, v1  }
0x49: {  	v7 =	vld [tilespmem:s6+$0xFFFFFF70];
	v2 =	vmul.f32 $8.000000000e+00, v2;
	[tilespmem:s6+$0xF0] =	vst v0  }
0x4a: {  	[tilespmem:s6+$0xFFFFFF10] =	vst v1;
	v0 =	vmul.f32 $8.000000000e+00, v3;
	v1 =	vld [tilespmem:s6+$0xFFFFFF80]  }
0x4b: {  	[tilespmem:s6+$0xFFFFFF20] =	vst v2;
	v2 =	vmul.f32 $8.000000000e+00, v4;
	v3 =	vld [tilespmem:s6+$0xFFFFFF90]  }
0x4c: {  	v4 =	vld [tilespmem:s6+$0xFFFFFFA0];
	[tilespmem:s6+$0xFFFFFF30] =	vst v0;
	v0 =	vmul.f32 $8.000000000e+00, v5  }
0x4d: {  	[tilespmem:s6+$0xFFFFFF40] =	vst v2;
	v2 =	vmul.f32 $8.000000000e+00, v6;
	v5 =	vld [tilespmem:s6+$0xFFFFFFB0]  }
0x4e: {  	v6 =	vld [tilespmem:s6+$0xFFFFFFC0];
	[tilespmem:s6+$0xFFFFFF50] =	vst v0;
	v0 =	vmul.f32 $8.000000000e+00, v7  }
0x4f: {  	[tilespmem:s6+$0xFFFFFF60] =	vst v2;
	v2 =	vld [tilespmem:s6+$0xFFFFFFD0];
	v1 =	vmul.f32 $8.000000000e+00, v1  }
0x50: {  	[tilespmem:s6+$0xFFFFFF70] =	vst v0;
	v0 =	vmul.f32 $8.000000000e+00, v3;
	v3 =	vld [tilespmem:s6+$0xFFFFFFE0]  }
0x51: {  	[tilespmem:s6+$0xFFFFFF80] =	vst v1;
	v1 =	vmul.f32 $8.000000000e+00, v4;
	v4 =	vld [tilespmem:s6+$0xFFFFFFF0]  }
0x52: {  	[tilespmem:s6+$0xFFFFFF90] =	vst v0;
	v0 =	vmul.f32 $8.000000000e+00, v5;
	v5 =	vld [tilespmem:s6+$0x0]  }
0x53: {  	[tilespmem:s6+$0xFFFFFFA0] =	vst v1;
	v1 =	vmul.f32 $8.000000000e+00, v6;
	v6 =	vld [tilespmem:s6+$0x10]  }
0x54: {  	[tilespmem:s6+$0xFFFFFFB0] =	vst v0;
	v0 =	vmul.f32 $8.000000000e+00, v2;
	v2 =	vld [tilespmem:s6+$0x20]  }
0x55: {  	[tilespmem:s6+$0xFFFFFFC0] =	vst v1;
	v1 =	vmul.f32 $8.000000000e+00, v3;
	v3 =	vld [tilespmem:s6+$0x30]  }
0x56: {  	[tilespmem:s6+$0xFFFFFFD0] =	vst v0;
	v0 =	vmul.f32 $8.000000000e+00, v4;
	v4 =	vld [tilespmem:s6+$0x40]  }
0x57: {  	[tilespmem:s6+$0xFFFFFFE0] =	vst v1;
	v1 =	vmul.f32 $8.000000000e+00, v5;
	v5 =	vld [tilespmem:s6+$0x50]  }
0x58: {  	[tilespmem:s6+$0xFFFFFFF0] =	vst v0;
	v0 =	vmul.f32 $8.000000000e+00, v6;
	v6 =	vld [tilespmem:s6+$0x60]  }
0x59: {  	[tilespmem:s6+$0x0] =	vst v1;
	v1 =	vmul.f32 $8.000000000e+00, v2;
	v2 =	vld [tilespmem:s6+$0x70]  }
0x5a: {  	[tilespmem:s6+$0x10] =	vst v0;
	v0 =	vmul.f32 $8.000000000e+00, v3;
	v3 =	vld [tilespmem:s6+$0x80]  }
0x5b: {  	[tilespmem:s6+$0x20] =	vst v1;
	v1 =	vmul.f32 $8.000000000e+00, v4;
	v4 =	vld [tilespmem:s6+$0x90]  }
0x5c: {  	v7 =	vld [tilespmem:s6+$0xA0];
	[tilespmem:s6+$0x30] =	vst v0;
	v5 =	vmul.f32 $8.000000000e+00, v5  }
0x5d: {  	v0 =	vld [tilespmem:s6+$0xB0];
	[tilespmem:s6+$0x40] =	vst v1;
	v6 =	vmul.f32 $8.000000000e+00, v6  }
0x5e: {  	v1 =	vld [tilespmem:s6+$0xC0];
	[tilespmem:s6+$0x50] =	vst v5;
	v5 =	vmul.f32 $8.000000000e+00, v2  }
0x5f: {  	v2 =	vld [tilespmem:s6+$0xD0];
	[tilespmem:s6+$0x60] =	vst v6;
	v6 =	vmul.f32 $8.000000000e+00, v3  }
0x60: {  	v3 =	vld [tilespmem:s6+$0xE0];
	[tilespmem:s6+$0x70] =	vst v5;
	v5 =	vmul.f32 $8.000000000e+00, v4  }
0x61: {  	s12 =	simm.s32 $0x0;
	s15 =	simm.s32 $0x6700;
	v4 =	vld [tilespmem:s6+$0xFFFFFF00];
	[tilespmem:s6+$0x80] =	vst v6;
	v6 =	vmul.f32 $8.000000000e+00, v7  }
.LBB2_3:
0x62: {  	v7 =	vld [tilespmem:s15+$0xF0];
	s12 =	sadd.s32 $0x8, s12;
	[tilespmem:s6+$0x90] =	vst v5;
	v0 =	vmul.f32 $8.000000000e+00, v0  }
0x63: {  	v5 =	vld [tilespmem:s15+$0xFFFFFF10];
	p0 =	slt.u32 s12, $0x78;
	[tilespmem:s6+$0xA0] =	vst v6;
	v1 =	vmul.f32 $8.000000000e+00, v1  }
0x64: {  	v6 =	vld [tilespmem:s15+$0xFFFFFF20];
	[tilespmem:s6+$0xB0] =	vst v0;
	v0 =	vmul.f32 $8.000000000e+00, v2  }
0x65: {  	v2 =	vld [tilespmem:s15+$0xFFFFFF30];
	[tilespmem:s6+$0xC0] =	vst v1;
	v1 =	vmul.f32 $8.000000000e+00, v3  }
0x66: {  	v3 =	vld [tilespmem:s15+$0xFFFFFF40];
	v4 =	vmul.f32 $8.000000000e+00, v4;
	[tilespmem:s6+$0xD0] =	vst v0  }
0x67: {  	v0 =	vld [tilespmem:s15+$0xFFFFFF50];
	v7 =	vmul.f32 $8.000000000e+00, v7;
	[tilespmem:s6+$0xE0] =	vst v1  }
0x68: {  	v1 =	vmul.f32 $8.000000000e+00, v5;
	v5 =	vld [tilespmem:s15+$0xFFFFFF60];
	[tilespmem:s6+$0xFFFFFF00] =	vst v4;
	s6 =	smov.u32 s15  }
0x69: {  	v4 =	vmul.f32 $8.000000000e+00, v6;
	v6 =	vld [tilespmem:s15+$0xFFFFFF70];
	[tilespmem:s15+$0xF0] =	vst v7  }
0x6a: {  	[tilespmem:s15+$0xFFFFFF10] =	vst v1;
	v1 =	vmul.f32 $8.000000000e+00, v2;
	v2 =	vld [tilespmem:s15+$0xFFFFFF80]  }
0x6b: {  	[tilespmem:s15+$0xFFFFFF20] =	vst v4;
	v3 =	vmul.f32 $8.000000000e+00, v3;
	v4 =	vld [tilespmem:s15+$0xFFFFFF90]  }
0x6c: {  	[tilespmem:s15+$0xFFFFFF30] =	vst v1;
	v0 =	vmul.f32 $8.000000000e+00, v0;
	v1 =	vld [tilespmem:s15+$0xFFFFFFA0]  }
0x6d: {  	[tilespmem:s15+$0xFFFFFF40] =	vst v3;
	v3 =	vmul.f32 $8.000000000e+00, v5;
	v5 =	vld [tilespmem:s15+$0xFFFFFFB0]  }
0x6e: {  	[tilespmem:s15+$0xFFFFFF50] =	vst v0;
	v0 =	vmul.f32 $8.000000000e+00, v6;
	v6 =	vld [tilespmem:s15+$0xFFFFFFC0]  }
0x6f: {  	[tilespmem:s15+$0xFFFFFF60] =	vst v3;
	v2 =	vmul.f32 $8.000000000e+00, v2;
	v3 =	vld [tilespmem:s15+$0xFFFFFFD0]  }
0x70: {  	[tilespmem:s15+$0xFFFFFF70] =	vst v0;
	v0 =	vmul.f32 $8.000000000e+00, v4;
	v4 =	vld [tilespmem:s15+$0xFFFFFFE0]  }
0x71: {  	[tilespmem:s15+$0xFFFFFF80] =	vst v2;
	v1 =	vmul.f32 $8.000000000e+00, v1;
	v2 =	vld [tilespmem:s15+$0xFFFFFFF0]  }
0x72: {  	[tilespmem:s15+$0xFFFFFF90] =	vst v0;
	v0 =	vmul.f32 $8.000000000e+00, v5;
	v5 =	vld [tilespmem:s15+$0x0]  }
0x73: {  	[tilespmem:s15+$0xFFFFFFA0] =	vst v1;
	v1 =	vmul.f32 $8.000000000e+00, v6;
	v6 =	vld [tilespmem:s15+$0x10]  }
0x74: {  	[tilespmem:s15+$0xFFFFFFB0] =	vst v0;
	v0 =	vmul.f32 $8.000000000e+00, v3;
	v3 =	vld [tilespmem:s15+$0x20]  }
0x75: {  	[tilespmem:s15+$0xFFFFFFC0] =	vst v1;
	v1 =	vmul.f32 $8.000000000e+00, v4;
	v4 =	vld [tilespmem:s15+$0x30]  }
0x76: {  	[tilespmem:s15+$0xFFFFFFD0] =	vst v0;
	v0 =	vmul.f32 $8.000000000e+00, v2;
	v2 =	vld [tilespmem:s15+$0x40]  }
0x77: {  	[tilespmem:s15+$0xFFFFFFE0] =	vst v1;
	v1 =	vmul.f32 $8.000000000e+00, v5;
	v5 =	vld [tilespmem:s15+$0x50]  }
0x78: {  	[tilespmem:s15+$0xFFFFFFF0] =	vst v0;
	v0 =	vmul.f32 $8.000000000e+00, v6;
	v6 =	vld [tilespmem:s15+$0x60]  }
0x79: {  	[tilespmem:s15+$0x0] =	vst v1;
	v1 =	vmul.f32 $8.000000000e+00, v3;
	v3 =	vld [tilespmem:s15+$0x70]  }
0x7a: {  	[tilespmem:s15+$0x10] =	vst v0;
	v0 =	vmul.f32 $8.000000000e+00, v4;
	v4 =	vld [tilespmem:s15+$0x80]  }
0x7b: {  	[tilespmem:s15+$0x20] =	vst v1;
	v1 =	vmul.f32 $8.000000000e+00, v2;
	v7 =	vld [tilespmem:s15+$0x90]  }
0x7c: {  	[tilespmem:s15+$0x30] =	vst v0;
	v2 =	vmul.f32 $8.000000000e+00, v5;
	v8 =	vld [tilespmem:s15+$0xA0]  }
.Ltmp2:
0x7d: {  	[tilespmem:s15+$0x40] =	vst v1;
	v5 =	vmul.f32 $8.000000000e+00, v6;
	v0 =	vld [tilespmem:s15+$0xB0];
	(pc) =	sbr.rel @p0 .LBB2_3-.Ltmp2, $4  }
0x7e: {  	[tilespmem:s15+$0x50] =	vst v2;
	v3 =	vmul.f32 $8.000000000e+00, v3;
	v1 =	vld [tilespmem:s15+$0xC0]  }
0x7f: {  	[tilespmem:s15+$0x60] =	vst v5;
	v6 =	vmul.f32 $8.000000000e+00, v4;
	v2 =	vld [tilespmem:s15+$0xD0]  }
0x80: {  	[tilespmem:s15+$0x70] =	vst v3;
	v5 =	vmul.f32 $8.000000000e+00, v7;
	v3 =	vld [tilespmem:s15+$0xE0]  }
0x81: {  	s15 =	sadd.s32 $0x200, s15;
	v4 =	vld [tilespmem:s6+$0xFFFFFF00];
	[tilespmem:s6+$0x80] =	vst v6;
	v6 =	vmul.f32 $8.000000000e+00, v8  }
0x82: {  	[tilespmem:s6+$0x90] =	vst v5;
	v0 =	vmul.f32 $8.000000000e+00, v0  }
0x83: {  	[tilespmem:s6+$0xA0] =	vst v6;
	v1 =	vmul.f32 $8.000000000e+00, v1  }
0x84: {  	[tilespmem:s6+$0xB0] =	vst v0;
	v0 =	vmul.f32 $8.000000000e+00, v2  }
0x85: {  	s12 =	sshll.u32 s13, $0x3;
	[tilespmem:s6+$0xC0] =	vst v1;
	v1 =	vmul.f32 $8.000000000e+00, v3  }
0x86: {  	s15 =	sadd.s32 s4, s12;
	v2 =	vmul.f32 $8.000000000e+00, v4;
	[tilespmem:s6+$0xD0] =	vst v0  }
0x87: {  	p0 =	seq.s32 s13, $0x0;
	s15 =	sshll.u32 s15, $0xA;
	[tilespmem:s6+$0xE0] =	vst v1  }
0x88: {  	s16 =	simm.s32 $0x6400;
	s15 =	sadd.s32 s2, s15;
	[tilespmem:s6+$0xFFFFFF00] =	vst v2;
	s6 =	simm.s32 @!p0 $0xF  }
0x89: {  	[hbm4b:s15+s3] =	stream.linear.scatter [tilespmem:s16], [sflag:$0x9], $0x2000, $0x38;
	[tilespmem:$0x16400] =	vst v63  }
0x8a: {  	s23 =	sor.u32 $0x6, s12;
	_ =	swait.ge @!p0 [sflag:s6], $0x2000  }
0x8b: {  	s18 =	sshll.u32 s23, $0x7;
	[sflag:s6] =	ssyncset.done @!p0 $0x0  }
0x8c: {  	s20 =	sand.u32 $0x3FFFFF80, s18;
	[sflag:s6] =	ssyncadd.s32 @!p0 $0xFFFFE000  }
0x8d: {  	[tilespmem:s26], [sflag:$0x7] =	stream.indirect.gather [hbm4b:s5+s14], $0x40, s20, s14, $0xb8;
	[tilespmem:$0x16400] =	vst v63  }
0x8e: {  	_ =	swait.ge [sflag:s28], $0x2000  }
0x8f: {  	[sflag:s28] =	ssyncset.done $0x0  }
0x90: {  	s6 =	simm.s32 $0x85F0;
	[sflag:s28] =	ssyncadd.s32 $0xFFFFE000  }
0x91: {  	v0 =	vld [tilespmem:s6+$0x0]  }
0x92: {  	v1 =	vld [tilespmem:s6+$0xFFFFFE20]  }
0x93: {  	v2 =	vld [tilespmem:s6+$0xFFFFFE30]  }
0x94: {  	v3 =	vld [tilespmem:s6+$0xFFFFFE40]  }
0x95: {  	v4 =	vld [tilespmem:s6+$0xFFFFFE50]  }
0x96: {  	v5 =	vld [tilespmem:s6+$0xFFFFFE60];
	v0 =	vmul.f32 $8.000000000e+00, v0  }
0x97: {  	v6 =	vld [tilespmem:s6+$0xFFFFFE70];
	v1 =	vmul.f32 $8.000000000e+00, v1  }
0x98: {  	v7 =	vld [tilespmem:s6+$0xFFFFFE80];
	v2 =	vmul.f32 $8.000000000e+00, v2;
	[tilespmem:s6+$0x0] =	vst v0  }
0x99: {  	[tilespmem:s6+$0xFFFFFE20] =	vst v1;
	v0 =	vmul.f32 $8.000000000e+00, v3;
	v1 =	vld [tilespmem:s6+$0xFFFFFE90]  }
0x9a: {  	[tilespmem:s6+$0xFFFFFE30] =	vst v2;
	v2 =	vmul.f32 $8.000000000e+00, v4;
	v3 =	vld [tilespmem:s6+$0xFFFFFEA0]  }
0x9b: {  	v4 =	vld [tilespmem:s6+$0xFFFFFEB0];
	[tilespmem:s6+$0xFFFFFE40] =	vst v0;
	v0 =	vmul.f32 $8.000000000e+00, v5  }
0x9c: {  	[tilespmem:s6+$0xFFFFFE50] =	vst v2;
	v2 =	vmul.f32 $8.000000000e+00, v6;
	v5 =	vld [tilespmem:s6+$0xFFFFFEC0]  }
0x9d: {  	v6 =	vld [tilespmem:s6+$0xFFFFFED0];
	[tilespmem:s6+$0xFFFFFE60] =	vst v0;
	v0 =	vmul.f32 $8.000000000e+00, v7  }
0x9e: {  	[tilespmem:s6+$0xFFFFFE70] =	vst v2;
	v2 =	vld [tilespmem:s6+$0xFFFFFEE0];
	v1 =	vmul.f32 $8.000000000e+00, v1  }
0x9f: {  	[tilespmem:s6+$0xFFFFFE80] =	vst v0;
	v0 =	vmul.f32 $8.000000000e+00, v3;
	v3 =	vld [tilespmem:s6+$0xFFFFFEF0]  }
0xa0: {  	[tilespmem:s6+$0xFFFFFE90] =	vst v1;
	v1 =	vmul.f32 $8.000000000e+00, v4;
	v4 =	vld [tilespmem:s6+$0xFFFFFF00]  }
0xa1: {  	[tilespmem:s6+$0xFFFFFEA0] =	vst v0;
	v0 =	vmul.f32 $8.000000000e+00, v5;
	v5 =	vld [tilespmem:s6+$0xFFFFFF10]  }
0xa2: {  	[tilespmem:s6+$0xFFFFFEB0] =	vst v1;
	v1 =	vmul.f32 $8.000000000e+00, v6;
	v6 =	vld [tilespmem:s6+$0xFFFFFF20]  }
0xa3: {  	[tilespmem:s6+$0xFFFFFEC0] =	vst v0;
	v0 =	vmul.f32 $8.000000000e+00, v2;
	v2 =	vld [tilespmem:s6+$0xFFFFFF30]  }
0xa4: {  	[tilespmem:s6+$0xFFFFFED0] =	vst v1;
	v1 =	vmul.f32 $8.000000000e+00, v3;
	v3 =	vld [tilespmem:s6+$0xFFFFFF40]  }
0xa5: {  	[tilespmem:s6+$0xFFFFFEE0] =	vst v0;
	v0 =	vmul.f32 $8.000000000e+00, v4;
	v4 =	vld [tilespmem:s6+$0xFFFFFF50]  }
0xa6: {  	[tilespmem:s6+$0xFFFFFEF0] =	vst v1;
	v1 =	vmul.f32 $8.000000000e+00, v5;
	v5 =	vld [tilespmem:s6+$0xFFFFFF60]  }
0xa7: {  	[tilespmem:s6+$0xFFFFFF00] =	vst v0;
	v0 =	vmul.f32 $8.000000000e+00, v6;
	v6 =	vld [tilespmem:s6+$0xFFFFFF70]  }
0xa8: {  	[tilespmem:s6+$0xFFFFFF10] =	vst v1;
	v1 =	vmul.f32 $8.000000000e+00, v2;
	v2 =	vld [tilespmem:s6+$0xFFFFFF80]  }
0xa9: {  	[tilespmem:s6+$0xFFFFFF20] =	vst v0;
	v0 =	vmul.f32 $8.000000000e+00, v3;
	v3 =	vld [tilespmem:s6+$0xFFFFFF90]  }
0xaa: {  	[tilespmem:s6+$0xFFFFFF30] =	vst v1;
	v1 =	vmul.f32 $8.000000000e+00, v4;
	v4 =	vld [tilespmem:s6+$0xFFFFFFA0]  }
0xab: {  	v7 =	vld [tilespmem:s6+$0xFFFFFFB0];
	[tilespmem:s6+$0xFFFFFF40] =	vst v0;
	v5 =	vmul.f32 $8.000000000e+00, v5  }
0xac: {  	v0 =	vld [tilespmem:s6+$0xFFFFFFC0];
	[tilespmem:s6+$0xFFFFFF50] =	vst v1;
	v6 =	vmul.f32 $8.000000000e+00, v6  }
0xad: {  	v1 =	vld [tilespmem:s6+$0xFFFFFFD0];
	[tilespmem:s6+$0xFFFFFF60] =	vst v5;
	v5 =	vmul.f32 $8.000000000e+00, v2  }
0xae: {  	v2 =	vld [tilespmem:s6+$0xFFFFFFE0];
	[tilespmem:s6+$0xFFFFFF70] =	vst v6;
	v6 =	vmul.f32 $8.000000000e+00, v3  }
0xaf: {  	v3 =	vld [tilespmem:s6+$0xFFFFFFF0];
	[tilespmem:s6+$0xFFFFFF80] =	vst v5;
	v5 =	vmul.f32 $8.000000000e+00, v4  }
0xb0: {  	s15 =	simm.s32 $0x0;
	s16 =	simm.s32 $0x87F0;
	v4 =	vld [tilespmem:s6+$0xFFFFFE10];
	[tilespmem:s6+$0xFFFFFF90] =	vst v6;
	v6 =	vmul.f32 $8.000000000e+00, v7  }
.LBB2_5:
0xb1: {  	v7 =	vld [tilespmem:s16+$0x0];
	s15 =	sadd.s32 $0x8, s15;
	[tilespmem:s6+$0xFFFFFFA0] =	vst v5;
	v0 =	vmul.f32 $8.000000000e+00, v0  }
0xb2: {  	v5 =	vld [tilespmem:s16+$0xFFFFFE20];
	p1 =	slt.u32 s15, $0x78;
	[tilespmem:s6+$0xFFFFFFB0] =	vst v6;
	v1 =	vmul.f32 $8.000000000e+00, v1  }
0xb3: {  	v6 =	vld [tilespmem:s16+$0xFFFFFE30];
	[tilespmem:s6+$0xFFFFFFC0] =	vst v0;
	v0 =	vmul.f32 $8.000000000e+00, v2  }
0xb4: {  	v2 =	vld [tilespmem:s16+$0xFFFFFE40];
	[tilespmem:s6+$0xFFFFFFD0] =	vst v1;
	v1 =	vmul.f32 $8.000000000e+00, v3  }
0xb5: {  	v3 =	vld [tilespmem:s16+$0xFFFFFE50];
	v4 =	vmul.f32 $8.000000000e+00, v4;
	[tilespmem:s6+$0xFFFFFFE0] =	vst v0  }
0xb6: {  	v0 =	vld [tilespmem:s16+$0xFFFFFE60];
	v7 =	vmul.f32 $8.000000000e+00, v7;
	[tilespmem:s6+$0xFFFFFFF0] =	vst v1  }
0xb7: {  	v1 =	vmul.f32 $8.000000000e+00, v5;
	v5 =	vld [tilespmem:s16+$0xFFFFFE70];
	[tilespmem:s6+$0xFFFFFE10] =	vst v4;
	s6 =	smov.u32 s16  }
0xb8: {  	v4 =	vmul.f32 $8.000000000e+00, v6;
	v6 =	vld [tilespmem:s16+$0xFFFFFE80];
	[tilespmem:s16+$0x0] =	vst v7  }
0xb9: {  	[tilespmem:s16+$0xFFFFFE20] =	vst v1;
	v1 =	vmul.f32 $8.000000000e+00, v2;
	v2 =	vld [tilespmem:s16+$0xFFFFFE90]  }
0xba: {  	[tilespmem:s16+$0xFFFFFE30] =	vst v4;
	v3 =	vmul.f32 $8.000000000e+00, v3;
	v4 =	vld [tilespmem:s16+$0xFFFFFEA0]  }
0xbb: {  	[tilespmem:s16+$0xFFFFFE40] =	vst v1;
	v0 =	vmul.f32 $8.000000000e+00, v0;
	v1 =	vld [tilespmem:s16+$0xFFFFFEB0]  }
0xbc: {  	[tilespmem:s16+$0xFFFFFE50] =	vst v3;
	v3 =	vmul.f32 $8.000000000e+00, v5;
	v5 =	vld [tilespmem:s16+$0xFFFFFEC0]  }
0xbd: {  	[tilespmem:s16+$0xFFFFFE60] =	vst v0;
	v0 =	vmul.f32 $8.000000000e+00, v6;
	v6 =	vld [tilespmem:s16+$0xFFFFFED0]  }
0xbe: {  	[tilespmem:s16+$0xFFFFFE70] =	vst v3;
	v2 =	vmul.f32 $8.000000000e+00, v2;
	v3 =	vld [tilespmem:s16+$0xFFFFFEE0]  }
0xbf: {  	[tilespmem:s16+$0xFFFFFE80] =	vst v0;
	v0 =	vmul.f32 $8.000000000e+00, v4;
	v4 =	vld [tilespmem:s16+$0xFFFFFEF0]  }
0xc0: {  	[tilespmem:s16+$0xFFFFFE90] =	vst v2;
	v1 =	vmul.f32 $8.000000000e+00, v1;
	v2 =	vld [tilespmem:s16+$0xFFFFFF00]  }
0xc1: {  	[tilespmem:s16+$0xFFFFFEA0] =	vst v0;
	v0 =	vmul.f32 $8.000000000e+00, v5;
	v5 =	vld [tilespmem:s16+$0xFFFFFF10]  }
0xc2: {  	[tilespmem:s16+$0xFFFFFEB0] =	vst v1;
	v1 =	vmul.f32 $8.000000000e+00, v6;
	v6 =	vld [tilespmem:s16+$0xFFFFFF20]  }
0xc3: {  	[tilespmem:s16+$0xFFFFFEC0] =	vst v0;
	v0 =	vmul.f32 $8.000000000e+00, v3;
	v3 =	vld [tilespmem:s16+$0xFFFFFF30]  }
0xc4: {  	[tilespmem:s16+$0xFFFFFED0] =	vst v1;
	v1 =	vmul.f32 $8.000000000e+00, v4;
	v4 =	vld [tilespmem:s16+$0xFFFFFF40]  }
0xc5: {  	[tilespmem:s16+$0xFFFFFEE0] =	vst v0;
	v0 =	vmul.f32 $8.000000000e+00, v2;
	v2 =	vld [tilespmem:s16+$0xFFFFFF50]  }
0xc6: {  	[tilespmem:s16+$0xFFFFFEF0] =	vst v1;
	v1 =	vmul.f32 $8.000000000e+00, v5;
	v5 =	vld [tilespmem:s16+$0xFFFFFF60]  }
0xc7: {  	[tilespmem:s16+$0xFFFFFF00] =	vst v0;
	v0 =	vmul.f32 $8.000000000e+00, v6;
	v6 =	vld [tilespmem:s16+$0xFFFFFF70]  }
0xc8: {  	[tilespmem:s16+$0xFFFFFF10] =	vst v1;
	v1 =	vmul.f32 $8.000000000e+00, v3;
	v3 =	vld [tilespmem:s16+$0xFFFFFF80]  }
0xc9: {  	[tilespmem:s16+$0xFFFFFF20] =	vst v0;
	v0 =	vmul.f32 $8.000000000e+00, v4;
	v4 =	vld [tilespmem:s16+$0xFFFFFF90]  }
0xca: {  	[tilespmem:s16+$0xFFFFFF30] =	vst v1;
	v1 =	vmul.f32 $8.000000000e+00, v2;
	v7 =	vld [tilespmem:s16+$0xFFFFFFA0]  }
0xcb: {  	[tilespmem:s16+$0xFFFFFF40] =	vst v0;
	v2 =	vmul.f32 $8.000000000e+00, v5;
	v8 =	vld [tilespmem:s16+$0xFFFFFFB0]  }
.Ltmp3:
0xcc: {  	[tilespmem:s16+$0xFFFFFF50] =	vst v1;
	v5 =	vmul.f32 $8.000000000e+00, v6;
	v0 =	vld [tilespmem:s16+$0xFFFFFFC0];
	(pc) =	sbr.rel @p1 .LBB2_5-.Ltmp3, $4  }
0xcd: {  	[tilespmem:s16+$0xFFFFFF60] =	vst v2;
	v3 =	vmul.f32 $8.000000000e+00, v3;
	v1 =	vld [tilespmem:s16+$0xFFFFFFD0]  }
0xce: {  	[tilespmem:s16+$0xFFFFFF70] =	vst v5;
	v6 =	vmul.f32 $8.000000000e+00, v4;
	v2 =	vld [tilespmem:s16+$0xFFFFFFE0]  }
0xcf: {  	[tilespmem:s16+$0xFFFFFF80] =	vst v3;
	v5 =	vmul.f32 $8.000000000e+00, v7;
	v3 =	vld [tilespmem:s16+$0xFFFFFFF0]  }
0xd0: {  	s16 =	sadd.s32 $0x200, s16;
	v4 =	vld [tilespmem:s6+$0xFFFFFE10];
	[tilespmem:s6+$0xFFFFFF90] =	vst v6;
	v6 =	vmul.f32 $8.000000000e+00, v8  }
0xd1: {  	[tilespmem:s6+$0xFFFFFFA0] =	vst v5;
	v0 =	vmul.f32 $8.000000000e+00, v0  }
0xd2: {  	[tilespmem:s6+$0xFFFFFFB0] =	vst v6;
	v1 =	vmul.f32 $8.000000000e+00, v1  }
0xd3: {  	[tilespmem:s6+$0xFFFFFFC0] =	vst v0;
	v0 =	vmul.f32 $8.000000000e+00, v2  }
0xd4: {  	s15 =	sadd.s32 s12, s7;
	[tilespmem:s6+$0xFFFFFFD0] =	vst v1;
	v1 =	vmul.f32 $8.000000000e+00, v3  }
0xd5: {  	s15 =	sshll.u32 s15, $0xA;
	v2 =	vmul.f32 $8.000000000e+00, v4;
	[tilespmem:s6+$0xFFFFFFE0] =	vst v0  }
0xd6: {  	s15 =	sand.u32 $0x1FFFE400, s15;
	[tilespmem:s6+$0xFFFFFFF0] =	vst v1  }
0xd7: {  	s18 =	simm.s32 $0x8400;
	s16 =	sadd.s32 s2, s15;
	s15 =	simm.s32 @!p0 $0x10;
	[tilespmem:s6+$0xFFFFFE10] =	vst v2  }
0xd8: {  	[hbm4b:s16+s3] =	stream.linear.scatter [tilespmem:s18], [sflag:$0xA], $0x2000, $0x38;
	[tilespmem:$0x16400] =	vst v63  }
0xd9: {  	s6 =	sor.u32 $0x7, s12;
	_ =	swait.ge @!p0 [sflag:s15], $0x2000  }
0xda: {  	s16 =	sshll.u32 s6, $0x7;
	[sflag:s15] =	ssyncset.done @!p0 $0x0  }
0xdb: {  	s20 =	sand.u32 $0x3FFFFF80, s16;
	[sflag:s15] =	ssyncadd.s32 @!p0 $0xFFFFE000  }
0xdc: {  	[tilespmem:s29], [sflag:$0x8] =	stream.indirect.gather [hbm4b:s5+s14], $0x40, s20, s14, $0xb8;
	[tilespmem:$0x16400] =	vst v63  }
0xdd: {  	_ =	swait.ge [sflag:s30], $0x2000  }
0xde: {  	[sflag:s30] =	ssyncset.done $0x0  }
0xdf: {  	s15 =	simm.s32 $0xA400;
	[sflag:s30] =	ssyncadd.s32 $0xFFFFE000  }
0xe0: {  	v0 =	vld [tilespmem:s15+$0x1F0]  }
0xe1: {  	v1 =	vld [tilespmem:s15+$0x10]  }
0xe2: {  	v2 =	vld [tilespmem:s15+$0x20]  }
0xe3: {  	v3 =	vld [tilespmem:s15+$0x30]  }
0xe4: {  	v4 =	vld [tilespmem:s15+$0x40]  }
0xe5: {  	v5 =	vld [tilespmem:s15+$0x50];
	v0 =	vmul.f32 $8.000000000e+00, v0  }
0xe6: {  	v6 =	vld [tilespmem:s15+$0x60];
	v1 =	vmul.f32 $8.000000000e+00, v1  }
0xe7: {  	v7 =	vld [tilespmem:s15+$0x70];
	v2 =	vmul.f32 $8.000000000e+00, v2;
	[tilespmem:s15+$0x1F0] =	vst v0  }
0xe8: {  	[tilespmem:s15+$0x10] =	vst v1;
	v0 =	vmul.f32 $8.000000000e+00, v3;
	v1 =	vld [tilespmem:s15+$0x80]  }
0xe9: {  	[tilespmem:s15+$0x20] =	vst v2;
	v2 =	vmul.f32 $8.000000000e+00, v4;
	v3 =	vld [tilespmem:s15+$0x90]  }
0xea: {  	v4 =	vld [tilespmem:s15+$0xA0];
	[tilespmem:s15+$0x30] =	vst v0;
	v0 =	vmul.f32 $8.000000000e+00, v5  }
0xeb: {  	[tilespmem:s15+$0x40] =	vst v2;
	v2 =	vmul.f32 $8.000000000e+00, v6;
	v5 =	vld [tilespmem:s15+$0xB0]  }
0xec: {  	v6 =	vld [tilespmem:s15+$0xC0];
	[tilespmem:s15+$0x50] =	vst v0;
	v0 =	vmul.f32 $8.000000000e+00, v7  }
0xed: {  	[tilespmem:s15+$0x60] =	vst v2;
	v2 =	vld [tilespmem:s15+$0xD0];
	v1 =	vmul.f32 $8.000000000e+00, v1  }
0xee: {  	[tilespmem:s15+$0x70] =	vst v0;
	v0 =	vmul.f32 $8.000000000e+00, v3;
	v3 =	vld [tilespmem:s15+$0xE0]  }
0xef: {  	[tilespmem:s15+$0x80] =	vst v1;
	v1 =	vmul.f32 $8.000000000e+00, v4;
	v4 =	vld [tilespmem:s15+$0xF0]  }
0xf0: {  	[tilespmem:s15+$0x90] =	vst v0;
	v0 =	vmul.f32 $8.000000000e+00, v5;
	v5 =	vld [tilespmem:s15+$0x100]  }
0xf1: {  	[tilespmem:s15+$0xA0] =	vst v1;
	v1 =	vmul.f32 $8.000000000e+00, v6;
	v6 =	vld [tilespmem:s15+$0x110]  }
0xf2: {  	[tilespmem:s15+$0xB0] =	vst v0;
	v0 =	vmul.f32 $8.000000000e+00, v2;
	v2 =	vld [tilespmem:s15+$0x120]  }
0xf3: {  	[tilespmem:s15+$0xC0] =	vst v1;
	v1 =	vmul.f32 $8.000000000e+00, v3;
	v3 =	vld [tilespmem:s15+$0x130]  }
0xf4: {  	[tilespmem:s15+$0xD0] =	vst v0;
	v0 =	vmul.f32 $8.000000000e+00, v4;
	v4 =	vld [tilespmem:s15+$0x140]  }
0xf5: {  	[tilespmem:s15+$0xE0] =	vst v1;
	v1 =	vmul.f32 $8.000000000e+00, v5;
	v5 =	vld [tilespmem:s15+$0x150]  }
0xf6: {  	[tilespmem:s15+$0xF0] =	vst v0;
	v0 =	vmul.f32 $8.000000000e+00, v6;
	v6 =	vld [tilespmem:s15+$0x160]  }
0xf7: {  	[tilespmem:s15+$0x100] =	vst v1;
	v1 =	vmul.f32 $8.000000000e+00, v2;
	v2 =	vld [tilespmem:s15+$0x170]  }
0xf8: {  	[tilespmem:s15+$0x110] =	vst v0;
	v0 =	vmul.f32 $8.000000000e+00, v3;
	v3 =	vld [tilespmem:s15+$0x180]  }
0xf9: {  	[tilespmem:s15+$0x120] =	vst v1;
	v1 =	vmul.f32 $8.000000000e+00, v4;
	v4 =	vld [tilespmem:s15+$0x190]  }
0xfa: {  	v7 =	vld [tilespmem:s15+$0x1A0];
	[tilespmem:s15+$0x130] =	vst v0;
	v5 =	vmul.f32 $8.000000000e+00, v5  }
0xfb: {  	v0 =	vld [tilespmem:s15+$0x1B0];
	[tilespmem:s15+$0x140] =	vst v1;
	v6 =	vmul.f32 $8.000000000e+00, v6  }
0xfc: {  	v1 =	vld [tilespmem:s15+$0x1C0];
	[tilespmem:s15+$0x150] =	vst v5;
	v5 =	vmul.f32 $8.000000000e+00, v2  }
0xfd: {  	v2 =	vld [tilespmem:s15+$0x1D0];
	[tilespmem:s15+$0x160] =	vst v6;
	v6 =	vmul.f32 $8.000000000e+00, v3  }
0xfe: {  	v3 =	vld [tilespmem:s15+$0x1E0];
	[tilespmem:s15+$0x170] =	vst v5;
	v5 =	vmul.f32 $8.000000000e+00, v4  }
0xff: {  	s18 =	simm.s32 $0xA600;
	s16 =	simm.s32 $0x0;
	v4 =	vld [tilespmem:s15+$0x0];
	[tilespmem:s15+$0x180] =	vst v6;
	v6 =	vmul.f32 $8.000000000e+00, v7  }
.LBB2_7:
0x100: {  	v7 =	vld [tilespmem:s18+$0x1F0];
	s16 =	sadd.s32 $0x8, s16;
	[tilespmem:s15+$0x190] =	vst v5;
	v0 =	vmul.f32 $8.000000000e+00, v0  }
0x101: {  	v5 =	vld [tilespmem:s18+$0x10];
	p0 =	slt.u32 s16, $0x78;
	[tilespmem:s15+$0x1A0] =	vst v6;
	v1 =	vmul.f32 $8.000000000e+00, v1  }
0x102: {  	v6 =	vld [tilespmem:s18+$0x20];
	[tilespmem:s15+$0x1B0] =	vst v0;
	v0 =	vmul.f32 $8.000000000e+00, v2  }
0x103: {  	v2 =	vld [tilespmem:s18+$0x30];
	[tilespmem:s15+$0x1C0] =	vst v1;
	v1 =	vmul.f32 $8.000000000e+00, v3  }
0x104: {  	v3 =	vld [tilespmem:s18+$0x40];
	v4 =	vmul.f32 $8.000000000e+00, v4;
	[tilespmem:s15+$0x1D0] =	vst v0  }
0x105: {  	v0 =	vld [tilespmem:s18+$0x50];
	v7 =	vmul.f32 $8.000000000e+00, v7;
	[tilespmem:s15+$0x1E0] =	vst v1  }
0x106: {  	v1 =	vmul.f32 $8.000000000e+00, v5;
	v5 =	vld [tilespmem:s18+$0x60];
	[tilespmem:s15+$0x0] =	vst v4;
	s15 =	smov.u32 s18  }
0x107: {  	v4 =	vmul.f32 $8.000000000e+00, v6;
	v6 =	vld [tilespmem:s18+$0x70];
	[tilespmem:s18+$0x1F0] =	vst v7  }
0x108: {  	[tilespmem:s18+$0x10] =	vst v1;
	v1 =	vmul.f32 $8.000000000e+00, v2;
	v2 =	vld [tilespmem:s18+$0x80]  }
0x109: {  	[tilespmem:s18+$0x20] =	vst v4;
	v3 =	vmul.f32 $8.000000000e+00, v3;
	v4 =	vld [tilespmem:s18+$0x90]  }
0x10a: {  	[tilespmem:s18+$0x30] =	vst v1;
	v0 =	vmul.f32 $8.000000000e+00, v0;
	v1 =	vld [tilespmem:s18+$0xA0]  }
0x10b: {  	[tilespmem:s18+$0x40] =	vst v3;
	v3 =	vmul.f32 $8.000000000e+00, v5;
	v5 =	vld [tilespmem:s18+$0xB0]  }
0x10c: {  	[tilespmem:s18+$0x50] =	vst v0;
	v0 =	vmul.f32 $8.000000000e+00, v6;
	v6 =	vld [tilespmem:s18+$0xC0]  }
0x10d: {  	[tilespmem:s18+$0x60] =	vst v3;
	v2 =	vmul.f32 $8.000000000e+00, v2;
	v3 =	vld [tilespmem:s18+$0xD0]  }
0x10e: {  	[tilespmem:s18+$0x70] =	vst v0;
	v0 =	vmul.f32 $8.000000000e+00, v4;
	v4 =	vld [tilespmem:s18+$0xE0]  }
0x10f: {  	[tilespmem:s18+$0x80] =	vst v2;
	v1 =	vmul.f32 $8.000000000e+00, v1;
	v2 =	vld [tilespmem:s18+$0xF0]  }
0x110: {  	[tilespmem:s18+$0x90] =	vst v0;
	v0 =	vmul.f32 $8.000000000e+00, v5;
	v5 =	vld [tilespmem:s18+$0x100]  }
0x111: {  	[tilespmem:s18+$0xA0] =	vst v1;
	v1 =	vmul.f32 $8.000000000e+00, v6;
	v6 =	vld [tilespmem:s18+$0x110]  }
0x112: {  	[tilespmem:s18+$0xB0] =	vst v0;
	v0 =	vmul.f32 $8.000000000e+00, v3;
	v3 =	vld [tilespmem:s18+$0x120]  }
0x113: {  	[tilespmem:s18+$0xC0] =	vst v1;
	v1 =	vmul.f32 $8.000000000e+00, v4;
	v4 =	vld [tilespmem:s18+$0x130]  }
0x114: {  	[tilespmem:s18+$0xD0] =	vst v0;
	v0 =	vmul.f32 $8.000000000e+00, v2;
	v2 =	vld [tilespmem:s18+$0x140]  }
0x115: {  	[tilespmem:s18+$0xE0] =	vst v1;
	v1 =	vmul.f32 $8.000000000e+00, v5;
	v5 =	vld [tilespmem:s18+$0x150]  }
0x116: {  	[tilespmem:s18+$0xF0] =	vst v0;
	v0 =	vmul.f32 $8.000000000e+00, v6;
	v6 =	vld [tilespmem:s18+$0x160]  }
0x117: {  	[tilespmem:s18+$0x100] =	vst v1;
	v1 =	vmul.f32 $8.000000000e+00, v3;
	v3 =	vld [tilespmem:s18+$0x170]  }
0x118: {  	[tilespmem:s18+$0x110] =	vst v0;
	v0 =	vmul.f32 $8.000000000e+00, v4;
	v4 =	vld [tilespmem:s18+$0x180]  }
0x119: {  	[tilespmem:s18+$0x120] =	vst v1;
	v1 =	vmul.f32 $8.000000000e+00, v2;
	v7 =	vld [tilespmem:s18+$0x190]  }
0x11a: {  	[tilespmem:s18+$0x130] =	vst v0;
	v2 =	vmul.f32 $8.000000000e+00, v5;
	v8 =	vld [tilespmem:s18+$0x1A0]  }
.Ltmp4:
0x11b: {  	[tilespmem:s18+$0x140] =	vst v1;
	v5 =	vmul.f32 $8.000000000e+00, v6;
	v0 =	vld [tilespmem:s18+$0x1B0];
	(pc) =	sbr.rel @p0 .LBB2_7-.Ltmp4, $4  }
0x11c: {  	[tilespmem:s18+$0x150] =	vst v2;
	v3 =	vmul.f32 $8.000000000e+00, v3;
	v1 =	vld [tilespmem:s18+$0x1C0]  }
0x11d: {  	[tilespmem:s18+$0x160] =	vst v5;
	v6 =	vmul.f32 $8.000000000e+00, v4;
	v2 =	vld [tilespmem:s18+$0x1D0]  }
0x11e: {  	[tilespmem:s18+$0x170] =	vst v3;
	v5 =	vmul.f32 $8.000000000e+00, v7;
	v3 =	vld [tilespmem:s18+$0x1E0]  }
0x11f: {  	s18 =	sadd.s32 $0x200, s18;
	v4 =	vld [tilespmem:s15+$0x0];
	[tilespmem:s15+$0x180] =	vst v6;
	v6 =	vmul.f32 $8.000000000e+00, v8  }
0x120: {  	[tilespmem:s15+$0x190] =	vst v5;
	v0 =	vmul.f32 $8.000000000e+00, v0  }
0x121: {  	[tilespmem:s15+$0x1A0] =	vst v6;
	v1 =	vmul.f32 $8.000000000e+00, v1  }
0x122: {  	[tilespmem:s15+$0x1B0] =	vst v0;
	v0 =	vmul.f32 $8.000000000e+00, v2  }
0x123: {  	s16 =	sadd.s32 s12, s8;
	[tilespmem:s15+$0x1C0] =	vst v1;
	v1 =	vmul.f32 $8.000000000e+00, v3  }
0x124: {  	s16 =	sshll.u32 s16, $0xA;
	v2 =	vmul.f32 $8.000000000e+00, v4;
	[tilespmem:s15+$0x1D0] =	vst v0  }
0x125: {  	p0 =	seq.s32 s13, $0x18;
	s16 =	sand.u32 $0x1FFFE800, s16;
	[tilespmem:s15+$0x1E0] =	vst v1  }
0x126: {  	s20 =	simm.s32 $0xA400;
	s18 =	sadd.s32 s2, s16;
	[tilespmem:s15+$0x0] =	vst v2;
	s15 =	simm.s32 @!p0 $0x9  }
0x127: {  	[hbm4b:s18+s3] =	stream.linear.scatter [tilespmem:s20], [sflag:$0xB], $0x2000, $0x38;
	[tilespmem:$0x16400] =	vst v63  }
0x128: {  	_ =	swait.ge @!p0 [sflag:s15], $0x2000  }
0x129: {  	s16 =	sshll.u32 @!p0 s13, $0xA;
	[sflag:s15] =	ssyncset.done @!p0 $0x0  }
0x12a: {  	[sflag:s15] =	ssyncadd.s32 @!p0 $0xFFFFE000;
	s15 =	sand.u32 @!p0 $0x3FFFFC00, s16  }
0x12b: {  	s18 =	simm.s32 @!p0 $0x80;
	s20 =	simm.s32 @!p0 $0x6400;
	s16 =	sadd.s32 @!p0 $0x400, s15  }
0x12c: {  	[tilespmem:s20], [sflag:$0x1] =	stream.indirect.gather @!p0 [hbm4b:s5+s18], $0x40, s16, s18, $0xb8;
	[tilespmem:$0x16400] =	vst v63  }
0x12d: {  	_ =	swait.ge [sflag:s31], $0x2000  }
0x12e: {  	[sflag:s31] =	ssyncset.done $0x0  }
0x12f: {  	s16 =	simm.s32 $0xC400;
	[sflag:s31] =	ssyncadd.s32 $0xFFFFE000  }
0x130: {  	v0 =	vld [tilespmem:s16+$0x1F0]  }
0x131: {  	v1 =	vld [tilespmem:s16+$0x10]  }
0x132: {  	v2 =	vld [tilespmem:s16+$0x20]  }
0x133: {  	v3 =	vld [tilespmem:s16+$0x30]  }
0x134: {  	v4 =	vld [tilespmem:s16+$0x40]  }
0x135: {  	v5 =	vld [tilespmem:s16+$0x50];
	v0 =	vmul.f32 $8.000000000e+00, v0  }
0x136: {  	v6 =	vld [tilespmem:s16+$0x60];
	v1 =	vmul.f32 $8.000000000e+00, v1  }
0x137: {  	v7 =	vld [tilespmem:s16+$0x70];
	v2 =	vmul.f32 $8.000000000e+00, v2;
	[tilespmem:s16+$0x1F0] =	vst v0  }
0x138: {  	[tilespmem:s16+$0x10] =	vst v1;
	v0 =	vmul.f32 $8.000000000e+00, v3;
	v1 =	vld [tilespmem:s16+$0x80]  }
0x139: {  	[tilespmem:s16+$0x20] =	vst v2;
	v2 =	vmul.f32 $8.000000000e+00, v4;
	v3 =	vld [tilespmem:s16+$0x90]  }
0x13a: {  	v4 =	vld [tilespmem:s16+$0xA0];
	[tilespmem:s16+$0x30] =	vst v0;
	v0 =	vmul.f32 $8.000000000e+00, v5  }
0x13b: {  	[tilespmem:s16+$0x40] =	vst v2;
	v2 =	vmul.f32 $8.000000000e+00, v6;
	v5 =	vld [tilespmem:s16+$0xB0]  }
0x13c: {  	v6 =	vld [tilespmem:s16+$0xC0];
	[tilespmem:s16+$0x50] =	vst v0;
	v0 =	vmul.f32 $8.000000000e+00, v7  }
0x13d: {  	[tilespmem:s16+$0x60] =	vst v2;
	v2 =	vld [tilespmem:s16+$0xD0];
	v1 =	vmul.f32 $8.000000000e+00, v1  }
0x13e: {  	[tilespmem:s16+$0x70] =	vst v0;
	v0 =	vmul.f32 $8.000000000e+00, v3;
	v3 =	vld [tilespmem:s16+$0xE0]  }
0x13f: {  	[tilespmem:s16+$0x80] =	vst v1;
	v1 =	vmul.f32 $8.000000000e+00, v4;
	v4 =	vld [tilespmem:s16+$0xF0]  }
0x140: {  	[tilespmem:s16+$0x90] =	vst v0;
	v0 =	vmul.f32 $8.000000000e+00, v5;
	v5 =	vld [tilespmem:s16+$0x100]  }
0x141: {  	[tilespmem:s16+$0xA0] =	vst v1;
	v1 =	vmul.f32 $8.000000000e+00, v6;
	v6 =	vld [tilespmem:s16+$0x110]  }
0x142: {  	[tilespmem:s16+$0xB0] =	vst v0;
	v0 =	vmul.f32 $8.000000000e+00, v2;
	v2 =	vld [tilespmem:s16+$0x120]  }
0x143: {  	[tilespmem:s16+$0xC0] =	vst v1;
	v1 =	vmul.f32 $8.000000000e+00, v3;
	v3 =	vld [tilespmem:s16+$0x130]  }
0x144: {  	[tilespmem:s16+$0xD0] =	vst v0;
	v0 =	vmul.f32 $8.000000000e+00, v4;
	v4 =	vld [tilespmem:s16+$0x140]  }
0x145: {  	[tilespmem:s16+$0xE0] =	vst v1;
	v1 =	vmul.f32 $8.000000000e+00, v5;
	v5 =	vld [tilespmem:s16+$0x150]  }
0x146: {  	[tilespmem:s16+$0xF0] =	vst v0;
	v0 =	vmul.f32 $8.000000000e+00, v6;
	v6 =	vld [tilespmem:s16+$0x160]  }
0x147: {  	[tilespmem:s16+$0x100] =	vst v1;
	v1 =	vmul.f32 $8.000000000e+00, v2;
	v2 =	vld [tilespmem:s16+$0x170]  }
0x148: {  	[tilespmem:s16+$0x110] =	vst v0;
	v0 =	vmul.f32 $8.000000000e+00, v3;
	v3 =	vld [tilespmem:s16+$0x180]  }
0x149: {  	[tilespmem:s16+$0x120] =	vst v1;
	v1 =	vmul.f32 $8.000000000e+00, v4;
	v4 =	vld [tilespmem:s16+$0x190]  }
0x14a: {  	v7 =	vld [tilespmem:s16+$0x1A0];
	[tilespmem:s16+$0x130] =	vst v0;
	v5 =	vmul.f32 $8.000000000e+00, v5  }
0x14b: {  	v0 =	vld [tilespmem:s16+$0x1B0];
	[tilespmem:s16+$0x140] =	vst v1;
	v6 =	vmul.f32 $8.000000000e+00, v6  }
0x14c: {  	v1 =	vld [tilespmem:s16+$0x1C0];
	[tilespmem:s16+$0x150] =	vst v5;
	v5 =	vmul.f32 $8.000000000e+00, v2  }
0x14d: {  	v2 =	vld [tilespmem:s16+$0x1D0];
	[tilespmem:s16+$0x160] =	vst v6;
	v6 =	vmul.f32 $8.000000000e+00, v3  }
0x14e: {  	v3 =	vld [tilespmem:s16+$0x1E0];
	[tilespmem:s16+$0x170] =	vst v5;
	v5 =	vmul.f32 $8.000000000e+00, v4  }
0x14f: {  	s18 =	simm.s32 $0x0;
	s20 =	simm.s32 $0xC600;
	v4 =	vld [tilespmem:s16+$0x0];
	[tilespmem:s16+$0x180] =	vst v6;
	v6 =	vmul.f32 $8.000000000e+00, v7  }
.LBB2_9:
0x150: {  	v7 =	vld [tilespmem:s20+$0x1F0];
	s18 =	sadd.s32 $0x8, s18;
	[tilespmem:s16+$0x190] =	vst v5;
	v0 =	vmul.f32 $8.000000000e+00, v0  }
0x151: {  	v5 =	vld [tilespmem:s20+$0x10];
	p1 =	slt.u32 s18, $0x78;
	[tilespmem:s16+$0x1A0] =	vst v6;
	v1 =	vmul.f32 $8.000000000e+00, v1  }
0x152: {  	v6 =	vld [tilespmem:s20+$0x20];
	[tilespmem:s16+$0x1B0] =	vst v0;
	v0 =	vmul.f32 $8.000000000e+00, v2  }
0x153: {  	v2 =	vld [tilespmem:s20+$0x30];
	[tilespmem:s16+$0x1C0] =	vst v1;
	v1 =	vmul.f32 $8.000000000e+00, v3  }
0x154: {  	v3 =	vld [tilespmem:s20+$0x40];
	v4 =	vmul.f32 $8.000000000e+00, v4;
	[tilespmem:s16+$0x1D0] =	vst v0  }
0x155: {  	v0 =	vld [tilespmem:s20+$0x50];
	v7 =	vmul.f32 $8.000000000e+00, v7;
	[tilespmem:s16+$0x1E0] =	vst v1  }
0x156: {  	v1 =	vmul.f32 $8.000000000e+00, v5;
	v5 =	vld [tilespmem:s20+$0x60];
	[tilespmem:s16+$0x0] =	vst v4;
	s16 =	smov.u32 s20  }
0x157: {  	v4 =	vmul.f32 $8.000000000e+00, v6;
	v6 =	vld [tilespmem:s20+$0x70];
	[tilespmem:s20+$0x1F0] =	vst v7  }
0x158: {  	[tilespmem:s20+$0x10] =	vst v1;
	v1 =	vmul.f32 $8.000000000e+00, v2;
	v2 =	vld [tilespmem:s20+$0x80]  }
0x159: {  	[tilespmem:s20+$0x20] =	vst v4;
	v3 =	vmul.f32 $8.000000000e+00, v3;
	v4 =	vld [tilespmem:s20+$0x90]  }
0x15a: {  	[tilespmem:s20+$0x30] =	vst v1;
	v0 =	vmul.f32 $8.000000000e+00, v0;
	v1 =	vld [tilespmem:s20+$0xA0]  }
0x15b: {  	[tilespmem:s20+$0x40] =	vst v3;
	v3 =	vmul.f32 $8.000000000e+00, v5;
	v5 =	vld [tilespmem:s20+$0xB0]  }
0x15c: {  	[tilespmem:s20+$0x50] =	vst v0;
	v0 =	vmul.f32 $8.000000000e+00, v6;
	v6 =	vld [tilespmem:s20+$0xC0]  }
0x15d: {  	[tilespmem:s20+$0x60] =	vst v3;
	v2 =	vmul.f32 $8.000000000e+00, v2;
	v3 =	vld [tilespmem:s20+$0xD0]  }
0x15e: {  	[tilespmem:s20+$0x70] =	vst v0;
	v0 =	vmul.f32 $8.000000000e+00, v4;
	v4 =	vld [tilespmem:s20+$0xE0]  }
0x15f: {  	[tilespmem:s20+$0x80] =	vst v2;
	v1 =	vmul.f32 $8.000000000e+00, v1;
	v2 =	vld [tilespmem:s20+$0xF0]  }
0x160: {  	[tilespmem:s20+$0x90] =	vst v0;
	v0 =	vmul.f32 $8.000000000e+00, v5;
	v5 =	vld [tilespmem:s20+$0x100]  }
0x161: {  	[tilespmem:s20+$0xA0] =	vst v1;
	v1 =	vmul.f32 $8.000000000e+00, v6;
	v6 =	vld [tilespmem:s20+$0x110]  }
0x162: {  	[tilespmem:s20+$0xB0] =	vst v0;
	v0 =	vmul.f32 $8.000000000e+00, v3;
	v3 =	vld [tilespmem:s20+$0x120]  }
0x163: {  	[tilespmem:s20+$0xC0] =	vst v1;
	v1 =	vmul.f32 $8.000000000e+00, v4;
	v4 =	vld [tilespmem:s20+$0x130]  }
0x164: {  	[tilespmem:s20+$0xD0] =	vst v0;
	v0 =	vmul.f32 $8.000000000e+00, v2;
	v2 =	vld [tilespmem:s20+$0x140]  }
0x165: {  	[tilespmem:s20+$0xE0] =	vst v1;
	v1 =	vmul.f32 $8.000000000e+00, v5;
	v5 =	vld [tilespmem:s20+$0x150]  }
0x166: {  	[tilespmem:s20+$0xF0] =	vst v0;
	v0 =	vmul.f32 $8.000000000e+00, v6;
	v6 =	vld [tilespmem:s20+$0x160]  }
0x167: {  	[tilespmem:s20+$0x100] =	vst v1;
	v1 =	vmul.f32 $8.000000000e+00, v3;
	v3 =	vld [tilespmem:s20+$0x170]  }
0x168: {  	[tilespmem:s20+$0x110] =	vst v0;
	v0 =	vmul.f32 $8.000000000e+00, v4;
	v4 =	vld [tilespmem:s20+$0x180]  }
0x169: {  	[tilespmem:s20+$0x120] =	vst v1;
	v1 =	vmul.f32 $8.000000000e+00, v2;
	v7 =	vld [tilespmem:s20+$0x190]  }
0x16a: {  	[tilespmem:s20+$0x130] =	vst v0;
	v2 =	vmul.f32 $8.000000000e+00, v5;
	v8 =	vld [tilespmem:s20+$0x1A0]  }
.Ltmp5:
0x16b: {  	[tilespmem:s20+$0x140] =	vst v1;
	v5 =	vmul.f32 $8.000000000e+00, v6;
	v0 =	vld [tilespmem:s20+$0x1B0];
	(pc) =	sbr.rel @p1 .LBB2_9-.Ltmp5, $4  }
0x16c: {  	[tilespmem:s20+$0x150] =	vst v2;
	v3 =	vmul.f32 $8.000000000e+00, v3;
	v1 =	vld [tilespmem:s20+$0x1C0]  }
0x16d: {  	[tilespmem:s20+$0x160] =	vst v5;
	v6 =	vmul.f32 $8.000000000e+00, v4;
	v2 =	vld [tilespmem:s20+$0x1D0]  }
0x16e: {  	[tilespmem:s20+$0x170] =	vst v3;
	v5 =	vmul.f32 $8.000000000e+00, v7;
	v3 =	vld [tilespmem:s20+$0x1E0]  }
0x16f: {  	s20 =	sadd.s32 $0x200, s20;
	v4 =	vld [tilespmem:s16+$0x0];
	[tilespmem:s16+$0x180] =	vst v6;
	v6 =	vmul.f32 $8.000000000e+00, v8  }
0x170: {  	[tilespmem:s16+$0x190] =	vst v5;
	v0 =	vmul.f32 $8.000000000e+00, v0  }
0x171: {  	[tilespmem:s16+$0x1A0] =	vst v6;
	v1 =	vmul.f32 $8.000000000e+00, v1  }
0x172: {  	[tilespmem:s16+$0x1B0] =	vst v0;
	v0 =	vmul.f32 $8.000000000e+00, v2  }
0x173: {  	s18 =	sadd.s32 s12, s9;
	[tilespmem:s16+$0x1C0] =	vst v1;
	v1 =	vmul.f32 $8.000000000e+00, v3  }
0x174: {  	s18 =	sshll.u32 s18, $0xA;
	v2 =	vmul.f32 $8.000000000e+00, v4;
	[tilespmem:s16+$0x1D0] =	vst v0  }
0x175: {  	s18 =	sand.u32 $0x1FFFEC00, s18;
	[tilespmem:s16+$0x1E0] =	vst v1  }
0x176: {  	s20 =	simm.s32 $0xC400;
	s18 =	sadd.s32 s2, s18;
	[tilespmem:s16+$0x0] =	vst v2;
	s16 =	simm.s32 @!p0 $0xA  }
0x177: {  	[hbm4b:s18+s3] =	stream.linear.scatter [tilespmem:s20], [sflag:$0xC], $0x2000, $0x38;
	[tilespmem:$0x16400] =	vst v63  }
0x178: {  	_ =	swait.ge @!p0 [sflag:s16], $0x2000  }
0x179: {  	s18 =	simm.s32 @!p0 $0x80;
	[sflag:s16] =	ssyncset.done @!p0 $0x0  }
0x17a: {  	s20 =	simm.s32 @!p0 $0x8400;
	[sflag:s16] =	ssyncadd.s32 @!p0 $0xFFFFE000;
	s16 =	sadd.s32 @!p0 $0x480, s15  }
0x17b: {  	[tilespmem:s20], [sflag:$0x2] =	stream.indirect.gather @!p0 [hbm4b:s5+s18], $0x40, s16, s18, $0xb8;
	[tilespmem:$0x16400] =	vst v63  }
0x17c: {  	_ =	swait.ge [sflag:s1], $0x2000  }
0x17d: {  	[sflag:s1] =	ssyncset.done $0x0  }
0x17e: {  	s16 =	simm.s32 $0xE400;
	[sflag:s1] =	ssyncadd.s32 $0xFFFFE000  }
0x17f: {  	v0 =	vld [tilespmem:s16+$0x1F0]  }
0x180: {  	v1 =	vld [tilespmem:s16+$0x10]  }
0x181: {  	v2 =	vld [tilespmem:s16+$0x20]  }
0x182: {  	v3 =	vld [tilespmem:s16+$0x30]  }
0x183: {  	v4 =	vld [tilespmem:s16+$0x40]  }
0x184: {  	v5 =	vld [tilespmem:s16+$0x50];
	v0 =	vmul.f32 $8.000000000e+00, v0  }
0x185: {  	v6 =	vld [tilespmem:s16+$0x60];
	v1 =	vmul.f32 $8.000000000e+00, v1  }
0x186: {  	v7 =	vld [tilespmem:s16+$0x70];
	v2 =	vmul.f32 $8.000000000e+00, v2;
	[tilespmem:s16+$0x1F0] =	vst v0  }
0x187: {  	[tilespmem:s16+$0x10] =	vst v1;
	v0 =	vmul.f32 $8.000000000e+00, v3;
	v1 =	vld [tilespmem:s16+$0x80]  }
0x188: {  	[tilespmem:s16+$0x20] =	vst v2;
	v2 =	vmul.f32 $8.000000000e+00, v4;
	v3 =	vld [tilespmem:s16+$0x90]  }
0x189: {  	v4 =	vld [tilespmem:s16+$0xA0];
	[tilespmem:s16+$0x30] =	vst v0;
	v0 =	vmul.f32 $8.000000000e+00, v5  }
0x18a: {  	[tilespmem:s16+$0x40] =	vst v2;
	v2 =	vmul.f32 $8.000000000e+00, v6;
	v5 =	vld [tilespmem:s16+$0xB0]  }
0x18b: {  	v6 =	vld [tilespmem:s16+$0xC0];
	[tilespmem:s16+$0x50] =	vst v0;
	v0 =	vmul.f32 $8.000000000e+00, v7  }
0x18c: {  	[tilespmem:s16+$0x60] =	vst v2;
	v2 =	vld [tilespmem:s16+$0xD0];
	v1 =	vmul.f32 $8.000000000e+00, v1  }
0x18d: {  	[tilespmem:s16+$0x70] =	vst v0;
	v0 =	vmul.f32 $8.000000000e+00, v3;
	v3 =	vld [tilespmem:s16+$0xE0]  }
0x18e: {  	[tilespmem:s16+$0x80] =	vst v1;
	v1 =	vmul.f32 $8.000000000e+00, v4;
	v4 =	vld [tilespmem:s16+$0xF0]  }
0x18f: {  	[tilespmem:s16+$0x90] =	vst v0;
	v0 =	vmul.f32 $8.000000000e+00, v5;
	v5 =	vld [tilespmem:s16+$0x100]  }
0x190: {  	[tilespmem:s16+$0xA0] =	vst v1;
	v1 =	vmul.f32 $8.000000000e+00, v6;
	v6 =	vld [tilespmem:s16+$0x110]  }
0x191: {  	[tilespmem:s16+$0xB0] =	vst v0;
	v0 =	vmul.f32 $8.000000000e+00, v2;
	v2 =	vld [tilespmem:s16+$0x120]  }
0x192: {  	[tilespmem:s16+$0xC0] =	vst v1;
	v1 =	vmul.f32 $8.000000000e+00, v3;
	v3 =	vld [tilespmem:s16+$0x130]  }
0x193: {  	[tilespmem:s16+$0xD0] =	vst v0;
	v0 =	vmul.f32 $8.000000000e+00, v4;
	v4 =	vld [tilespmem:s16+$0x140]  }
0x194: {  	[tilespmem:s16+$0xE0] =	vst v1;
	v1 =	vmul.f32 $8.000000000e+00, v5;
	v5 =	vld [tilespmem:s16+$0x150]  }
0x195: {  	[tilespmem:s16+$0xF0] =	vst v0;
	v0 =	vmul.f32 $8.000000000e+00, v6;
	v6 =	vld [tilespmem:s16+$0x160]  }
0x196: {  	[tilespmem:s16+$0x100] =	vst v1;
	v1 =	vmul.f32 $8.000000000e+00, v2;
	v2 =	vld [tilespmem:s16+$0x170]  }
0x197: {  	[tilespmem:s16+$0x110] =	vst v0;
	v0 =	vmul.f32 $8.000000000e+00, v3;
	v3 =	vld [tilespmem:s16+$0x180]  }
0x198: {  	[tilespmem:s16+$0x120] =	vst v1;
	v1 =	vmul.f32 $8.000000000e+00, v4;
	v4 =	vld [tilespmem:s16+$0x190]  }
0x199: {  	v7 =	vld [tilespmem:s16+$0x1A0];
	[tilespmem:s16+$0x130] =	vst v0;
	v5 =	vmul.f32 $8.000000000e+00, v5  }
0x19a: {  	v0 =	vld [tilespmem:s16+$0x1B0];
	[tilespmem:s16+$0x140] =	vst v1;
	v6 =	vmul.f32 $8.000000000e+00, v6  }
0x19b: {  	v1 =	vld [tilespmem:s16+$0x1C0];
	[tilespmem:s16+$0x150] =	vst v5;
	v5 =	vmul.f32 $8.000000000e+00, v2  }
0x19c: {  	v2 =	vld [tilespmem:s16+$0x1D0];
	[tilespmem:s16+$0x160] =	vst v6;
	v6 =	vmul.f32 $8.000000000e+00, v3  }
0x19d: {  	v3 =	vld [tilespmem:s16+$0x1E0];
	[tilespmem:s16+$0x170] =	vst v5;
	v5 =	vmul.f32 $8.000000000e+00, v4  }
0x19e: {  	s18 =	simm.s32 $0x0;
	s20 =	simm.s32 $0xE600;
	v4 =	vld [tilespmem:s16+$0x0];
	[tilespmem:s16+$0x180] =	vst v6;
	v6 =	vmul.f32 $8.000000000e+00, v7  }
.LBB2_11:
0x19f: {  	v7 =	vld [tilespmem:s20+$0x1F0];
	s18 =	sadd.s32 $0x8, s18;
	[tilespmem:s16+$0x190] =	vst v5;
	v0 =	vmul.f32 $8.000000000e+00, v0  }
0x1a0: {  	v5 =	vld [tilespmem:s20+$0x10];
	p1 =	slt.u32 s18, $0x78;
	[tilespmem:s16+$0x1A0] =	vst v6;
	v1 =	vmul.f32 $8.000000000e+00, v1  }
0x1a1: {  	v6 =	vld [tilespmem:s20+$0x20];
	[tilespmem:s16+$0x1B0] =	vst v0;
	v0 =	vmul.f32 $8.000000000e+00, v2  }
0x1a2: {  	v2 =	vld [tilespmem:s20+$0x30];
	[tilespmem:s16+$0x1C0] =	vst v1;
	v1 =	vmul.f32 $8.000000000e+00, v3  }
0x1a3: {  	v3 =	vld [tilespmem:s20+$0x40];
	v4 =	vmul.f32 $8.000000000e+00, v4;
	[tilespmem:s16+$0x1D0] =	vst v0  }
0x1a4: {  	v0 =	vld [tilespmem:s20+$0x50];
	v7 =	vmul.f32 $8.000000000e+00, v7;
	[tilespmem:s16+$0x1E0] =	vst v1  }
0x1a5: {  	v1 =	vmul.f32 $8.000000000e+00, v5;
	v5 =	vld [tilespmem:s20+$0x60];
	[tilespmem:s16+$0x0] =	vst v4;
	s16 =	smov.u32 s20  }
0x1a6: {  	v4 =	vmul.f32 $8.000000000e+00, v6;
	v6 =	vld [tilespmem:s20+$0x70];
	[tilespmem:s20+$0x1F0] =	vst v7  }
0x1a7: {  	[tilespmem:s20+$0x10] =	vst v1;
	v1 =	vmul.f32 $8.000000000e+00, v2;
	v2 =	vld [tilespmem:s20+$0x80]  }
0x1a8: {  	[tilespmem:s20+$0x20] =	vst v4;
	v3 =	vmul.f32 $8.000000000e+00, v3;
	v4 =	vld [tilespmem:s20+$0x90]  }
0x1a9: {  	[tilespmem:s20+$0x30] =	vst v1;
	v0 =	vmul.f32 $8.000000000e+00, v0;
	v1 =	vld [tilespmem:s20+$0xA0]  }
0x1aa: {  	[tilespmem:s20+$0x40] =	vst v3;
	v3 =	vmul.f32 $8.000000000e+00, v5;
	v5 =	vld [tilespmem:s20+$0xB0]  }
0x1ab: {  	[tilespmem:s20+$0x50] =	vst v0;
	v0 =	vmul.f32 $8.000000000e+00, v6;
	v6 =	vld [tilespmem:s20+$0xC0]  }
0x1ac: {  	[tilespmem:s20+$0x60] =	vst v3;
	v2 =	vmul.f32 $8.000000000e+00, v2;
	v3 =	vld [tilespmem:s20+$0xD0]  }
0x1ad: {  	[tilespmem:s20+$0x70] =	vst v0;
	v0 =	vmul.f32 $8.000000000e+00, v4;
	v4 =	vld [tilespmem:s20+$0xE0]  }
0x1ae: {  	[tilespmem:s20+$0x80] =	vst v2;
	v1 =	vmul.f32 $8.000000000e+00, v1;
	v2 =	vld [tilespmem:s20+$0xF0]  }
0x1af: {  	[tilespmem:s20+$0x90] =	vst v0;
	v0 =	vmul.f32 $8.000000000e+00, v5;
	v5 =	vld [tilespmem:s20+$0x100]  }
0x1b0: {  	[tilespmem:s20+$0xA0] =	vst v1;
	v1 =	vmul.f32 $8.000000000e+00, v6;
	v6 =	vld [tilespmem:s20+$0x110]  }
0x1b1: {  	[tilespmem:s20+$0xB0] =	vst v0;
	v0 =	vmul.f32 $8.000000000e+00, v3;
	v3 =	vld [tilespmem:s20+$0x120]  }
0x1b2: {  	[tilespmem:s20+$0xC0] =	vst v1;
	v1 =	vmul.f32 $8.000000000e+00, v4;
	v4 =	vld [tilespmem:s20+$0x130]  }
0x1b3: {  	[tilespmem:s20+$0xD0] =	vst v0;
	v0 =	vmul.f32 $8.000000000e+00, v2;
	v2 =	vld [tilespmem:s20+$0x140]  }
0x1b4: {  	[tilespmem:s20+$0xE0] =	vst v1;
	v1 =	vmul.f32 $8.000000000e+00, v5;
	v5 =	vld [tilespmem:s20+$0x150]  }
0x1b5: {  	[tilespmem:s20+$0xF0] =	vst v0;
	v0 =	vmul.f32 $8.000000000e+00, v6;
	v6 =	vld [tilespmem:s20+$0x160]  }
0x1b6: {  	[tilespmem:s20+$0x100] =	vst v1;
	v1 =	vmul.f32 $8.000000000e+00, v3;
	v3 =	vld [tilespmem:s20+$0x170]  }
0x1b7: {  	[tilespmem:s20+$0x110] =	vst v0;
	v0 =	vmul.f32 $8.000000000e+00, v4;
	v4 =	vld [tilespmem:s20+$0x180]  }
0x1b8: {  	[tilespmem:s20+$0x120] =	vst v1;
	v1 =	vmul.f32 $8.000000000e+00, v2;
	v7 =	vld [tilespmem:s20+$0x190]  }
0x1b9: {  	[tilespmem:s20+$0x130] =	vst v0;
	v2 =	vmul.f32 $8.000000000e+00, v5;
	v8 =	vld [tilespmem:s20+$0x1A0]  }
.Ltmp6:
0x1ba: {  	[tilespmem:s20+$0x140] =	vst v1;
	v5 =	vmul.f32 $8.000000000e+00, v6;
	v0 =	vld [tilespmem:s20+$0x1B0];
	(pc) =	sbr.rel @p1 .LBB2_11-.Ltmp6, $4  }
0x1bb: {  	[tilespmem:s20+$0x150] =	vst v2;
	v3 =	vmul.f32 $8.000000000e+00, v3;
	v1 =	vld [tilespmem:s20+$0x1C0]  }
0x1bc: {  	[tilespmem:s20+$0x160] =	vst v5;
	v6 =	vmul.f32 $8.000000000e+00, v4;
	v2 =	vld [tilespmem:s20+$0x1D0]  }
0x1bd: {  	[tilespmem:s20+$0x170] =	vst v3;
	v5 =	vmul.f32 $8.000000000e+00, v7;
	v3 =	vld [tilespmem:s20+$0x1E0]  }
0x1be: {  	s20 =	sadd.s32 $0x200, s20;
	v4 =	vld [tilespmem:s16+$0x0];
	[tilespmem:s16+$0x180] =	vst v6;
	v6 =	vmul.f32 $8.000000000e+00, v8  }
0x1bf: {  	[tilespmem:s16+$0x190] =	vst v5;
	v0 =	vmul.f32 $8.000000000e+00, v0  }
0x1c0: {  	[tilespmem:s16+$0x1A0] =	vst v6;
	v1 =	vmul.f32 $8.000000000e+00, v1  }
0x1c1: {  	[tilespmem:s16+$0x1B0] =	vst v0;
	v0 =	vmul.f32 $8.000000000e+00, v2  }
0x1c2: {  	s18 =	sadd.s32 s12, s10;
	[tilespmem:s16+$0x1C0] =	vst v1;
	v1 =	vmul.f32 $8.000000000e+00, v3  }
0x1c3: {  	s18 =	sshll.u32 s18, $0xA;
	v2 =	vmul.f32 $8.000000000e+00, v4;
	[tilespmem:s16+$0x1D0] =	vst v0  }
0x1c4: {  	s18 =	sand.u32 $0x1FFFF000, s18;
	[tilespmem:s16+$0x1E0] =	vst v1  }
0x1c5: {  	s20 =	sadd.s32 s2, s18;
	[tilespmem:s16+$0x0] =	vst v2;
	s16 =	simm.s32 @!p0 $0xB  }
0x1c6: {  	[hbm4b:s20+s3] =	stream.linear.scatter [tilespmem:s22], [sflag:$0xD], $0x2000, $0x38;
	[tilespmem:$0x16400] =	vst v63  }
0x1c7: {  	_ =	swait.ge @!p0 [sflag:s16], $0x2000  }
0x1c8: {  	s18 =	simm.s32 @!p0 $0x80;
	[sflag:s16] =	ssyncset.done @!p0 $0x0  }
0x1c9: {  	s20 =	simm.s32 @!p0 $0xA400;
	[sflag:s16] =	ssyncadd.s32 @!p0 $0xFFFFE000;
	s16 =	sadd.s32 @!p0 $0x500, s15  }
0x1ca: {  	[tilespmem:s20], [sflag:$0x3] =	stream.indirect.gather @!p0 [hbm4b:s5+s18], $0x40, s16, s18, $0xb8;
	[tilespmem:$0x16400] =	vst v63  }
0x1cb: {  	_ =	swait.ge [sflag:s0], $0x2000  }
0x1cc: {  	[sflag:s0] =	ssyncset.done $0x0  }
0x1cd: {  	s16 =	simm.s32 $0x10400;
	[sflag:s0] =	ssyncadd.s32 $0xFFFFE000  }
0x1ce: {  	v0 =	vld [tilespmem:s16+$0x1F0]  }
0x1cf: {  	v1 =	vld [tilespmem:s16+$0x10]  }
0x1d0: {  	v2 =	vld [tilespmem:s16+$0x20]  }
0x1d1: {  	v3 =	vld [tilespmem:s16+$0x30]  }
0x1d2: {  	v4 =	vld [tilespmem:s16+$0x40]  }
0x1d3: {  	v5 =	vld [tilespmem:s16+$0x50];
	v0 =	vmul.f32 $8.000000000e+00, v0  }
0x1d4: {  	v6 =	vld [tilespmem:s16+$0x60];
	v1 =	vmul.f32 $8.000000000e+00, v1  }
0x1d5: {  	v7 =	vld [tilespmem:s16+$0x70];
	v2 =	vmul.f32 $8.000000000e+00, v2;
	[tilespmem:s16+$0x1F0] =	vst v0  }
0x1d6: {  	[tilespmem:s16+$0x10] =	vst v1;
	v0 =	vmul.f32 $8.000000000e+00, v3;
	v1 =	vld [tilespmem:s16+$0x80]  }
0x1d7: {  	[tilespmem:s16+$0x20] =	vst v2;
	v2 =	vmul.f32 $8.000000000e+00, v4;
	v3 =	vld [tilespmem:s16+$0x90]  }
0x1d8: {  	v4 =	vld [tilespmem:s16+$0xA0];
	[tilespmem:s16+$0x30] =	vst v0;
	v0 =	vmul.f32 $8.000000000e+00, v5  }
0x1d9: {  	[tilespmem:s16+$0x40] =	vst v2;
	v2 =	vmul.f32 $8.000000000e+00, v6;
	v5 =	vld [tilespmem:s16+$0xB0]  }
0x1da: {  	v6 =	vld [tilespmem:s16+$0xC0];
	[tilespmem:s16+$0x50] =	vst v0;
	v0 =	vmul.f32 $8.000000000e+00, v7  }
0x1db: {  	[tilespmem:s16+$0x60] =	vst v2;
	v2 =	vld [tilespmem:s16+$0xD0];
	v1 =	vmul.f32 $8.000000000e+00, v1  }
0x1dc: {  	[tilespmem:s16+$0x70] =	vst v0;
	v0 =	vmul.f32 $8.000000000e+00, v3;
	v3 =	vld [tilespmem:s16+$0xE0]  }
0x1dd: {  	[tilespmem:s16+$0x80] =	vst v1;
	v1 =	vmul.f32 $8.000000000e+00, v4;
	v4 =	vld [tilespmem:s16+$0xF0]  }
0x1de: {  	[tilespmem:s16+$0x90] =	vst v0;
	v0 =	vmul.f32 $8.000000000e+00, v5;
	v5 =	vld [tilespmem:s16+$0x100]  }
0x1df: {  	[tilespmem:s16+$0xA0] =	vst v1;
	v1 =	vmul.f32 $8.000000000e+00, v6;
	v6 =	vld [tilespmem:s16+$0x110]  }
0x1e0: {  	[tilespmem:s16+$0xB0] =	vst v0;
	v0 =	vmul.f32 $8.000000000e+00, v2;
	v2 =	vld [tilespmem:s16+$0x120]  }
0x1e1: {  	[tilespmem:s16+$0xC0] =	vst v1;
	v1 =	vmul.f32 $8.000000000e+00, v3;
	v3 =	vld [tilespmem:s16+$0x130]  }
0x1e2: {  	[tilespmem:s16+$0xD0] =	vst v0;
	v0 =	vmul.f32 $8.000000000e+00, v4;
	v4 =	vld [tilespmem:s16+$0x140]  }
0x1e3: {  	[tilespmem:s16+$0xE0] =	vst v1;
	v1 =	vmul.f32 $8.000000000e+00, v5;
	v5 =	vld [tilespmem:s16+$0x150]  }
0x1e4: {  	[tilespmem:s16+$0xF0] =	vst v0;
	v0 =	vmul.f32 $8.000000000e+00, v6;
	v6 =	vld [tilespmem:s16+$0x160]  }
0x1e5: {  	[tilespmem:s16+$0x100] =	vst v1;
	v1 =	vmul.f32 $8.000000000e+00, v2;
	v2 =	vld [tilespmem:s16+$0x170]  }
0x1e6: {  	[tilespmem:s16+$0x110] =	vst v0;
	v0 =	vmul.f32 $8.000000000e+00, v3;
	v3 =	vld [tilespmem:s16+$0x180]  }
0x1e7: {  	[tilespmem:s16+$0x120] =	vst v1;
	v1 =	vmul.f32 $8.000000000e+00, v4;
	v4 =	vld [tilespmem:s16+$0x190]  }
0x1e8: {  	v7 =	vld [tilespmem:s16+$0x1A0];
	[tilespmem:s16+$0x130] =	vst v0;
	v5 =	vmul.f32 $8.000000000e+00, v5  }
0x1e9: {  	v0 =	vld [tilespmem:s16+$0x1B0];
	[tilespmem:s16+$0x140] =	vst v1;
	v6 =	vmul.f32 $8.000000000e+00, v6  }
0x1ea: {  	v1 =	vld [tilespmem:s16+$0x1C0];
	[tilespmem:s16+$0x150] =	vst v5;
	v5 =	vmul.f32 $8.000000000e+00, v2  }
0x1eb: {  	v2 =	vld [tilespmem:s16+$0x1D0];
	[tilespmem:s16+$0x160] =	vst v6;
	v6 =	vmul.f32 $8.000000000e+00, v3  }
0x1ec: {  	v3 =	vld [tilespmem:s16+$0x1E0];
	[tilespmem:s16+$0x170] =	vst v5;
	v5 =	vmul.f32 $8.000000000e+00, v4  }
0x1ed: {  	s18 =	simm.s32 $0x0;
	s20 =	simm.s32 $0x10600;
	v4 =	vld [tilespmem:s16+$0x0];
	[tilespmem:s16+$0x180] =	vst v6;
	v6 =	vmul.f32 $8.000000000e+00, v7  }
.LBB2_13:
0x1ee: {  	v7 =	vld [tilespmem:s20+$0x1F0];
	s18 =	sadd.s32 $0x8, s18;
	[tilespmem:s16+$0x190] =	vst v5;
	v0 =	vmul.f32 $8.000000000e+00, v0  }
0x1ef: {  	v5 =	vld [tilespmem:s20+$0x10];
	p1 =	slt.u32 s18, $0x78;
	[tilespmem:s16+$0x1A0] =	vst v6;
	v1 =	vmul.f32 $8.000000000e+00, v1  }
0x1f0: {  	v6 =	vld [tilespmem:s20+$0x20];
	[tilespmem:s16+$0x1B0] =	vst v0;
	v0 =	vmul.f32 $8.000000000e+00, v2  }
0x1f1: {  	v2 =	vld [tilespmem:s20+$0x30];
	[tilespmem:s16+$0x1C0] =	vst v1;
	v1 =	vmul.f32 $8.000000000e+00, v3  }
0x1f2: {  	v3 =	vld [tilespmem:s20+$0x40];
	v4 =	vmul.f32 $8.000000000e+00, v4;
	[tilespmem:s16+$0x1D0] =	vst v0  }
0x1f3: {  	v0 =	vld [tilespmem:s20+$0x50];
	v7 =	vmul.f32 $8.000000000e+00, v7;
	[tilespmem:s16+$0x1E0] =	vst v1  }
0x1f4: {  	v1 =	vmul.f32 $8.000000000e+00, v5;
	v5 =	vld [tilespmem:s20+$0x60];
	[tilespmem:s16+$0x0] =	vst v4;
	s16 =	smov.u32 s20  }
0x1f5: {  	v4 =	vmul.f32 $8.000000000e+00, v6;
	v6 =	vld [tilespmem:s20+$0x70];
	[tilespmem:s20+$0x1F0] =	vst v7  }
0x1f6: {  	[tilespmem:s20+$0x10] =	vst v1;
	v1 =	vmul.f32 $8.000000000e+00, v2;
	v2 =	vld [tilespmem:s20+$0x80]  }
0x1f7: {  	[tilespmem:s20+$0x20] =	vst v4;
	v3 =	vmul.f32 $8.000000000e+00, v3;
	v4 =	vld [tilespmem:s20+$0x90]  }
0x1f8: {  	[tilespmem:s20+$0x30] =	vst v1;
	v0 =	vmul.f32 $8.000000000e+00, v0;
	v1 =	vld [tilespmem:s20+$0xA0]  }
0x1f9: {  	[tilespmem:s20+$0x40] =	vst v3;
	v3 =	vmul.f32 $8.000000000e+00, v5;
	v5 =	vld [tilespmem:s20+$0xB0]  }
0x1fa: {  	[tilespmem:s20+$0x50] =	vst v0;
	v0 =	vmul.f32 $8.000000000e+00, v6;
	v6 =	vld [tilespmem:s20+$0xC0]  }
0x1fb: {  	[tilespmem:s20+$0x60] =	vst v3;
	v2 =	vmul.f32 $8.000000000e+00, v2;
	v3 =	vld [tilespmem:s20+$0xD0]  }
0x1fc: {  	[tilespmem:s20+$0x70] =	vst v0;
	v0 =	vmul.f32 $8.000000000e+00, v4;
	v4 =	vld [tilespmem:s20+$0xE0]  }
0x1fd: {  	[tilespmem:s20+$0x80] =	vst v2;
	v1 =	vmul.f32 $8.000000000e+00, v1;
	v2 =	vld [tilespmem:s20+$0xF0]  }
0x1fe: {  	[tilespmem:s20+$0x90] =	vst v0;
	v0 =	vmul.f32 $8.000000000e+00, v5;
	v5 =	vld [tilespmem:s20+$0x100]  }
0x1ff: {  	[tilespmem:s20+$0xA0] =	vst v1;
	v1 =	vmul.f32 $8.000000000e+00, v6;
	v6 =	vld [tilespmem:s20+$0x110]  }
0x200: {  	[tilespmem:s20+$0xB0] =	vst v0;
	v0 =	vmul.f32 $8.000000000e+00, v3;
	v3 =	vld [tilespmem:s20+$0x120]  }
0x201: {  	[tilespmem:s20+$0xC0] =	vst v1;
	v1 =	vmul.f32 $8.000000000e+00, v4;
	v4 =	vld [tilespmem:s20+$0x130]  }
0x202: {  	[tilespmem:s20+$0xD0] =	vst v0;
	v0 =	vmul.f32 $8.000000000e+00, v2;
	v2 =	vld [tilespmem:s20+$0x140]  }
0x203: {  	[tilespmem:s20+$0xE0] =	vst v1;
	v1 =	vmul.f32 $8.000000000e+00, v5;
	v5 =	vld [tilespmem:s20+$0x150]  }
0x204: {  	[tilespmem:s20+$0xF0] =	vst v0;
	v0 =	vmul.f32 $8.000000000e+00, v6;
	v6 =	vld [tilespmem:s20+$0x160]  }
0x205: {  	[tilespmem:s20+$0x100] =	vst v1;
	v1 =	vmul.f32 $8.000000000e+00, v3;
	v3 =	vld [tilespmem:s20+$0x170]  }
0x206: {  	[tilespmem:s20+$0x110] =	vst v0;
	v0 =	vmul.f32 $8.000000000e+00, v4;
	v4 =	vld [tilespmem:s20+$0x180]  }
0x207: {  	[tilespmem:s20+$0x120] =	vst v1;
	v1 =	vmul.f32 $8.000000000e+00, v2;
	v7 =	vld [tilespmem:s20+$0x190]  }
0x208: {  	[tilespmem:s20+$0x130] =	vst v0;
	v2 =	vmul.f32 $8.000000000e+00, v5;
	v8 =	vld [tilespmem:s20+$0x1A0]  }
.Ltmp7:
0x209: {  	[tilespmem:s20+$0x140] =	vst v1;
	v5 =	vmul.f32 $8.000000000e+00, v6;
	v0 =	vld [tilespmem:s20+$0x1B0];
	(pc) =	sbr.rel @p1 .LBB2_13-.Ltmp7, $4  }
0x20a: {  	[tilespmem:s20+$0x150] =	vst v2;
	v3 =	vmul.f32 $8.000000000e+00, v3;
	v1 =	vld [tilespmem:s20+$0x1C0]  }
0x20b: {  	[tilespmem:s20+$0x160] =	vst v5;
	v6 =	vmul.f32 $8.000000000e+00, v4;
	v2 =	vld [tilespmem:s20+$0x1D0]  }
0x20c: {  	[tilespmem:s20+$0x170] =	vst v3;
	v5 =	vmul.f32 $8.000000000e+00, v7;
	v3 =	vld [tilespmem:s20+$0x1E0]  }
0x20d: {  	s20 =	sadd.s32 $0x200, s20;
	v4 =	vld [tilespmem:s16+$0x0];
	[tilespmem:s16+$0x180] =	vst v6;
	v6 =	vmul.f32 $8.000000000e+00, v8  }
0x20e: {  	[tilespmem:s16+$0x190] =	vst v5;
	v0 =	vmul.f32 $8.000000000e+00, v0  }
0x20f: {  	[tilespmem:s16+$0x1A0] =	vst v6;
	v1 =	vmul.f32 $8.000000000e+00, v1  }
0x210: {  	[tilespmem:s16+$0x1B0] =	vst v0;
	v0 =	vmul.f32 $8.000000000e+00, v2  }
0x211: {  	s12 =	sadd.s32 s12, s11;
	[tilespmem:s16+$0x1C0] =	vst v1;
	v1 =	vmul.f32 $8.000000000e+00, v3  }
0x212: {  	s12 =	sshll.u32 s12, $0xA;
	v2 =	vmul.f32 $8.000000000e+00, v4;
	[tilespmem:s16+$0x1D0] =	vst v0  }
0x213: {  	s12 =	sand.u32 $0x1FFFF400, s12;
	[tilespmem:s16+$0x1E0] =	vst v1  }
0x214: {  	s12 =	sadd.s32 s2, s12;
	[tilespmem:s16+$0x0] =	vst v2  }
0x215: {  	[hbm4b:s12+s3] =	stream.linear.scatter [tilespmem:s24], [sflag:$0xE], $0x2000, $0x38;
	[tilespmem:$0x16400] =	vst v63  }
0x216: {  	s12 =	simm.s32 @!p0 $0xC  }
0x217: {  	_ =	swait.ge @!p0 [sflag:s12], $0x2000  }
0x218: {  	s18 =	simm.s32 @!p0 $0xC400;
	[sflag:s12] =	ssyncset.done @!p0 $0x0  }
0x219: {  	s16 =	simm.s32 @!p0 $0x80;
	[sflag:s12] =	ssyncadd.s32 @!p0 $0xFFFFE000;
	s12 =	sadd.s32 @!p0 $0x580, s15  }
0x21a: {  	[tilespmem:s18], [sflag:$0x4] =	stream.indirect.gather @!p0 [hbm4b:s5+s16], $0x40, s12, s16, $0xb8;
	[tilespmem:$0x16400] =	vst v63  }
0x21b: {  	_ =	swait.ge [sflag:s17], $0x2000  }
0x21c: {  	[sflag:s17] =	ssyncset.done $0x0  }
0x21d: {  	s12 =	simm.s32 $0x12400;
	[sflag:s17] =	ssyncadd.s32 $0xFFFFE000  }
0x21e: {  	v0 =	vld [tilespmem:s12+$0x1F0]  }
0x21f: {  	v1 =	vld [tilespmem:s12+$0x10]  }
0x220: {  	v2 =	vld [tilespmem:s12+$0x20]  }
0x221: {  	v3 =	vld [tilespmem:s12+$0x30]  }
0x222: {  	v4 =	vld [tilespmem:s12+$0x40]  }
0x223: {  	v5 =	vld [tilespmem:s12+$0x50];
	v0 =	vmul.f32 $8.000000000e+00, v0  }
0x224: {  	v6 =	vld [tilespmem:s12+$0x60];
	v1 =	vmul.f32 $8.000000000e+00, v1  }
0x225: {  	v7 =	vld [tilespmem:s12+$0x70];
	v2 =	vmul.f32 $8.000000000e+00, v2;
	[tilespmem:s12+$0x1F0] =	vst v0  }
0x226: {  	[tilespmem:s12+$0x10] =	vst v1;
	v0 =	vmul.f32 $8.000000000e+00, v3;
	v1 =	vld [tilespmem:s12+$0x80]  }
0x227: {  	[tilespmem:s12+$0x20] =	vst v2;
	v2 =	vmul.f32 $8.000000000e+00, v4;
	v3 =	vld [tilespmem:s12+$0x90]  }
0x228: {  	v4 =	vld [tilespmem:s12+$0xA0];
	[tilespmem:s12+$0x30] =	vst v0;
	v0 =	vmul.f32 $8.000000000e+00, v5  }
0x229: {  	[tilespmem:s12+$0x40] =	vst v2;
	v2 =	vmul.f32 $8.000000000e+00, v6;
	v5 =	vld [tilespmem:s12+$0xB0]  }
0x22a: {  	v6 =	vld [tilespmem:s12+$0xC0];
	[tilespmem:s12+$0x50] =	vst v0;
	v0 =	vmul.f32 $8.000000000e+00, v7  }
0x22b: {  	[tilespmem:s12+$0x60] =	vst v2;
	v2 =	vld [tilespmem:s12+$0xD0];
	v1 =	vmul.f32 $8.000000000e+00, v1  }
0x22c: {  	[tilespmem:s12+$0x70] =	vst v0;
	v0 =	vmul.f32 $8.000000000e+00, v3;
	v3 =	vld [tilespmem:s12+$0xE0]  }
0x22d: {  	[tilespmem:s12+$0x80] =	vst v1;
	v1 =	vmul.f32 $8.000000000e+00, v4;
	v4 =	vld [tilespmem:s12+$0xF0]  }
0x22e: {  	[tilespmem:s12+$0x90] =	vst v0;
	v0 =	vmul.f32 $8.000000000e+00, v5;
	v5 =	vld [tilespmem:s12+$0x100]  }
0x22f: {  	[tilespmem:s12+$0xA0] =	vst v1;
	v1 =	vmul.f32 $8.000000000e+00, v6;
	v6 =	vld [tilespmem:s12+$0x110]  }
0x230: {  	[tilespmem:s12+$0xB0] =	vst v0;
	v0 =	vmul.f32 $8.000000000e+00, v2;
	v2 =	vld [tilespmem:s12+$0x120]  }
0x231: {  	[tilespmem:s12+$0xC0] =	vst v1;
	v1 =	vmul.f32 $8.000000000e+00, v3;
	v3 =	vld [tilespmem:s12+$0x130]  }
0x232: {  	[tilespmem:s12+$0xD0] =	vst v0;
	v0 =	vmul.f32 $8.000000000e+00, v4;
	v4 =	vld [tilespmem:s12+$0x140]  }
0x233: {  	[tilespmem:s12+$0xE0] =	vst v1;
	v1 =	vmul.f32 $8.000000000e+00, v5;
	v5 =	vld [tilespmem:s12+$0x150]  }
0x234: {  	[tilespmem:s12+$0xF0] =	vst v0;
	v0 =	vmul.f32 $8.000000000e+00, v6;
	v6 =	vld [tilespmem:s12+$0x160]  }
0x235: {  	[tilespmem:s12+$0x100] =	vst v1;
	v1 =	vmul.f32 $8.000000000e+00, v2;
	v2 =	vld [tilespmem:s12+$0x170]  }
0x236: {  	[tilespmem:s12+$0x110] =	vst v0;
	v0 =	vmul.f32 $8.000000000e+00, v3;
	v3 =	vld [tilespmem:s12+$0x180]  }
0x237: {  	[tilespmem:s12+$0x120] =	vst v1;
	v1 =	vmul.f32 $8.000000000e+00, v4;
	v4 =	vld [tilespmem:s12+$0x190]  }
0x238: {  	v7 =	vld [tilespmem:s12+$0x1A0];
	[tilespmem:s12+$0x130] =	vst v0;
	v5 =	vmul.f32 $8.000000000e+00, v5  }
0x239: {  	v0 =	vld [tilespmem:s12+$0x1B0];
	[tilespmem:s12+$0x140] =	vst v1;
	v6 =	vmul.f32 $8.000000000e+00, v6  }
0x23a: {  	v1 =	vld [tilespmem:s12+$0x1C0];
	[tilespmem:s12+$0x150] =	vst v5;
	v5 =	vmul.f32 $8.000000000e+00, v2  }
0x23b: {  	v2 =	vld [tilespmem:s12+$0x1D0];
	[tilespmem:s12+$0x160] =	vst v6;
	v6 =	vmul.f32 $8.000000000e+00, v3  }
0x23c: {  	v3 =	vld [tilespmem:s12+$0x1E0];
	[tilespmem:s12+$0x170] =	vst v5;
	v5 =	vmul.f32 $8.000000000e+00, v4  }
0x23d: {  	s16 =	simm.s32 $0x0;
	s18 =	simm.s32 $0x12600;
	v4 =	vld [tilespmem:s12+$0x0];
	[tilespmem:s12+$0x180] =	vst v6;
	v6 =	vmul.f32 $8.000000000e+00, v7  }
.LBB2_15:
0x23e: {  	v7 =	vld [tilespmem:s18+$0x1F0];
	s16 =	sadd.s32 $0x8, s16;
	[tilespmem:s12+$0x190] =	vst v5;
	v0 =	vmul.f32 $8.000000000e+00, v0  }
0x23f: {  	v5 =	vld [tilespmem:s18+$0x10];
	p1 =	slt.u32 s16, $0x78;
	[tilespmem:s12+$0x1A0] =	vst v6;
	v1 =	vmul.f32 $8.000000000e+00, v1  }
0x240: {  	v6 =	vld [tilespmem:s18+$0x20];
	[tilespmem:s12+$0x1B0] =	vst v0;
	v0 =	vmul.f32 $8.000000000e+00, v2  }
0x241: {  	v2 =	vld [tilespmem:s18+$0x30];
	[tilespmem:s12+$0x1C0] =	vst v1;
	v1 =	vmul.f32 $8.000000000e+00, v3  }
0x242: {  	v3 =	vld [tilespmem:s18+$0x40];
	v4 =	vmul.f32 $8.000000000e+00, v4;
	[tilespmem:s12+$0x1D0] =	vst v0  }
0x243: {  	v0 =	vld [tilespmem:s18+$0x50];
	v7 =	vmul.f32 $8.000000000e+00, v7;
	[tilespmem:s12+$0x1E0] =	vst v1  }
0x244: {  	v1 =	vmul.f32 $8.000000000e+00, v5;
	v5 =	vld [tilespmem:s18+$0x60];
	[tilespmem:s12+$0x0] =	vst v4;
	s12 =	smov.u32 s18  }
0x245: {  	v4 =	vmul.f32 $8.000000000e+00, v6;
	v6 =	vld [tilespmem:s18+$0x70];
	[tilespmem:s18+$0x1F0] =	vst v7  }
0x246: {  	[tilespmem:s18+$0x10] =	vst v1;
	v1 =	vmul.f32 $8.000000000e+00, v2;
	v2 =	vld [tilespmem:s18+$0x80]  }
0x247: {  	[tilespmem:s18+$0x20] =	vst v4;
	v3 =	vmul.f32 $8.000000000e+00, v3;
	v4 =	vld [tilespmem:s18+$0x90]  }
0x248: {  	[tilespmem:s18+$0x30] =	vst v1;
	v0 =	vmul.f32 $8.000000000e+00, v0;
	v1 =	vld [tilespmem:s18+$0xA0]  }
0x249: {  	[tilespmem:s18+$0x40] =	vst v3;
	v3 =	vmul.f32 $8.000000000e+00, v5;
	v5 =	vld [tilespmem:s18+$0xB0]  }
0x24a: {  	[tilespmem:s18+$0x50] =	vst v0;
	v0 =	vmul.f32 $8.000000000e+00, v6;
	v6 =	vld [tilespmem:s18+$0xC0]  }
0x24b: {  	[tilespmem:s18+$0x60] =	vst v3;
	v2 =	vmul.f32 $8.000000000e+00, v2;
	v3 =	vld [tilespmem:s18+$0xD0]  }
0x24c: {  	[tilespmem:s18+$0x70] =	vst v0;
	v0 =	vmul.f32 $8.000000000e+00, v4;
	v4 =	vld [tilespmem:s18+$0xE0]  }
0x24d: {  	[tilespmem:s18+$0x80] =	vst v2;
	v1 =	vmul.f32 $8.000000000e+00, v1;
	v2 =	vld [tilespmem:s18+$0xF0]  }
0x24e: {  	[tilespmem:s18+$0x90] =	vst v0;
	v0 =	vmul.f32 $8.000000000e+00, v5;
	v5 =	vld [tilespmem:s18+$0x100]  }
0x24f: {  	[tilespmem:s18+$0xA0] =	vst v1;
	v1 =	vmul.f32 $8.000000000e+00, v6;
	v6 =	vld [tilespmem:s18+$0x110]  }
0x250: {  	[tilespmem:s18+$0xB0] =	vst v0;
	v0 =	vmul.f32 $8.000000000e+00, v3;
	v3 =	vld [tilespmem:s18+$0x120]  }
0x251: {  	[tilespmem:s18+$0xC0] =	vst v1;
	v1 =	vmul.f32 $8.000000000e+00, v4;
	v4 =	vld [tilespmem:s18+$0x130]  }
0x252: {  	[tilespmem:s18+$0xD0] =	vst v0;
	v0 =	vmul.f32 $8.000000000e+00, v2;
	v2 =	vld [tilespmem:s18+$0x140]  }
0x253: {  	[tilespmem:s18+$0xE0] =	vst v1;
	v1 =	vmul.f32 $8.000000000e+00, v5;
	v5 =	vld [tilespmem:s18+$0x150]  }
0x254: {  	[tilespmem:s18+$0xF0] =	vst v0;
	v0 =	vmul.f32 $8.000000000e+00, v6;
	v6 =	vld [tilespmem:s18+$0x160]  }
0x255: {  	[tilespmem:s18+$0x100] =	vst v1;
	v1 =	vmul.f32 $8.000000000e+00, v3;
	v3 =	vld [tilespmem:s18+$0x170]  }
0x256: {  	[tilespmem:s18+$0x110] =	vst v0;
	v0 =	vmul.f32 $8.000000000e+00, v4;
	v4 =	vld [tilespmem:s18+$0x180]  }
0x257: {  	[tilespmem:s18+$0x120] =	vst v1;
	v1 =	vmul.f32 $8.000000000e+00, v2;
	v7 =	vld [tilespmem:s18+$0x190]  }
0x258: {  	[tilespmem:s18+$0x130] =	vst v0;
	v2 =	vmul.f32 $8.000000000e+00, v5;
	v8 =	vld [tilespmem:s18+$0x1A0]  }
.Ltmp8:
0x259: {  	[tilespmem:s18+$0x140] =	vst v1;
	v5 =	vmul.f32 $8.000000000e+00, v6;
	v0 =	vld [tilespmem:s18+$0x1B0];
	(pc) =	sbr.rel @p1 .LBB2_15-.Ltmp8, $4  }
0x25a: {  	[tilespmem:s18+$0x150] =	vst v2;
	v3 =	vmul.f32 $8.000000000e+00, v3;
	v1 =	vld [tilespmem:s18+$0x1C0]  }
0x25b: {  	[tilespmem:s18+$0x160] =	vst v5;
	v6 =	vmul.f32 $8.000000000e+00, v4;
	v2 =	vld [tilespmem:s18+$0x1D0]  }
0x25c: {  	[tilespmem:s18+$0x170] =	vst v3;
	v5 =	vmul.f32 $8.000000000e+00, v7;
	v3 =	vld [tilespmem:s18+$0x1E0]  }
0x25d: {  	s18 =	sadd.s32 $0x200, s18;
	v4 =	vld [tilespmem:s12+$0x0];
	[tilespmem:s12+$0x180] =	vst v6;
	v6 =	vmul.f32 $8.000000000e+00, v8  }
0x25e: {  	[tilespmem:s12+$0x190] =	vst v5;
	v0 =	vmul.f32 $8.000000000e+00, v0  }
0x25f: {  	[tilespmem:s12+$0x1A0] =	vst v6;
	v1 =	vmul.f32 $8.000000000e+00, v1  }
0x260: {  	[tilespmem:s12+$0x1B0] =	vst v0;
	v0 =	vmul.f32 $8.000000000e+00, v2  }
0x261: {  	s16 =	sadd.s32 s4, s23;
	[tilespmem:s12+$0x1C0] =	vst v1;
	v1 =	vmul.f32 $8.000000000e+00, v3  }
0x262: {  	s16 =	sshll.u32 s16, $0xA;
	v2 =	vmul.f32 $8.000000000e+00, v4;
	[tilespmem:s12+$0x1D0] =	vst v0  }
0x263: {  	s16 =	sand.u32 $0x1FFFF800, s16;
	[tilespmem:s12+$0x1E0] =	vst v1  }
0x264: {  	s23 =	sadd.s32 s2, s16;
	[tilespmem:s12+$0x0] =	vst v2;
	s12 =	simm.s32 @!p0 $0xD  }
0x265: {  	[hbm4b:s23+s3] =	stream.linear.scatter [tilespmem:s26], [sflag:$0xF], $0x2000, $0x38;
	[tilespmem:$0x16400] =	vst v63  }
0x266: {  	_ =	swait.ge @!p0 [sflag:s12], $0x2000  }
0x267: {  	s16 =	simm.s32 @!p0 $0xE400;
	[sflag:s12] =	ssyncset.done @!p0 $0x0  }
0x268: {  	[sflag:s12] =	ssyncadd.s32 @!p0 $0xFFFFE000;
	s12 =	sadd.s32 @!p0 $0x600, s15;
	s15 =	simm.s32 @!p0 $0x80  }
0x269: {  	[tilespmem:s16], [sflag:$0x5] =	stream.indirect.gather @!p0 [hbm4b:s5+s15], $0x40, s12, s15, $0xb8;
	[tilespmem:$0x16400] =	vst v63  }
0x26a: {  	_ =	swait.ge [sflag:s19], $0x2000  }
0x26b: {  	[sflag:s19] =	ssyncset.done $0x0  }
0x26c: {  	s12 =	simm.s32 $0x14400;
	[sflag:s19] =	ssyncadd.s32 $0xFFFFE000  }
0x26d: {  	v0 =	vld [tilespmem:s12+$0x1F0]  }
0x26e: {  	v1 =	vld [tilespmem:s12+$0x10]  }
0x26f: {  	v2 =	vld [tilespmem:s12+$0x20]  }
0x270: {  	v3 =	vld [tilespmem:s12+$0x30]  }
0x271: {  	v4 =	vld [tilespmem:s12+$0x40]  }
0x272: {  	v5 =	vld [tilespmem:s12+$0x50];
	v0 =	vmul.f32 $8.000000000e+00, v0  }
0x273: {  	v6 =	vld [tilespmem:s12+$0x60];
	v1 =	vmul.f32 $8.000000000e+00, v1  }
0x274: {  	v7 =	vld [tilespmem:s12+$0x70];
	v2 =	vmul.f32 $8.000000000e+00, v2;
	[tilespmem:s12+$0x1F0] =	vst v0  }
0x275: {  	[tilespmem:s12+$0x10] =	vst v1;
	v0 =	vmul.f32 $8.000000000e+00, v3;
	v1 =	vld [tilespmem:s12+$0x80]  }
0x276: {  	[tilespmem:s12+$0x20] =	vst v2;
	v2 =	vmul.f32 $8.000000000e+00, v4;
	v3 =	vld [tilespmem:s12+$0x90]  }
0x277: {  	v4 =	vld [tilespmem:s12+$0xA0];
	[tilespmem:s12+$0x30] =	vst v0;
	v0 =	vmul.f32 $8.000000000e+00, v5  }
0x278: {  	[tilespmem:s12+$0x40] =	vst v2;
	v2 =	vmul.f32 $8.000000000e+00, v6;
	v5 =	vld [tilespmem:s12+$0xB0]  }
0x279: {  	v6 =	vld [tilespmem:s12+$0xC0];
	[tilespmem:s12+$0x50] =	vst v0;
	v0 =	vmul.f32 $8.000000000e+00, v7  }
0x27a: {  	[tilespmem:s12+$0x60] =	vst v2;
	v2 =	vld [tilespmem:s12+$0xD0];
	v1 =	vmul.f32 $8.000000000e+00, v1  }
0x27b: {  	[tilespmem:s12+$0x70] =	vst v0;
	v0 =	vmul.f32 $8.000000000e+00, v3;
	v3 =	vld [tilespmem:s12+$0xE0]  }
0x27c: {  	[tilespmem:s12+$0x80] =	vst v1;
	v1 =	vmul.f32 $8.000000000e+00, v4;
	v4 =	vld [tilespmem:s12+$0xF0]  }
0x27d: {  	[tilespmem:s12+$0x90] =	vst v0;
	v0 =	vmul.f32 $8.000000000e+00, v5;
	v5 =	vld [tilespmem:s12+$0x100]  }
0x27e: {  	[tilespmem:s12+$0xA0] =	vst v1;
	v1 =	vmul.f32 $8.000000000e+00, v6;
	v6 =	vld [tilespmem:s12+$0x110]  }
0x27f: {  	[tilespmem:s12+$0xB0] =	vst v0;
	v0 =	vmul.f32 $8.000000000e+00, v2;
	v2 =	vld [tilespmem:s12+$0x120]  }
0x280: {  	[tilespmem:s12+$0xC0] =	vst v1;
	v1 =	vmul.f32 $8.000000000e+00, v3;
	v3 =	vld [tilespmem:s12+$0x130]  }
0x281: {  	[tilespmem:s12+$0xD0] =	vst v0;
	v0 =	vmul.f32 $8.000000000e+00, v4;
	v4 =	vld [tilespmem:s12+$0x140]  }
0x282: {  	[tilespmem:s12+$0xE0] =	vst v1;
	v1 =	vmul.f32 $8.000000000e+00, v5;
	v5 =	vld [tilespmem:s12+$0x150]  }
0x283: {  	[tilespmem:s12+$0xF0] =	vst v0;
	v0 =	vmul.f32 $8.000000000e+00, v6;
	v6 =	vld [tilespmem:s12+$0x160]  }
0x284: {  	[tilespmem:s12+$0x100] =	vst v1;
	v1 =	vmul.f32 $8.000000000e+00, v2;
	v2 =	vld [tilespmem:s12+$0x170]  }
0x285: {  	[tilespmem:s12+$0x110] =	vst v0;
	v0 =	vmul.f32 $8.000000000e+00, v3;
	v3 =	vld [tilespmem:s12+$0x180]  }
0x286: {  	[tilespmem:s12+$0x120] =	vst v1;
	v1 =	vmul.f32 $8.000000000e+00, v4;
	v4 =	vld [tilespmem:s12+$0x190]  }
0x287: {  	v7 =	vld [tilespmem:s12+$0x1A0];
	[tilespmem:s12+$0x130] =	vst v0;
	v5 =	vmul.f32 $8.000000000e+00, v5  }
0x288: {  	v0 =	vld [tilespmem:s12+$0x1B0];
	[tilespmem:s12+$0x140] =	vst v1;
	v6 =	vmul.f32 $8.000000000e+00, v6  }
0x289: {  	v1 =	vld [tilespmem:s12+$0x1C0];
	[tilespmem:s12+$0x150] =	vst v5;
	v5 =	vmul.f32 $8.000000000e+00, v2  }
0x28a: {  	v2 =	vld [tilespmem:s12+$0x1D0];
	[tilespmem:s12+$0x160] =	vst v6;
	v6 =	vmul.f32 $8.000000000e+00, v3  }
0x28b: {  	v3 =	vld [tilespmem:s12+$0x1E0];
	[tilespmem:s12+$0x170] =	vst v5;
	v5 =	vmul.f32 $8.000000000e+00, v4  }
0x28c: {  	s15 =	simm.s32 $0x0;
	s16 =	simm.s32 $0x14600;
	v4 =	vld [tilespmem:s12+$0x0];
	[tilespmem:s12+$0x180] =	vst v6;
	v6 =	vmul.f32 $8.000000000e+00, v7  }
.LBB2_17:
0x28d: {  	v7 =	vld [tilespmem:s16+$0x1F0];
	s15 =	sadd.s32 $0x8, s15;
	[tilespmem:s12+$0x190] =	vst v5;
	v0 =	vmul.f32 $8.000000000e+00, v0  }
0x28e: {  	v5 =	vld [tilespmem:s16+$0x10];
	p1 =	slt.u32 s15, $0x78;
	[tilespmem:s12+$0x1A0] =	vst v6;
	v1 =	vmul.f32 $8.000000000e+00, v1  }
0x28f: {  	v6 =	vld [tilespmem:s16+$0x20];
	[tilespmem:s12+$0x1B0] =	vst v0;
	v0 =	vmul.f32 $8.000000000e+00, v2  }
0x290: {  	v2 =	vld [tilespmem:s16+$0x30];
	[tilespmem:s12+$0x1C0] =	vst v1;
	v1 =	vmul.f32 $8.000000000e+00, v3  }
0x291: {  	v3 =	vld [tilespmem:s16+$0x40];
	v4 =	vmul.f32 $8.000000000e+00, v4;
	[tilespmem:s12+$0x1D0] =	vst v0  }
0x292: {  	v0 =	vld [tilespmem:s16+$0x50];
	v7 =	vmul.f32 $8.000000000e+00, v7;
	[tilespmem:s12+$0x1E0] =	vst v1  }
0x293: {  	v1 =	vmul.f32 $8.000000000e+00, v5;
	v5 =	vld [tilespmem:s16+$0x60];
	[tilespmem:s12+$0x0] =	vst v4;
	s12 =	smov.u32 s16  }
0x294: {  	v4 =	vmul.f32 $8.000000000e+00, v6;
	v6 =	vld [tilespmem:s16+$0x70];
	[tilespmem:s16+$0x1F0] =	vst v7  }
0x295: {  	[tilespmem:s16+$0x10] =	vst v1;
	v1 =	vmul.f32 $8.000000000e+00, v2;
	v2 =	vld [tilespmem:s16+$0x80]  }
0x296: {  	[tilespmem:s16+$0x20] =	vst v4;
	v3 =	vmul.f32 $8.000000000e+00, v3;
	v4 =	vld [tilespmem:s16+$0x90]  }
0x297: {  	[tilespmem:s16+$0x30] =	vst v1;
	v0 =	vmul.f32 $8.000000000e+00, v0;
	v1 =	vld [tilespmem:s16+$0xA0]  }
0x298: {  	[tilespmem:s16+$0x40] =	vst v3;
	v3 =	vmul.f32 $8.000000000e+00, v5;
	v5 =	vld [tilespmem:s16+$0xB0]  }
0x299: {  	[tilespmem:s16+$0x50] =	vst v0;
	v0 =	vmul.f32 $8.000000000e+00, v6;
	v6 =	vld [tilespmem:s16+$0xC0]  }
0x29a: {  	[tilespmem:s16+$0x60] =	vst v3;
	v2 =	vmul.f32 $8.000000000e+00, v2;
	v3 =	vld [tilespmem:s16+$0xD0]  }
0x29b: {  	[tilespmem:s16+$0x70] =	vst v0;
	v0 =	vmul.f32 $8.000000000e+00, v4;
	v4 =	vld [tilespmem:s16+$0xE0]  }
0x29c: {  	[tilespmem:s16+$0x80] =	vst v2;
	v1 =	vmul.f32 $8.000000000e+00, v1;
	v2 =	vld [tilespmem:s16+$0xF0]  }
0x29d: {  	[tilespmem:s16+$0x90] =	vst v0;
	v0 =	vmul.f32 $8.000000000e+00, v5;
	v5 =	vld [tilespmem:s16+$0x100]  }
0x29e: {  	[tilespmem:s16+$0xA0] =	vst v1;
	v1 =	vmul.f32 $8.000000000e+00, v6;
	v6 =	vld [tilespmem:s16+$0x110]  }
0x29f: {  	[tilespmem:s16+$0xB0] =	vst v0;
	v0 =	vmul.f32 $8.000000000e+00, v3;
	v3 =	vld [tilespmem:s16+$0x120]  }
0x2a0: {  	[tilespmem:s16+$0xC0] =	vst v1;
	v1 =	vmul.f32 $8.000000000e+00, v4;
	v4 =	vld [tilespmem:s16+$0x130]  }
0x2a1: {  	[tilespmem:s16+$0xD0] =	vst v0;
	v0 =	vmul.f32 $8.000000000e+00, v2;
	v2 =	vld [tilespmem:s16+$0x140]  }
0x2a2: {  	[tilespmem:s16+$0xE0] =	vst v1;
	v1 =	vmul.f32 $8.000000000e+00, v5;
	v5 =	vld [tilespmem:s16+$0x150]  }
0x2a3: {  	[tilespmem:s16+$0xF0] =	vst v0;
	v0 =	vmul.f32 $8.000000000e+00, v6;
	v6 =	vld [tilespmem:s16+$0x160]  }
0x2a4: {  	[tilespmem:s16+$0x100] =	vst v1;
	v1 =	vmul.f32 $8.000000000e+00, v3;
	v3 =	vld [tilespmem:s16+$0x170]  }
0x2a5: {  	[tilespmem:s16+$0x110] =	vst v0;
	v0 =	vmul.f32 $8.000000000e+00, v4;
	v4 =	vld [tilespmem:s16+$0x180]  }
0x2a6: {  	[tilespmem:s16+$0x120] =	vst v1;
	v1 =	vmul.f32 $8.000000000e+00, v2;
	v7 =	vld [tilespmem:s16+$0x190]  }
0x2a7: {  	[tilespmem:s16+$0x130] =	vst v0;
	v2 =	vmul.f32 $8.000000000e+00, v5;
	v8 =	vld [tilespmem:s16+$0x1A0]  }
.Ltmp9:
0x2a8: {  	[tilespmem:s16+$0x140] =	vst v1;
	v5 =	vmul.f32 $8.000000000e+00, v6;
	v0 =	vld [tilespmem:s16+$0x1B0];
	(pc) =	sbr.rel @p1 .LBB2_17-.Ltmp9, $4  }
0x2a9: {  	[tilespmem:s16+$0x150] =	vst v2;
	v3 =	vmul.f32 $8.000000000e+00, v3;
	v1 =	vld [tilespmem:s16+$0x1C0]  }
0x2aa: {  	[tilespmem:s16+$0x160] =	vst v5;
	v6 =	vmul.f32 $8.000000000e+00, v4;
	v2 =	vld [tilespmem:s16+$0x1D0]  }
0x2ab: {  	[tilespmem:s16+$0x170] =	vst v3;
	v5 =	vmul.f32 $8.000000000e+00, v7;
	v3 =	vld [tilespmem:s16+$0x1E0]  }
0x2ac: {  	s16 =	sadd.s32 $0x200, s16;
	v4 =	vld [tilespmem:s12+$0x0];
	[tilespmem:s12+$0x180] =	vst v6;
	v6 =	vmul.f32 $8.000000000e+00, v8  }
0x2ad: {  	[tilespmem:s12+$0x190] =	vst v5;
	v0 =	vmul.f32 $8.000000000e+00, v0  }
0x2ae: {  	[tilespmem:s12+$0x1A0] =	vst v6;
	v1 =	vmul.f32 $8.000000000e+00, v1  }
0x2af: {  	[tilespmem:s12+$0x1B0] =	vst v0;
	v61 =	vmul.f32 $8.000000000e+00, v2  }
.Ltmp10:
0x2b0: {  	s6 =	sadd.s32 s4, s6;
	[tilespmem:s12+$0x1C0] =	vst v1;
	v62 =	vmul.f32 $8.000000000e+00, v3;
	(pc) =	sbr.rel @p0 .LBB2_20-.Ltmp10, $4  }
0x2b1: {  	s6 =	sshll.u32 s6, $0xA;
	v63 =	vmul.f32 $8.000000000e+00, v4;
	[tilespmem:s12+$0x1D0] =	vst v61  }
0x2b2: {  	s6 =	sand.u32 $0x1FFFFC00, s6;
	[tilespmem:s12+$0x1E0] =	vst v62  }
0x2b3: {  	s6 =	sadd.s32 s2, s6;
	[tilespmem:s12+$0x0] =	vst v63  }
0x2b4: {  	[hbm4b:s6+s3] =	stream.linear.scatter [tilespmem:s29], [sflag:$0x10], $0x2000, $0x38;
	[tilespmem:$0x16400] =	vst v63  }
.Ltmp11:
0x2b5: {  	(pc) =	sbr.rel .LBB2_2-.Ltmp11, $4  }
0x2b6: {  	_ =	swait.ge [sflag:s21], $0x2000;
	s6 =	sshll.u32 s13, $0xA  }
0x2b7: {  	[sflag:s21] =	ssyncset.done $0x0;
	s6 =	sand.u32 $0x3FFFFC00, s6  }
0x2b8: {  	s13 =	sadd.s32 $0x1, s13;
	[sflag:s21] =	ssyncadd.s32 $0xFFFFE000;
	s6 =	sadd.s32 $0x680, s6  }
0x2b9: {  	[tilespmem:s24], [sflag:$0x6] =	stream.indirect.gather [hbm4b:s5+s14], $0x40, s6, s14, $0xb8;
	[tilespmem:$0x16400] =	vst v63  }
.LBB2_21:
0x2ba: {  	_ =	sfence.sel $0x180000  }
0x2bb: {  	[bflag:$0x0] =	sbarrier.arrive $0xFFFF  }
0x2bc: {  	_ =	strace $0x90000047  }
0x2bd: {  	s0 =	stileid.u32;
	[bflag:$0x2] =	sbarrier.arrive $0xFFFF  }
0x2be: {  	p0 =	sne.s32 s0, $0x0;
	s0 =	rddreg [dreg:$0x2]  }
0x2bf: {  	s0 =	sadd.s32 @!p0 $0x100000, s0  }
0x2c0: {  	[sflag:s0] =	ssyncadd.tile.s32 @!p0 $0x1;
	_ =	shalt  }
.Lfunc_end2:
_tile_overlayer_lowered:
.L_overlay_start_2:
0x2c1: {  	(tag) =	ssettag $0x2  }
0x2c2: {  	s0 =	rddreg [dreg:$0x0];
	s2 =	stileid.u32  }
0x2c3: {  	s1 =	rddreg [dreg:$0x1];
	p0 =	sne.s32 s2, $0x0  }
0x2c4: {  	s3 =	rddreg [dreg:$0x2];
	[bflag:$0x3] =	sbarrier.arrive $0xFFFF;
	s2 =	simm.s32 @!p0 $0x1C11  }
0x2c5: {  	[timem:s3], [sflag:s2] =	dma.local @!p0 [hbm:s0], s1  }
0x2c6: {  	s0 =	simm.s32 @!p0 $0x11  }
0x2c7: {  	_ =	swait.ge @!p0 [sflag:s0], s1  }
0x2c8: {  	s1 =	ssub.s32 @!p0 $0x0, s1;
	[sflag:s0] =	ssyncset.done @!p0 $0x0  }
0x2c9: {  	[sflag:s0] =	ssyncadd.s32 @!p0 s1  }
0x2ca: {  	[bflag:$0x3] =	sbarrier.arrive $0xFFFF  }
0x2cb: {  	_ =	shalt  }

// kernel: sparse-core-data-format-call.cloned.1.call-start
scs
called_computation_lowered:
.L_overlay_start_0:
0x0: {  	s2 =	sld [smem:$0x3FD9]  }
0x1: {  	s3 =	sld [smem:$0x3FFE];
	_ =	sdelay $0x1  }
0x2: {  	s1 =	srdreg.scid  }
0x3: {  	s0 =	sand.u32 $0x1, s1  }
0x4: {  	s18 =	sshll.u32 s0, $0xA;
	s2 =	sadd.s32 s3, s2  }
0x5: {  	s2 =	sadd.s32 s2, s18  }
0x6: {  	[smem:$0x3FC6] =	sst s2  }
0x7: {  	_ = 	snop  }
0x8: {  	s2 =	sld [smem:$0x3FD0];
	(tm) =	ssettm $0x1  }
0x9: {  	s19 =	sld [smem:$0x3FFB];
	_ =	sdelay $0x3  }
0xa: {  	_ =	strace s19  }
0xb: {  	s3 =	sld [smem:$0x3FFC];
	_ =	sdelay $0x3  }
0xc: {  	_ =	strace s3  }
0xd: {  	s3 =	sld [smem:$0x3FFD];
	_ =	sdelay $0x3  }
0xe: {  	_ =	strace s3  }
0xf: {  	_ =	strace $0x8FFFFFFF  }
0x10: {  	s20 =	sld [smem:$0x3FDB];
	_ =	sdelay $0x1  }
0x11: {  	s4 =	simm.s32 $_scs_section_size  }
0x12: {  	s5 =	simm.s32 $_size__tile_overlayer_lowered;
	s6 =	simm.s32 $_tile_overlayer_lowered  }
0x13: {  	s23 =	simm.s32 $0x1BFF;
	s22 =	sshll.u32 s6, $0x1;
	s3 =	sadd.s32 s4, s20  }
0x14: {  	s7 =	simm.s32 $0x0;
	s21 =	sshll.u32 s5, $0x1;
	s5 =	sadd.s32 s22, s3  }
0x15: {  	[timem:s7], [sflag:s23] =	dma.local [hbm:s5], s21  }
0x16: {  	_ =	swait.ge [sflag:s23], s21  }
0x17: {  	s4 =	ssub.s32 $0x0, s21;
	[sflag:s23] =	ssyncset.done $0x0  }
0x18: {  	[sflag:s23] =	ssyncadd.s32 s4;
	_ =	sdelay $0x1  }
0x19: {  	s24 =	simm.s32 $0x1B8B  }
0x1a: {  	_ =	swait.ge [sflag:s24], $0x1  }
0x1b: {  	[sflag:s24] =	ssyncset.done $0x0  }
0x1c: {  	s26 =	simm.s32 $0x1B8E;
	s25 =	sld [smem:$0x3FFE];
	[sflag:s24] =	ssyncadd.s32 $0xFFFFFFFF  }
0x1d: {  	s27 =	simm.s32 $execute0_lowered;
	[smem:$0x3FD2] =	sst s26  }
0x1e: {  	s5 =	sshll.u32 s27, $0x1;
	_ =	strace $0x80000049;
	[dreg:$0x1] =	wrdreg $0xFFFFFFFF  }
0x1f: {  	s28 =	simm.s32 $_size_execute0_lowered;
	s3 =	sadd.s32 s3, s5;
	[dreg:$0x0] =	wrdreg $0x0  }
0x20: {  	s5 =	sshll.u32 s28, $0x1;
	[dreg:$0x2] =	wrdreg s3  }
0x21: {  	[dreg:$0x3] =	wrdreg s5  }
0x22: {  	[dreg:$0x4] =	wrdreg $0xC0  }
0x23: {  	_ =	task [dreg:s7], $0x5FFFF  }
0x24: {  	[dreg:$0x1] =	wrdreg $0xFFFFFFFF  }
0x25: {  	[dreg:$0x0] =	wrdreg $0x60  }
0x26: {  	[dreg:$0x2] =	wrdreg s25  }
0x27: {  	[dreg:$0x3] =	wrdreg s2  }
0x28: {  	[dreg:$0x4] =	wrdreg $0x9  }
0x29: {  	_ =	task.clear_ibuf [dreg:s7], $0x5FFFF;
	_ =	strace $0x90000049  }
0x2a: {  	s29 =	simm.s32 $0x9;
	_ =	strace $0x8000004B  }
0x2b: {  	_ =	swait.ge [sflag:s29], $0x1  }
0x2c: {  	[sflag:s29] =	ssyncadd.s32 $0xFFFFFFFF  }
0x2d: {  	_ =	strace $0x9000004B  }
0x2e: {  	_ =	sfence  }
0x2f: {  	s30 =	sld [smem:$0x0];
	_ =	sdelay $0x2  }
0x30: {  	s31 =	sshll.u32 s1, $0xD;
	s1 =	sshrl.u32 s1, $0x2  }
0x31: {  	s3 =	sand.u32 $0x4000, s31;
	s1 =	sadd.s32 s1, s30  }
0x32: {  	s0 =	sor.u32 s3, s0;
	s1 =	sshll.u32 s1, $0x11  }
0x33: {  	s0 =	sor.u32 s1, s0  }
0x34: {  	s0 =	sadd.s32 $0x8F2B, s0  }
0x35: {  	[sflag:s0] =	ssyncadd.remote.s32 $0x1  }
0x36: {  	_ =	sfence.sel $0xFFFF  }
0x37: {  	[dreg:$0x0] =	wrdreg $0xFFFFFFFF;
	(pc) =	sbr.abs _section_cstart, $3  }
0x38: {  	[dreg:$0x1] =	wrdreg $0xFFFFFFFF  }
0x39: {  	_ =	task.clear_ibuf [dreg:s7], $0x2FFFF;
	_ =	strace $0x9FFFFFFF  }
0x3a: {  	(tm) =	ssettm $0x7FFFFFFF  }
0x3b: {  	_ =	shalt  }
tec
execute0_lowered:
.L_overlay_start_1:
0x0: {  	(tag) =	ssettag $0x1  }
0x1: {  	s0 =	srdreg.scid  }
0x2: {  	s1 =	sshll.u32 s0, $0x4  }
0x3: {  	s0 =	stileid.u32;
	s1 =	sand.u32 $0x10, s1  }
0x4: {  	s1 =	sor.u32 s0, s1  }
0x5: {  	s6 =	rddreg [dreg:$0x0];
	s4 =	simm.s32 $0x1;
	s2 =	sshll.u32 s1, $0x7  }
0x6: {  	s7 =	simm.s32 $0x2;
	s12 =	simm.s32 $0x0;
	s1 =	ssub.s32 $0x1000, s2  }
0x7: {  	s8 =	simm.s32 $0x8000;
	s13 =	simm.s32 $0x0;
	s3 =	sand.u32 $0xF80, s1  }
0x8: {  	s9 =	simm.s32 $0x0;
	s5 =	sshrl.u32 s1, $0xC;
	p0 =	sne.s32 s3, $0x0  }
.Ltmp0:
0x9: {  	s1 =	rddreg [dreg:$0x2];
	s4 =	simm.s32 @!p0 $0x0;
	(pc) =	sbr.rel .LBB1_1-.Ltmp0, $4  }
0xa: {  	s11 =	simm.s32 $0x0;
	s3 =	rddreg [dreg:$0x1];
	s5 =	sadd.s32 s4, s5  }
0xb: {  	_ =	strace $0x8000004A;
	s4 =	simm.s32 $0x1;
	s5 =	smul.u32 $0xC8, s5  }
0xc: {  	s6 =	sadd.s32 $0xA00, s6;
	s10 =	smov.u32 s2;
	[sflag:s4] =	ssyncpa.u1 $0x0  }
0xd: {  	p0 =	por $0x0, $0x0;
	[sflag:s7] =	ssyncpa.u1 $0x0;
	s7 =	sor.u32 $0x1, s5  }
.LBB1_4:
0xe: {  	s16 =	sshll.u32 s13, $0x3;
	s17 =	sand.u32 $0x78, s13  }
0xf: {  	s30 =	sand.u32 $0x7E00, s13;
	s12 =	sshll.u32 s12, $0xF;
	s16 =	sand.u32 $0xC00, s16  }
0x10: {  	[tilespmem:s15+$0x810 ss:$0x81] =	vst.msk $0xffff, v2;
	s31 =	sand.u32 $0x7, s13;
	s16 =	sor.u32 s17, s16;
	s17 =	sadd.s32 s3, s30  }
0x11: {  	[tilespmem:s15+$0x1020 ss:$0x81] =	vst.msk $0xffff, v0;
	s13 =	sshll.u32 s31, $0x12;
	s12 =	sadd.s32 s12, s17;
	s16 =	sshrl.u32 s16, $0x3  }
0x12: {  	[tilespmem:s15+$0x0 ss:$0x81] =	vst.msk $0xffff, v1;
	s13 =	sor.u32 $0x400, s13;
	s12 =	sadd.s32 s16, s12  }
0x13: {  	[hbm4b:s12+s13] =	stream.strided.scatter [tilespmem:s14], [sflag:$0x2], $0x2000, s8, s13, $0x20;
	[tilespmem:$0x8080] =	vst v63  }
.LBB1_5:
0x14: {  	s14 =	sadd.s32 $0x1, s9  }
0x15: {  	s12 =	sadd.s32 $0x1000, s10;
	s16 =	smov.u32 s10;
	p2 =	sgt.s32 s14, $0xC7  }
0x16: {  	s16 =	smov.u32 @p2 s12  }
0x17: {  	s14 =	simm.s32 @p2 $0x0;
	p2 =	sgt.s32 s16, $0xFFF  }
0x18: {  	s16 =	smov.u32 @p2 s2;
	p2 =	sne.s32 s11, s7  }
.Ltmp1:
0x19: {  	p1 =	slt.u32 s11, $0x2;
	(pc) =	sbr.rel @!p2 .LBB1_6-.Ltmp1, $4  }
0x1a: {  	s15 =	simm.s32 @!p1 $0x2  }
0x1b: {  	s13 =	smov.u32 s10;
	p0 =	por !p0, !p0;
	_ =	swait.ge @!p1 [sflag:s15], $0x2000  }
0x1c: {  	s12 =	smov.u32 s9;
	[sflag:s15] =	ssyncset.done @!p1 $0x0;
	s9 =	smov.u32 s14  }
0x1d: {  	s11 =	sadd.s32 $0x1, s11;
	[sflag:s15] =	ssyncadd.s32 @!p1 $0xFFFFE000;
	s10 =	smov.u32 s16  }
.LBB1_1:
0x1e: {  	p1 =	sge.u32 s11, s5  }
0x1f: {  	s14 =	sand.u32 @!p1 $0x1FFFFFF, s9  }
0x20: {  	s15 =	smulhi.u32 @!p1 $0x147AE15, s14;
	_ =	sdelay $0x1  }
0x21: {  	s15 =	smul.u32 @!p1 $0xC8, s15  }
0x22: {  	s16 =	sxor.u32 @!p1 $0xFFFFFFFF, s11;
	s17 =	smul.u32 @!p1 $0xC80, s10  }
0x23: {  	s31 =	sadd.s32 $0xFFFFFFFF, s11;
	s16 =	sshll.u32 @!p1 s16, $0xD;
	s14 =	ssub.s32 @!p1 s14, s15  }
0x24: {  	s15 =	sand.u32 @!p1 $0x2000, s16;
	s16 =	sadd.s32 @!p1 s6, s17;
	s14 =	sshll.u32 @!p1 s14, $0x4  }
0x25: {  	s17 =	simm.s32 @!p1 $0x6400;
	s14 =	sadd.s32 @!p1 s14, s16;
	s16 =	simm.s32 @!p1 $0x40  }
0x26: {  	[tilespmem:s15], [sflag:$0x1] =	stream.strided.gather @!p1 [hbm4b:s14+s16], $0x2000, s17, s16, $0x38;
	[tilespmem:$0x8080] =	vst v63  }
0x27: {  	p1 =	sge.u32 s31, s5  }
.Ltmp2:
0x28: {  	_ = 	snop;
	(pc) =	sbr.rel @p1 .LBB1_5-.Ltmp2, $1  }
0x29: {  	_ =	sdelay $0x3  }
0x2a: {  	s14 =	simm.s32 $0x1  }
0x2b: {  	_ =	swait.ge [sflag:s4], $0x2000;
	s14 =	simm.s32 @!p0 $0x0  }
0x2c: {  	[sflag:s4] =	ssyncset.done $0x0;
	s15 =	sshll.u32 s14, $0xD  }
0x2d: {  	[sflag:s4] =	ssyncadd.s32 $0xFFFFE000;
	s18 =	sor.u32 $0x20, s15  }
0x2e: {  	s14 =	smul.u32 $0x8100, s14;
	v3 =	vld [tilespmem:s18+$0x10]  }
0x2f: {  	s30 =	sand.u32 $0x1, s11;
	v2 =	vld [tilespmem:s18+$0xFFFFFFF0]  }
0x30: {  	s15 =	smul.u32 $0x8100, s30;
	s14 =	sshrl.u32 s14, $0x2;
	v0 =	vld [tilespmem:s18+$0x0]  }
0x31: {  	v1 =	vld [tilespmem:s18+$0xFFFFFFE0];
	s16 =	sor.u32 $0x4000, s14  }
0x32: {  	s31 =	sshrl.u32 s15, $0x2;
	s15 =	sadd.s32 $0x0, s16  }
0x33: {  	s17 =	simm.s32 $0x4;
	s18 =	sadd.s32 $0x40, s18;
	s14 =	sor.u32 $0x4000, s31;
	[tilespmem:s15+$0x1830 ss:$0x81] =	vst.msk $0xffff, v3  }
.LBB1_3:
0x34: {  	v3 =	vld [tilespmem:s18+$0x10];
	p1 =	sne.s32 s17, $0x1FC;
	[tilespmem:s15+$0x810 ss:$0x81] =	vst.msk $0xffff, v2;
	s19 =	smov.u32 s17;
	s17 =	sadd.s32 $0x4, s17  }
.Ltmp3:
0x35: {  	v2 =	vld [tilespmem:s18+$0xFFFFFFF0];
	[tilespmem:s15+$0x1020 ss:$0x81] =	vst.msk $0xffff, v0;
	(pc) =	sbr.rel @p1 .LBB1_3-.Ltmp3, $4  }
0x36: {  	v0 =	vld [tilespmem:s18+$0x0];
	[tilespmem:s15+$0x0 ss:$0x81] =	vst.msk $0xffff, v1  }
0x37: {  	s15 =	sshra.s32 s19, $0x2;
	v1 =	vld [tilespmem:s18+$0xFFFFFFE0]  }
0x38: {  	s15 =	sadd.s32 s15, s16  }
0x39: {  	s18 =	sadd.s32 $0x40, s18;
	[tilespmem:s15+$0x1830 ss:$0x81] =	vst.msk $0xffff, v3  }
.Ltmp4:
0x3a: {  	_ = 	snop;
	(pc) =	sbr.rel .LBB1_4-.Ltmp4, $1  }
0x3b: {  	_ =	sdelay $0x3  }
.LBB1_6:
0x3c: {  	_ =	sfence.sel $0x180000  }
0x3d: {  	s2 =	simm.s32 $0x1;
	[bflag:$0x0] =	sbarrier.arrive $0xFFFF  }
0x3e: {  	s31 =	simm.s32 $0x2;
	[sflag:s2] =	ssyncpa.u1 $0x1  }
0x3f: {  	[sflag:s31] =	ssyncpa.u1 $0x1  }
0x40: {  	p0 =	sne.s32 s0, $0x0;
	_ =	strace $0x9000004A  }
0x41: {  	s0 =	sadd.s32 @!p0 $0x100000, s1;
	[bflag:$0x2] =	sbarrier.arrive $0xFFFF  }
0x42: {  	[sflag:s0] =	ssyncadd.tile.s32 @!p0 $0x1;
	_ =	shalt  }
.Lfunc_end1:
_tile_overlayer_lowered:
.L_overlay_start_2:
0x43: {  	(tag) =	ssettag $0x2  }
0x44: {  	s0 =	rddreg [dreg:$0x0];
	s2 =	stileid.u32  }
0x45: {  	s1 =	rddreg [dreg:$0x1];
	p0 =	sne.s32 s2, $0x0  }
0x46: {  	s3 =	rddreg [dreg:$0x2];
	[bflag:$0x3] =	sbarrier.arrive $0xFFFF;
	s2 =	simm.s32 @!p0 $0x1C01  }
0x47: {  	[timem:s3], [sflag:s2] =	dma.local @!p0 [hbm:s0], s1  }
0x48: {  	s0 =	simm.s32 @!p0 $0x1  }
0x49: {  	_ =	swait.ge @!p0 [sflag:s0], s1  }
0x4a: {  	s1 =	ssub.s32 @!p0 $0x0, s1;
	[sflag:s0] =	ssyncset.done @!p0 $0x0  }
0x4b: {  	[sflag:s0] =	ssyncadd.s32 @!p0 s1  }
0x4c: {  	[bflag:$0x3] =	sbarrier.arrive $0xFFFF  }
0x4d: {  	_ =	shalt  }

</sc_bundles>
